<compile_context>
chip_gen: v7x
topology: tpu7x:2x2x1
jax: 0.10.2.dev20260603
libtpu: 0.0.44.dev20260713+nightly
codegen_flags: <defaults>
</compile_context>

<pallas_src>
import functools

import jax
import jax.numpy as jnp
from jax import lax
from jax.experimental import pallas as pl
from jax.experimental.pallas import tpu as pltpu
from jax.experimental.pallas import tpu_sc as plsc

N_NODES = 10000
ROWS = 10240
C = 128
NC = 2
NS = 16


def _tc_matmul_split(x, w, b):
    R, K = x.shape
    M = w.shape[1]
    RB = R // 8

    def body(x_ref, w_ref, b_ref, o_ref):
        r = (jnp.dot(x_ref[...], w_ref[...], preferred_element_type=jnp.float32)
             + b_ref[...])
        o_ref[0] = r[:, :64]
        o_ref[1] = r[:, 64:]

    return pl.pallas_call(
        body,
        grid=(8,),
        in_specs=[
            pl.BlockSpec((RB, K), lambda i: (i, 0)),
            pl.BlockSpec((K, M), lambda i: (0, 0)),
            pl.BlockSpec((1, M), lambda i: (0, 0)),
        ],
        out_specs=pl.BlockSpec((2, RB, 64), lambda i: (0, i, 0)),
        out_shape=jax.ShapeDtypeStruct((2, R, 64), jnp.float32),
    )(x, w, b.reshape(1, M))


def _tc_combine1(acc, bias1, rmat, w2, b2):
    RB = ROWS // 8

    def body(a_ref, b1_ref, r_ref, w2_ref, b2_ref, o_ref):
        msg = jnp.concatenate([a_ref[0, :, :64], a_ref[1, :, :64]], axis=1)
        den = jnp.concatenate([a_ref[0, :, 64:68], a_ref[1, :, 64:68]], axis=1)
        denx = jnp.dot(den, r_ref[...], preferred_element_type=jnp.float32) + 1e-16
        h = jnp.maximum(msg / denx + b1_ref[...], 0.0)
        o_ref[...] = (
            jnp.dot(h, w2_ref[...], preferred_element_type=jnp.float32) + b2_ref[...]
        )

    return pl.pallas_call(
        body,
        grid=(8,),
        in_specs=[
            pl.BlockSpec((2, RB, 80), lambda i: (0, i, 0)),
            pl.BlockSpec((1, 128), lambda i: (0, 0)),
            pl.BlockSpec((8, 128), lambda i: (0, 0)),
            pl.BlockSpec((128, 64), lambda i: (0, 0)),
            pl.BlockSpec((1, 64), lambda i: (0, 0)),
        ],
        out_specs=pl.BlockSpec((RB, 64), lambda i: (i, 0)),
        out_shape=jax.ShapeDtypeStruct((ROWS, 64), jnp.float32),
    )(acc, bias1.reshape(1, 128), rmat, w2, b2.reshape(1, 64))


def _tc_final(acc, bias2):
    RB = ROWS // 8

    def body(a_ref, b2_ref, o_ref):
        a = a_ref[0] + a_ref[1]
        msg = a[:, :64]
        den = a[:, 64:65]
        o = msg / (den + 1e-16) + b2_ref[...]
        m = jnp.max(o, axis=1, keepdims=True)
        ls = m + jnp.log(jnp.sum(jnp.exp(o - m), axis=1, keepdims=True))
        o_ref[...] = o - ls

    return pl.pallas_call(
        body,
        grid=(8,),
        in_specs=[
            pl.BlockSpec((2, RB, 80), lambda i: (0, i, 0)),
            pl.BlockSpec((1, 64), lambda i: (0, 0)),
        ],
        out_specs=pl.BlockSpec((RB, 64), lambda i: (i, 0)),
        out_shape=jax.ShapeDtypeStruct((ROWS, 64), jnp.float32),
    )(acc, bias2.reshape(1, 64))


def _sc_edge_pass(heads, grp, e_pad, head_split):
    CH = heads * grp * 16
    W = CH + 16
    n_workers = NS if head_split else NC * NS
    EPT = e_pad // n_workers
    NCHUNK = EPT // C
    RPT = ROWS // NS
    mesh = plsc.VectorSubcoreMesh(core_axis_name="c", subcore_axis_name="s")

    @functools.partial(
        pl.kernel,
        out_type=jax.ShapeDtypeStruct((NC, ROWS, W), jnp.float32),
        mesh=mesh,
        compiler_params=pltpu.CompilerParams(
            use_tc_tiling_on_sc=False, needs_layout_passes=False),
        scratch_types=[
            pltpu.VMEM((C,), jnp.int32),
            pltpu.VMEM((3, C), jnp.int32),
            pltpu.VMEM((2, C + 16), jnp.float32),
            pltpu.VMEM((2, C, CH), jnp.float32),
            pltpu.VMEM((2, C, CH), jnp.float32),
            pltpu.VMEM((2, C, W), jnp.float32),
            pltpu.VMEM((heads * grp, 16), jnp.float32),
            pltpu.VMEM((heads * grp, 16), jnp.float32),
            pltpu.VMEM_SHARED((ROWS, W), jnp.float32),
            pltpu.SemaphoreType.DMA,
            pltpu.SemaphoreType.DMA,
            pltpu.SemaphoreType.DMA,
            pltpu.SemaphoreType.DMA,
        ],
    )
    def k(src_hbm, dst_hbm, ea_hbm, xl_hbm, att_hbm, we_hbm, init_hbm, out_hbm,
          src_v, dst_v, ea_v, xs_v, xd_v, msg_v, att_v, we_v, acc_sh,
          sem1, sem2, sem3, sem4):
        cid = lax.axis_index("c")
        sid = lax.axis_index("s")
        if head_split:
            wid = sid
            tbl = xl_hbm.at[cid]
            pltpu.sync_copy(att_hbm.at[cid], att_v)
            pltpu.sync_copy(we_hbm.at[cid], we_v)
        else:
            wid = cid * NS + sid
            tbl = xl_hbm
            pltpu.sync_copy(att_hbm, att_v)
            pltpu.sync_copy(we_hbm, we_v)
        pltpu.sync_copy(init_hbm.at[pl.ds(sid * RPT, RPT)],
                        acc_sh.at[pl.ds(sid * RPT, RPT)])
        lane = lax.iota(jnp.int32, 16)
        att_vals = [att_v[i, :] for i in range(heads * grp)]
        we_vals = [we_v[i, :] for i in range(heads * grp)]
        plsc.subcore_barrier()
        base_w = wid * EPT

        def chunk_body(kk, carry):
            q = kk % 2
            p = 1 - q
            r3 = lax.rem(kk, 3)
            r3p = lax.rem(kk + 2, 3)
            cps = []

            @pl.when(jnp.logical_and(kk >= 3, p == 0))
            def _wait_scatter0():
                pltpu.make_async_copy(
                    msg_v.at[0], acc_sh.at[dst_v.at[r3]], sem3).wait()

            @pl.when(jnp.logical_and(kk >= 3, p == 1))
            def _wait_scatter1():
                pltpu.make_async_copy(
                    msg_v.at[1], acc_sh.at[dst_v.at[r3]], sem4).wait()

            @pl.when(kk < NCHUNK)
            def _issue():
                base = base_w + kk * C
                pltpu.sync_copy(src_hbm.at[pl.ds(base, C)], src_v)
                pltpu.sync_copy(dst_hbm.at[pl.ds(base, C)], dst_v.at[r3])
                pltpu.sync_copy(ea_hbm.at[pl.ds(base, C)],
                                ea_v.at[q, pl.ds(0, C)])
                cps.append(pltpu.async_copy(tbl.at[src_v], xs_v.at[q], sem1))
                cps.append(pltpu.async_copy(tbl.at[dst_v.at[r3]], xd_v.at[q], sem2))

            @pl.when(kk > 0)
            def _compute():
                @plsc.parallel_loop(0, C, step=1, unroll=4)
                def edge_body(e):
                    ea_s = ea_v[p, pl.ds(e, 16)][0]
                    den = jnp.zeros((16,), jnp.float32)
                    for h in range(heads):
                        t = jnp.zeros((16,), jnp.float32)
                        xsl = []
                        for g in range(grp):
                            j = (h * grp + g) * 16
                            xs = xs_v[p, e, pl.ds(j, 16)]
                            xd = xd_v[p, e, pl.ds(j, 16)]
                            m = xs + xd + ea_s * we_vals[h * grp + g]
                            m = jnp.maximum(m, 0.2 * m)
                            t = t + m * att_vals[h * grp + g]
                            xsl.append(xs)
                        pv = jnp.exp(
                            jnp.full((16,), plsc.cumsum(t)[15], jnp.float32))
                        for g in range(grp):
                            msg_v[p, e, pl.ds((h * grp + g) * 16, 16)] = xsl[g] * pv
                        den = den + jnp.where(lane == h, pv, 0.0)
                    msg_v[p, e, pl.ds(CH, 16)] = den

                @pl.when(p == 0)
                def _scatter0():
                    pltpu.async_copy(
                        msg_v.at[0], acc_sh.at[dst_v.at[r3p]], sem3, add=True)

                @pl.when(p == 1)
                def _scatter1():
                    pltpu.async_copy(
                        msg_v.at[1], acc_sh.at[dst_v.at[r3p]], sem4, add=True)

            @pl.when(kk < NCHUNK)
            def _drain():
                for cp in cps:
                    cp.wait()

            return carry

        lax.fori_loop(0, NCHUNK + 1, chunk_body, 0)
        for chunk in (NCHUNK - 2, NCHUNK - 1):
            pltpu.make_async_copy(
                msg_v.at[chunk % 2],
                acc_sh.at[dst_v.at[chunk % 3]],
                sem3 if chunk % 2 == 0 else sem4).wait()
        plsc.subcore_barrier()
        pltpu.sync_copy(acc_sh.at[pl.ds(sid * RPT, RPT)],
                        out_hbm.at[cid, pl.ds(sid * RPT, RPT)])

    return k


def kernel(x, edge_index, distance_std, W1, b1, att1, We1, bias1,
           W2, b2, att2, We2, bias2):
    N = x.shape[0]
    E = edge_index.shape[1]
    loop = jnp.arange(N, dtype=jnp.int32)
    src = jnp.concatenate([edge_index[0].astype(jnp.int32), loop])
    dst = jnp.concatenate([edge_index[1].astype(jnp.int32), loop])
    ea = jnp.concatenate(
        [distance_std[:, 0], jnp.full((N,), 1.0, jnp.float32)])
    etot = E + N
    e_pad = -(-etot // (NC * NS * C)) * (NC * NS * C)
    pad = e_pad - etot
    src = jnp.pad(src, (0, pad), constant_values=N)
    dst = jnp.pad(dst, (0, pad), constant_values=N)
    ea = jnp.pad(ea, (0, pad))
    xpad = jnp.pad(x, ((0, ROWS - N), (0, 0)))

    xl1 = _tc_matmul_split(xpad, W1, b1)
    init = jnp.zeros((ROWS, 80), jnp.float32)
    acc1 = _sc_edge_pass(4, 1, e_pad, True)(
        src, dst, ea, xl1, att1.reshape(2, 4, 16), We1.reshape(2, 4, 16), init)

    rmat = jnp.repeat(jnp.eye(8, dtype=jnp.float32), 16, axis=1)
    xl2 = _tc_combine1(acc1, bias1, rmat, W2, b2)

    acc2 = _sc_edge_pass(1, 4, e_pad, False)(
        src, dst, ea, xl2, att2.reshape(4, 16), We2.reshape(4, 16), init)

    out = _tc_final(acc2, bias2)
    return out[:N]

# --- scband reference (transcript-rebuilt; emitter-appended) ---
"""Pipeline reference for scband-gat-82240033784455 (READ-ONLY COPY).

The authoritative reference and input builder live on the scoring server;
editing this copy changes nothing except your own understanding.
"""

import jax, jax.numpy as jnp
import numpy as np

N_NODES = 10000
N_EDGES = 320000
D_IN = 128
HIDDEN = 128
HEADS = 8
OUT = 64
FILL_VALUE = 1.0


def setup_inputs(seed: int = 0) -> dict:
    key = jax.random.key(seed)
    ks = jax.random.split(key, 16)
    x = jax.random.normal(ks[0], (N_NODES, D_IN), dtype=jnp.float32)
    edge_index = jax.random.randint(ks[1], (2, N_EDGES), 0, N_NODES, dtype=jnp.int64)
    distance_std = jax.random.uniform(ks[2], (N_EDGES, 1), dtype=jnp.float32)
    s1 = 1.0 / np.sqrt(D_IN)
    s2 = 1.0 / np.sqrt(HIDDEN)
    # Layer 1: GATv2Conv(128 -> 16 per head, heads=8, edge_dim=1, share_weights=True)
    W1 = jax.random.normal(ks[3], (D_IN, HEADS * (HIDDEN // HEADS)), dtype=jnp.float32) * s1
    b1 = jnp.zeros((HEADS * (HIDDEN // HEADS),), dtype=jnp.float32)
    att1 = jax.random.normal(ks[4], (HEADS, HIDDEN // HEADS), dtype=jnp.float32) * s2
    We1 = jax.random.normal(ks[5], (1, HEADS * (HIDDEN // HEADS)), dtype=jnp.float32)
    bias1 = jnp.zeros((HIDDEN,), dtype=jnp.float32)
    # Layer 2: GATv2Conv(128 -> 64, heads=1, edge_dim=1, share_weights=True)
    W2 = jax.random.normal(ks[6], (HIDDEN, OUT), dtype=jnp.float32) * s2
    b2 = jnp.zeros((OUT,), dtype=jnp.float32)
    att2 = jax.random.normal(ks[7], (1, OUT), dtype=jnp.float32) * (1.0 / np.sqrt(OUT))
    We2 = jax.random.normal(ks[8], (1, OUT), dtype=jnp.float32)
    bias2 = jnp.zeros((OUT,), dtype=jnp.float32)
    return {"x": x, "edge_index": edge_index, "distance_std": distance_std,
            "W1": W1, "b1": b1, "att1": att1, "We1": We1, "bias1": bias1,
            "W2": W2, "b2": b2, "att2": att2, "We2": We2, "bias2": bias2}


def _gatv2_layer(x, src, dst, ea, W, b, att, We, bias, heads, out_ch):
    N = x.shape[0]
    xl = (x @ W + b).reshape(N, heads, out_ch)  # share_weights: lin_l == lin_r
    e = (ea @ We).reshape(-1, heads, out_ch)    # lin_edge(edge_attr)
    m = jnp.take(xl, dst, axis=0) + jnp.take(xl, src, axis=0) + e
    m = jax.nn.leaky_relu(m, negative_slope=0.2)
    alpha = jnp.sum(m * att[None, :, :], axis=-1)  # [E, heads]
    amax = jax.ops.segment_max(alpha, dst, num_segments=N)
    amax = jax.lax.stop_gradient(amax)
    alpha = jnp.exp(alpha - jnp.take(amax, dst, axis=0))
    denom = jax.ops.segment_sum(alpha, dst, num_segments=N)
    alpha = alpha / (jnp.take(denom, dst, axis=0) + 1e-16)
    msg = jnp.take(xl, src, axis=0) * alpha[:, :, None]
    out = jax.ops.segment_sum(msg, dst, num_segments=N)
    return out.reshape(N, heads * out_ch) + bias


def reference(x, edge_index, distance_std, W1, b1, att1, We1, bias1, W2, b2, att2, We2, bias2):
    N = x.shape[0]
    loop = jnp.arange(N, dtype=edge_index.dtype)
    src = jnp.concatenate([edge_index[0], loop])
    dst = jnp.concatenate([edge_index[1], loop])
    ea = jnp.concatenate([distance_std, jnp.full((N, 1), FILL_VALUE, dtype=distance_std.dtype)], axis=0)
    h = _gatv2_layer(x, src, dst, ea, W1, b1, att1, We1, bias1, HEADS, HIDDEN // HEADS)
    h = jax.nn.relu(h)  # dropout rate 0 / eval mode
    h = _gatv2_layer(h, src, dst, ea, W2, b2, att2, We2, bias2, 1, OUT)
    return jax.nn.log_softmax(h, axis=1)

if __name__ == "__main__":
    import jax
    _d = setup_inputs()
    print(jax.jit(kernel)(*tuple(_d.values())))

</pallas_src>

<mosaic_0001>
#map = affine_map<(d0, d1) -> (0)>
#map1 = affine_map<(d0, d1) -> (0, 0, 0)>
#map2 = affine_map<(d0, d1) -> (0, 0)>
module attributes {stable_mosaic.version = 14 : i64} {
  func.func @k(%arg0: i32, %arg1: i32, %arg2: memref<331776xi32, #tpu.memory_space<hbm>>, %arg3: memref<331776xi32, #tpu.memory_space<hbm>>, %arg4: memref<331776xf32, #tpu.memory_space<hbm>>, %arg5: memref<2x10240x64xf32, #tpu.memory_space<hbm>>, %arg6: memref<2x4x16xf32, #tpu.memory_space<hbm>>, %arg7: memref<2x4x16xf32, #tpu.memory_space<hbm>>, %arg8: memref<10240x80xf32, #tpu.memory_space<hbm>>, %arg9: memref<2x10240x80xf32, #tpu.memory_space<hbm>>, %arg10: memref<128xi32, #tpu.memory_space<vmem>>, %arg11: memref<3x128xi32, #tpu.memory_space<vmem>>, %arg12: memref<2x144xf32, #tpu.memory_space<vmem>>, %arg13: memref<2x128x64xf32, #tpu.memory_space<vmem>>, %arg14: memref<2x128x64xf32, #tpu.memory_space<vmem>>, %arg15: memref<2x128x80xf32, #tpu.memory_space<vmem>>, %arg16: memref<4x16xf32, #tpu.memory_space<vmem>>, %arg17: memref<4x16xf32, #tpu.memory_space<vmem>>, %arg18: memref<10240x80xf32, #tpu.memory_space<vmem_shared>>, %arg19: memref<!tpu.dma_semaphore, #tpu.memory_space<semaphore_mem>>, %arg20: memref<!tpu.dma_semaphore, #tpu.memory_space<semaphore_mem>>, %arg21: memref<!tpu.dma_semaphore, #tpu.memory_space<semaphore_mem>>, %arg22: memref<!tpu.dma_semaphore, #tpu.memory_space<semaphore_mem>>) attributes {dimension_semantics = [#tpu.dimension_semantics<core_parallel>, #tpu.dimension_semantics<subcore_parallel>], iteration_bounds = array<i64: 2, 16>, scalar_prefetch = 0 : i64, scratch_operands = 13 : i64, tpu.core_type = #tpu.core_type<sc_vector_subcore>, window_params = [{transform_indices = #map}, {transform_indices = #map}, {transform_indices = #map}, {transform_indices = #map1}, {transform_indices = #map1}, {transform_indices = #map1}, {transform_indices = #map2}, {transform_indices = #map1}]} {
    "tpu.region"() ({
      %run_scoped3A = tpu.sem_alloc : memref<!tpu.dma_semaphore, #tpu.memory_space<semaphore_mem>>
      %dma_start3A = arith.constant 0 : i32
      %dma_start3A_69 = arith.constant 0 : i32
      %dma_start3A_70 = tpu.memref_slice %arg6[%arg0, %dma_start3A, %dma_start3A_69] : memref<2x4x16xf32, #tpu.memory_space<hbm>> -> memref<1x4x16xf32, #tpu.memory_space<hbm>>
      %dma_start3A_71 = tpu.memref_squeeze %dma_start3A_70 : memref<1x4x16xf32, #tpu.memory_space<hbm>> -> memref<4x16xf32, #tpu.memory_space<hbm>>
      %dma_start3A_72 = arith.constant 0 : i32
      %dma_start3A_73 = arith.constant 0 : i32
      %dma_start3A_74 = tpu.memref_slice %arg6[%arg0, %dma_start3A_72, %dma_start3A_73] : memref<2x4x16xf32, #tpu.memory_space<hbm>> -> memref<1x4x16xf32, #tpu.memory_space<hbm>>
      %dma_start3A_75 = tpu.memref_squeeze %dma_start3A_74 : memref<1x4x16xf32, #tpu.memory_space<hbm>> -> memref<4x16xf32, #tpu.memory_space<hbm>>
      tpu.enqueue_dma source(%dma_start3A_75 : memref<4x16xf32, #tpu.memory_space<hbm>>) target(%arg16 : memref<4x16xf32, #tpu.memory_space<vmem>>) target_semaphore(%run_scoped3A : memref<!tpu.dma_semaphore, #tpu.memory_space<semaphore_mem>>)
      %dma_wait3A_76 = arith.constant 0 : i32
      %dma_wait3A_77 = arith.constant 0 : i32
      %dma_wait3A_78 = tpu.memref_slice %arg6[%arg0, %dma_wait3A_76, %dma_wait3A_77] : memref<2x4x16xf32, #tpu.memory_space<hbm>> -> memref<1x4x16xf32, #tpu.memory_space<hbm>>
      %dma_wait3A_79 = tpu.memref_squeeze %dma_wait3A_78 : memref<1x4x16xf32, #tpu.memory_space<hbm>> -> memref<4x16xf32, #tpu.memory_space<hbm>>
      %dma_wait3A_80 = arith.constant 0 : i32
      %dma_wait3A_81 = arith.constant 0 : i32
      %dma_wait3A_82 = tpu.memref_slice %arg6[%arg0, %dma_wait3A_80, %dma_wait3A_81] : memref<2x4x16xf32, #tpu.memory_space<hbm>> -> memref<1x4x16xf32, #tpu.memory_space<hbm>>
      %dma_wait3A_83 = tpu.memref_squeeze %dma_wait3A_82 : memref<1x4x16xf32, #tpu.memory_space<hbm>> -> memref<4x16xf32, #tpu.memory_space<hbm>>
      tpu.wait_dma2 semaphore(%run_scoped3A : memref<!tpu.dma_semaphore, #tpu.memory_space<semaphore_mem>>) src(%dma_wait3A_83 : memref<4x16xf32, #tpu.memory_space<hbm>>) dst(%arg16 : memref<4x16xf32, #tpu.memory_space<vmem>>)
      tpu.yield
    }) : () -> ()
    "tpu.region"() ({
      %run_scoped3A = tpu.sem_alloc : memref<!tpu.dma_semaphore, #tpu.memory_space<semaphore_mem>>
      %dma_start3A = arith.constant 0 : i32
      %dma_start3A_69 = arith.constant 0 : i32
      %dma_start3A_70 = tpu.memref_slice %arg7[%arg0, %dma_start3A, %dma_start3A_69] : memref<2x4x16xf32, #tpu.memory_space<hbm>> -> memref<1x4x16xf32, #tpu.memory_space<hbm>>
      %dma_start3A_71 = tpu.memref_squeeze %dma_start3A_70 : memref<1x4x16xf32, #tpu.memory_space<hbm>> -> memref<4x16xf32, #tpu.memory_space<hbm>>
      %dma_start3A_72 = arith.constant 0 : i32
      %dma_start3A_73 = arith.constant 0 : i32
      %dma_start3A_74 = tpu.memref_slice %arg7[%arg0, %dma_start3A_72, %dma_start3A_73] : memref<2x4x16xf32, #tpu.memory_space<hbm>> -> memref<1x4x16xf32, #tpu.memory_space<hbm>>
      %dma_start3A_75 = tpu.memref_squeeze %dma_start3A_74 : memref<1x4x16xf32, #tpu.memory_space<hbm>> -> memref<4x16xf32, #tpu.memory_space<hbm>>
      tpu.enqueue_dma source(%dma_start3A_75 : memref<4x16xf32, #tpu.memory_space<hbm>>) target(%arg17 : memref<4x16xf32, #tpu.memory_space<vmem>>) target_semaphore(%run_scoped3A : memref<!tpu.dma_semaphore, #tpu.memory_space<semaphore_mem>>)
      %dma_wait3A_76 = arith.constant 0 : i32
      %dma_wait3A_77 = arith.constant 0 : i32
      %dma_wait3A_78 = tpu.memref_slice %arg7[%arg0, %dma_wait3A_76, %dma_wait3A_77] : memref<2x4x16xf32, #tpu.memory_space<hbm>> -> memref<1x4x16xf32, #tpu.memory_space<hbm>>
      %dma_wait3A_79 = tpu.memref_squeeze %dma_wait3A_78 : memref<1x4x16xf32, #tpu.memory_space<hbm>> -> memref<4x16xf32, #tpu.memory_space<hbm>>
      %dma_wait3A_80 = arith.constant 0 : i32
      %dma_wait3A_81 = arith.constant 0 : i32
      %dma_wait3A_82 = tpu.memref_slice %arg7[%arg0, %dma_wait3A_80, %dma_wait3A_81] : memref<2x4x16xf32, #tpu.memory_space<hbm>> -> memref<1x4x16xf32, #tpu.memory_space<hbm>>
      %dma_wait3A_83 = tpu.memref_squeeze %dma_wait3A_82 : memref<1x4x16xf32, #tpu.memory_space<hbm>> -> memref<4x16xf32, #tpu.memory_space<hbm>>
      tpu.wait_dma2 semaphore(%run_scoped3A : memref<!tpu.dma_semaphore, #tpu.memory_space<semaphore_mem>>) src(%dma_wait3A_83 : memref<4x16xf32, #tpu.memory_space<hbm>>) dst(%arg17 : memref<4x16xf32, #tpu.memory_space<vmem>>)
      tpu.yield
    }) : () -> ()
    %mul3A = arith.constant 640 : i32
    %mul3A_0 = arith.muli %arg1, %mul3A : i32
    %mul3A_1 = arith.constant 640 : i32
    %mul3A_2 = arith.muli %arg1, %mul3A_1 : i32
    "tpu.region"() ({
      %run_scoped3A = tpu.sem_alloc : memref<!tpu.dma_semaphore, #tpu.memory_space<semaphore_mem>>
      %dma_start3A = arith.constant 0 : i32
      %dma_start3A_69 = tpu.memref_slice %arg18[%mul3A_2, %dma_start3A] : memref<10240x80xf32, #tpu.memory_space<vmem_shared>> -> memref<640x80xf32, #tpu.memory_space<vmem_shared>>
      %dma_start3A_70 = arith.constant 0 : i32
      %dma_start3A_71 = tpu.memref_slice %arg8[%mul3A_0, %dma_start3A_70] : memref<10240x80xf32, #tpu.memory_space<hbm>> -> memref<640x80xf32, #tpu.memory_space<hbm>>
      tpu.enqueue_dma source(%dma_start3A_71 : memref<640x80xf32, #tpu.memory_space<hbm>>) target(%dma_start3A_69 : memref<640x80xf32, #tpu.memory_space<vmem_shared>>) target_semaphore(%run_scoped3A : memref<!tpu.dma_semaphore, #tpu.memory_space<semaphore_mem>>)
      %dma_wait3A_72 = arith.constant 0 : i32
      %dma_wait3A_73 = tpu.memref_slice %arg18[%mul3A_2, %dma_wait3A_72] : memref<10240x80xf32, #tpu.memory_space<vmem_shared>> -> memref<640x80xf32, #tpu.memory_space<vmem_shared>>
      %dma_wait3A_74 = arith.constant 0 : i32
      %dma_wait3A_75 = tpu.memref_slice %arg8[%mul3A_0, %dma_wait3A_74] : memref<10240x80xf32, #tpu.memory_space<hbm>> -> memref<640x80xf32, #tpu.memory_space<hbm>>
      tpu.wait_dma2 semaphore(%run_scoped3A : memref<!tpu.dma_semaphore, #tpu.memory_space<semaphore_mem>>) src(%dma_wait3A_75 : memref<640x80xf32, #tpu.memory_space<hbm>>) dst(%dma_wait3A_73 : memref<640x80xf32, #tpu.memory_space<vmem_shared>>)
      tpu.yield
    }) : () -> ()
    %iota3A = tpu.iota {dimensions = array<i32: 0>} : vector<16xi32>
    %get3A = arith.constant 0 : i32
    %get3A_3 = arith.index_cast %get3A : i32 to index
    %get3A_4 = arith.constant 0 : index
    %get3A_5 = tpu.vector_load %arg16[%get3A_3, %get3A_4] {strides = array<i32>} : memref<4x16xf32, #tpu.memory_space<vmem>>, vector<16xf32>,
    %get3A_6 = arith.constant 1 : i32
    %get3A_7 = arith.index_cast %get3A_6 : i32 to index
    %get3A_8 = arith.constant 0 : index
    %get3A_9 = tpu.vector_load %arg16[%get3A_7, %get3A_8] {strides = array<i32>} : memref<4x16xf32, #tpu.memory_space<vmem>>, vector<16xf32>,
    %get3A_10 = arith.constant 2 : i32
    %get3A_11 = arith.index_cast %get3A_10 : i32 to index
    %get3A_12 = arith.constant 0 : index
    %get3A_13 = tpu.vector_load %arg16[%get3A_11, %get3A_12] {strides = array<i32>} : memref<4x16xf32, #tpu.memory_space<vmem>>, vector<16xf32>,
    %get3A_14 = arith.constant 3 : i32
    %get3A_15 = arith.index_cast %get3A_14 : i32 to index
    %get3A_16 = arith.constant 0 : index
    %get3A_17 = tpu.vector_load %arg16[%get3A_15, %get3A_16] {strides = array<i32>} : memref<4x16xf32, #tpu.memory_space<vmem>>, vector<16xf32>,
    %get3A_18 = arith.constant 0 : i32
    %get3A_19 = arith.index_cast %get3A_18 : i32 to index
    %get3A_20 = arith.constant 0 : index
    %get3A_21 = tpu.vector_load %arg17[%get3A_19, %get3A_20] {strides = array<i32>} : memref<4x16xf32, #tpu.memory_space<vmem>>, vector<16xf32>,
    %get3A_22 = arith.constant 1 : i32
    %get3A_23 = arith.index_cast %get3A_22 : i32 to index
    %get3A_24 = arith.constant 0 : index
    %get3A_25 = tpu.vector_load %arg17[%get3A_23, %get3A_24] {strides = array<i32>} : memref<4x16xf32, #tpu.memory_space<vmem>>, vector<16xf32>,
    %get3A_26 = arith.constant 2 : i32
    %get3A_27 = arith.index_cast %get3A_26 : i32 to index
    %get3A_28 = arith.constant 0 : index
    %get3A_29 = tpu.vector_load %arg17[%get3A_27, %get3A_28] {strides = array<i32>} : memref<4x16xf32, #tpu.memory_space<vmem>>, vector<16xf32>,
    %get3A_30 = arith.constant 3 : i32
    %get3A_31 = arith.index_cast %get3A_30 : i32 to index
    %get3A_32 = arith.constant 0 : index
    %get3A_33 = tpu.vector_load %arg17[%get3A_31, %get3A_32] {strides = array<i32>} : memref<4x16xf32, #tpu.memory_space<vmem>>, vector<16xf32>,
    %barrier3A = arith.constant 0 : index
    tpu.barrier barrier_id(%barrier3A)
    %mul3A_34 = arith.constant 20736 : i32
    %mul3A_35 = arith.muli %arg1, %mul3A_34 : i32
    %scan3A = arith.constant 0 : i32
    %scan3A_36 = arith.constant 0 : i32
    %scan3A_37 = arith.constant 163 : i32
    %scan3A_38 = arith.addi %scan3A_36, %scan3A_37 : i32
    %scan3A_39 = arith.constant 1 : i32
    scf.for %scan3A_69 = %scan3A_36 to %scan3A_38 step %scan3A_39  : i32 {
      %jit3A = arith.constant 2 : i32
      %eq3A = arith.constant 0 : i32
      %eq3A_70 = arith.cmpi eq, %jit3A, %eq3A : i32
      %jit3A_71 = arith.constant 1 : i32
      %select_n3A = arith.select %eq3A_70, %jit3A_71, %jit3A : i32
      %rem3A = arith.remsi %scan3A_69, %select_n3A : i32
      %ne3A = arith.constant 0 : i32
      %ne3A_72 = arith.cmpi ne, %rem3A, %ne3A : i32
      %lt3A = arith.constant 0 : i32
      %lt3A_73 = arith.cmpi slt, %rem3A, %lt3A : i32
      %lt3A_74 = arith.constant 0 : i32
      %lt3A_75 = arith.cmpi slt, %select_n3A, %lt3A_74 : i32
      %ne3A_76 = arith.xori %lt3A_73, %lt3A_75 : i1
      %and3A = arith.andi %ne3A_76, %ne3A_72 : i1
      %add3A = arith.addi %rem3A, %select_n3A : i32
      %select_n3A_77 = arith.select %and3A, %add3A, %rem3A : i32
      %sub3A = arith.constant 1 : i32
      %sub3A_78 = arith.subi %sub3A, %select_n3A_77 : i32
      %rem3A_79 = arith.constant 3 : i32
      %rem3A_80 = arith.remsi %scan3A_69, %rem3A_79 : i32
      %add3A_81 = arith.constant 2 : i32
      %add3A_82 = arith.addi %scan3A_69, %add3A_81 : i32
      %rem3A_83 = arith.constant 3 : i32
      %rem3A_84 = arith.remsi %add3A_82, %rem3A_83 : i32
      %ge3A = arith.constant 3 : i32
      %ge3A_85 = arith.cmpi sge, %scan3A_69, %ge3A : i32
      %eq3A_86 = arith.constant 0 : i32
      %eq3A_87 = arith.cmpi eq, %sub3A_78, %eq3A_86 : i32
      %and3A_88 = arith.andi %ge3A_85, %eq3A_87 : i1
      %convert_element_type3A = arith.extui %and3A_88 : i1 to i32
      %cond3A = arith.constant 0 : i32
      %cond3A_89 = arith.cmpi ne, %convert_element_type3A, %cond3A : i32
      scf.if %cond3A_89 {
        %dma_wait3A_112 = arith.constant 0 : i32
        %dma_wait3A_113 = arith.constant 0 : i32
        %dma_wait3A_114 = arith.constant 0 : i32
        %dma_wait3A_115 = tpu.memref_slice %arg15[%dma_wait3A_112, %dma_wait3A_113, %dma_wait3A_114] : memref<2x128x80xf32, #tpu.memory_space<vmem>> -> memref<1x128x80xf32, #tpu.memory_space<vmem>>
        %dma_wait3A_116 = tpu.memref_squeeze %dma_wait3A_115 : memref<1x128x80xf32, #tpu.memory_space<vmem>> -> memref<128x80xf32, #tpu.memory_space<vmem>>
        %dma_wait3A_117 = arith.constant 0 : i32
        %dma_wait3A_118 = tpu.memref_slice %arg11[%rem3A_80, %dma_wait3A_117] : memref<3x128xi32, #tpu.memory_space<vmem>> -> memref<1x128xi32, #tpu.memory_space<vmem>>
        %dma_wait3A_119 = tpu.memref_squeeze %dma_wait3A_118 : memref<1x128xi32, #tpu.memory_space<vmem>> -> memref<128xi32, #tpu.memory_space<vmem>>
        %dma_wait3A_120 = arith.constant 0 : i32
        %dma_wait3A_121 = arith.constant 0 : i32
        %dma_wait3A_122 = tpu.memref_slice %arg18[%dma_wait3A_120, %dma_wait3A_121] : memref<10240x80xf32, #tpu.memory_space<vmem_shared>> -> memref<10240x80xf32, #tpu.memory_space<vmem_shared>>
        tpu.wait_indirect_dma semaphore(%arg21 : memref<!tpu.dma_semaphore, #tpu.memory_space<semaphore_mem>>) src(%dma_wait3A_116 : memref<128x80xf32, #tpu.memory_space<vmem>>) dst(%dma_wait3A_122 : memref<10240x80xf32, #tpu.memory_space<vmem_shared>>)
      } else {
      }
      %ge3A_90 = arith.constant 3 : i32
      %ge3A_91 = arith.cmpi sge, %scan3A_69, %ge3A_90 : i32
      %eq3A_92 = arith.constant 1 : i32
      %eq3A_93 = arith.cmpi eq, %sub3A_78, %eq3A_92 : i32
      %and3A_94 = arith.andi %ge3A_91, %eq3A_93 : i1
      %convert_element_type3A_95 = arith.extui %and3A_94 : i1 to i32
      %cond3A_96 = arith.constant 0 : i32
      %cond3A_97 = arith.cmpi ne, %convert_element_type3A_95, %cond3A_96 : i32
      scf.if %cond3A_97 {
        %dma_wait3A_112 = arith.constant 1 : i32
        %dma_wait3A_113 = arith.constant 0 : i32
        %dma_wait3A_114 = arith.constant 0 : i32
        %dma_wait3A_115 = tpu.memref_slice %arg15[%dma_wait3A_112, %dma_wait3A_113, %dma_wait3A_114] : memref<2x128x80xf32, #tpu.memory_space<vmem>> -> memref<1x128x80xf32, #tpu.memory_space<vmem>>
        %dma_wait3A_116 = tpu.memref_squeeze %dma_wait3A_115 : memref<1x128x80xf32, #tpu.memory_space<vmem>> -> memref<128x80xf32, #tpu.memory_space<vmem>>
        %dma_wait3A_117 = arith.constant 0 : i32
        %dma_wait3A_118 = tpu.memref_slice %arg11[%rem3A_80, %dma_wait3A_117] : memref<3x128xi32, #tpu.memory_space<vmem>> -> memref<1x128xi32, #tpu.memory_space<vmem>>
        %dma_wait3A_119 = tpu.memref_squeeze %dma_wait3A_118 : memref<1x128xi32, #tpu.memory_space<vmem>> -> memref<128xi32, #tpu.memory_space<vmem>>
        %dma_wait3A_120 = arith.constant 0 : i32
        %dma_wait3A_121 = arith.constant 0 : i32
        %dma_wait3A_122 = tpu.memref_slice %arg18[%dma_wait3A_120, %dma_wait3A_121] : memref<10240x80xf32, #tpu.memory_space<vmem_shared>> -> memref<10240x80xf32, #tpu.memory_space<vmem_shared>>
        tpu.wait_indirect_dma semaphore(%arg22 : memref<!tpu.dma_semaphore, #tpu.memory_space<semaphore_mem>>) src(%dma_wait3A_116 : memref<128x80xf32, #tpu.memory_space<vmem>>) dst(%dma_wait3A_122 : memref<10240x80xf32, #tpu.memory_space<vmem_shared>>)
      } else {
      }
      %lt3A_98 = arith.constant 162 : i32
      %lt3A_99 = arith.cmpi slt, %scan3A_69, %lt3A_98 : i32
      %convert_element_type3A_100 = arith.extui %lt3A_99 : i1 to i32
      %cond3A_101 = arith.constant 0 : i32
      %cond3A_102 = arith.cmpi ne, %convert_element_type3A_100, %cond3A_101 : i32
      scf.if %cond3A_102 {
        %mul3A_112 = arith.constant 128 : i32
        %mul3A_113 = arith.muli %scan3A_69, %mul3A_112 : i32
        %add3A_114 = arith.addi %mul3A_35, %mul3A_113 : i32
        "tpu.region"() ({
          %run_scoped3A = tpu.sem_alloc : memref<!tpu.dma_semaphore, #tpu.memory_space<semaphore_mem>>
          %dma_start3A_139 = tpu.memref_slice %arg2[%add3A_114] : memref<331776xi32, #tpu.memory_space<hbm>> -> memref<128xi32, #tpu.memory_space<hbm>>
          %dma_start3A_140 = tpu.memref_slice %arg2[%add3A_114] : memref<331776xi32, #tpu.memory_space<hbm>> -> memref<128xi32, #tpu.memory_space<hbm>>
          tpu.enqueue_dma source(%dma_start3A_140 : memref<128xi32, #tpu.memory_space<hbm>>) target(%arg10 : memref<128xi32, #tpu.memory_space<vmem>>) target_semaphore(%run_scoped3A : memref<!tpu.dma_semaphore, #tpu.memory_space<semaphore_mem>>)
          %dma_wait3A_141 = tpu.memref_slice %arg2[%add3A_114] : memref<331776xi32, #tpu.memory_space<hbm>> -> memref<128xi32, #tpu.memory_space<hbm>>
          %dma_wait3A_142 = tpu.memref_slice %arg2[%add3A_114] : memref<331776xi32, #tpu.memory_space<hbm>> -> memref<128xi32, #tpu.memory_space<hbm>>
          tpu.wait_dma2 semaphore(%run_scoped3A : memref<!tpu.dma_semaphore, #tpu.memory_space<semaphore_mem>>) src(%dma_wait3A_142 : memref<128xi32, #tpu.memory_space<hbm>>) dst(%arg10 : memref<128xi32, #tpu.memory_space<vmem>>)
          tpu.yield
        }) : () -> ()
        "tpu.region"() ({
          %run_scoped3A = tpu.sem_alloc : memref<!tpu.dma_semaphore, #tpu.memory_space<semaphore_mem>>
          %dma_start3A_139 = arith.constant 0 : i32
          %dma_start3A_140 = tpu.memref_slice %arg11[%rem3A_80, %dma_start3A_139] : memref<3x128xi32, #tpu.memory_space<vmem>> -> memref<1x128xi32, #tpu.memory_space<vmem>>
          %dma_start3A_141 = tpu.memref_squeeze %dma_start3A_140 : memref<1x128xi32, #tpu.memory_space<vmem>> -> memref<128xi32, #tpu.memory_space<vmem>>
          %dma_start3A_142 = tpu.memref_slice %arg3[%add3A_114] : memref<331776xi32, #tpu.memory_space<hbm>> -> memref<128xi32, #tpu.memory_space<hbm>>
          %dma_start3A_143 = arith.constant 0 : i32
          %dma_start3A_144 = tpu.memref_slice %arg11[%rem3A_80, %dma_start3A_143] : memref<3x128xi32, #tpu.memory_space<vmem>> -> memref<1x128xi32, #tpu.memory_space<vmem>>
          %dma_start3A_145 = tpu.memref_squeeze %dma_start3A_144 : memref<1x128xi32, #tpu.memory_space<vmem>> -> memref<128xi32, #tpu.memory_space<vmem>>
          %dma_start3A_146 = tpu.memref_slice %arg3[%add3A_114] : memref<331776xi32, #tpu.memory_space<hbm>> -> memref<128xi32, #tpu.memory_space<hbm>>
          tpu.enqueue_dma source(%dma_start3A_146 : memref<128xi32, #tpu.memory_space<hbm>>) target(%dma_start3A_145 : memref<128xi32, #tpu.memory_space<vmem>>) target_semaphore(%run_scoped3A : memref<!tpu.dma_semaphore, #tpu.memory_space<semaphore_mem>>)
          %dma_wait3A_147 = arith.constant 0 : i32
          %dma_wait3A_148 = tpu.memref_slice %arg11[%rem3A_80, %dma_wait3A_147] : memref<3x128xi32, #tpu.memory_space<vmem>> -> memref<1x128xi32, #tpu.memory_space<vmem>>
          %dma_wait3A_149 = tpu.memref_squeeze %dma_wait3A_148 : memref<1x128xi32, #tpu.memory_space<vmem>> -> memref<128xi32, #tpu.memory_space<vmem>>
          %dma_wait3A_150 = tpu.memref_slice %arg3[%add3A_114] : memref<331776xi32, #tpu.memory_space<hbm>> -> memref<128xi32, #tpu.memory_space<hbm>>
          %dma_wait3A_151 = arith.constant 0 : i32
          %dma_wait3A_152 = tpu.memref_slice %arg11[%rem3A_80, %dma_wait3A_151] : memref<3x128xi32, #tpu.memory_space<vmem>> -> memref<1x128xi32, #tpu.memory_space<vmem>>
          %dma_wait3A_153 = tpu.memref_squeeze %dma_wait3A_152 : memref<1x128xi32, #tpu.memory_space<vmem>> -> memref<128xi32, #tpu.memory_space<vmem>>
          %dma_wait3A_154 = tpu.memref_slice %arg3[%add3A_114] : memref<331776xi32, #tpu.memory_space<hbm>> -> memref<128xi32, #tpu.memory_space<hbm>>
          tpu.wait_dma2 semaphore(%run_scoped3A : memref<!tpu.dma_semaphore, #tpu.memory_space<semaphore_mem>>) src(%dma_wait3A_154 : memref<128xi32, #tpu.memory_space<hbm>>) dst(%dma_wait3A_153 : memref<128xi32, #tpu.memory_space<vmem>>)
          tpu.yield
        }) : () -> ()
        "tpu.region"() ({
          %run_scoped3A = tpu.sem_alloc : memref<!tpu.dma_semaphore, #tpu.memory_space<semaphore_mem>>
          %dma_start3A_139 = arith.constant 0 : i32
          %dma_start3A_140 = tpu.memref_slice %arg12[%select_n3A_77, %dma_start3A_139] : memref<2x144xf32, #tpu.memory_space<vmem>> -> memref<1x128xf32, #tpu.memory_space<vmem>>
          %dma_start3A_141 = tpu.memref_squeeze %dma_start3A_140 : memref<1x128xf32, #tpu.memory_space<vmem>> -> memref<128xf32, #tpu.memory_space<vmem>>
          %dma_start3A_142 = tpu.memref_slice %arg4[%add3A_114] : memref<331776xf32, #tpu.memory_space<hbm>> -> memref<128xf32, #tpu.memory_space<hbm>>
          %dma_start3A_143 = arith.constant 0 : i32
          %dma_start3A_144 = tpu.memref_slice %arg12[%select_n3A_77, %dma_start3A_143] : memref<2x144xf32, #tpu.memory_space<vmem>> -> memref<1x128xf32, #tpu.memory_space<vmem>>
          %dma_start3A_145 = tpu.memref_squeeze %dma_start3A_144 : memref<1x128xf32, #tpu.memory_space<vmem>> -> memref<128xf32, #tpu.memory_space<vmem>>
          %dma_start3A_146 = tpu.memref_slice %arg4[%add3A_114] : memref<331776xf32, #tpu.memory_space<hbm>> -> memref<128xf32, #tpu.memory_space<hbm>>
          tpu.enqueue_dma source(%dma_start3A_146 : memref<128xf32, #tpu.memory_space<hbm>>) target(%dma_start3A_145 : memref<128xf32, #tpu.memory_space<vmem>>) target_semaphore(%run_scoped3A : memref<!tpu.dma_semaphore, #tpu.memory_space<semaphore_mem>>)
          %dma_wait3A_147 = arith.constant 0 : i32
          %dma_wait3A_148 = tpu.memref_slice %arg12[%select_n3A_77, %dma_wait3A_147] : memref<2x144xf32, #tpu.memory_space<vmem>> -> memref<1x128xf32, #tpu.memory_space<vmem>>
          %dma_wait3A_149 = tpu.memref_squeeze %dma_wait3A_148 : memref<1x128xf32, #tpu.memory_space<vmem>> -> memref<128xf32, #tpu.memory_space<vmem>>
          %dma_wait3A_150 = tpu.memref_slice %arg4[%add3A_114] : memref<331776xf32, #tpu.memory_space<hbm>> -> memref<128xf32, #tpu.memory_space<hbm>>
          %dma_wait3A_151 = arith.constant 0 : i32
          %dma_wait3A_152 = tpu.memref_slice %arg12[%select_n3A_77, %dma_wait3A_151] : memref<2x144xf32, #tpu.memory_space<vmem>> -> memref<1x128xf32, #tpu.memory_space<vmem>>
          %dma_wait3A_153 = tpu.memref_squeeze %dma_wait3A_152 : memref<1x128xf32, #tpu.memory_space<vmem>> -> memref<128xf32, #tpu.memory_space<vmem>>
          %dma_wait3A_154 = tpu.memref_slice %arg4[%add3A_114] : memref<331776xf32, #tpu.memory_space<hbm>> -> memref<128xf32, #tpu.memory_space<hbm>>
          tpu.wait_dma2 semaphore(%run_scoped3A : memref<!tpu.dma_semaphore, #tpu.memory_space<semaphore_mem>>) src(%dma_wait3A_154 : memref<128xf32, #tpu.memory_space<hbm>>) dst(%dma_wait3A_153 : memref<128xf32, #tpu.memory_space<vmem>>)
          tpu.yield
        }) : () -> ()
        %dma_start3A = arith.constant 0 : i32
        %dma_start3A_115 = arith.constant 0 : i32
        %dma_start3A_116 = tpu.memref_slice %arg13[%select_n3A_77, %dma_start3A, %dma_start3A_115] : memref<2x128x64xf32, #tpu.memory_space<vmem>> -> memref<1x128x64xf32, #tpu.memory_space<vmem>>
        %dma_start3A_117 = tpu.memref_squeeze %dma_start3A_116 : memref<1x128x64xf32, #tpu.memory_space<vmem>> -> memref<128x64xf32, #tpu.memory_space<vmem>>
        %dma_start3A_118 = arith.constant 0 : i32
        %dma_start3A_119 = arith.constant 0 : i32
        %dma_start3A_120 = tpu.memref_slice %arg5[%arg0, %dma_start3A_118, %dma_start3A_119] : memref<2x10240x64xf32, #tpu.memory_space<hbm>> -> memref<1x10240x64xf32, #tpu.memory_space<hbm>>
        %dma_start3A_121 = tpu.memref_squeeze %dma_start3A_120 : memref<1x10240x64xf32, #tpu.memory_space<hbm>> -> memref<10240x64xf32, #tpu.memory_space<hbm>>
        %dma_start3A_122 = arith.constant 0 : i32
        %dma_start3A_123 = arith.constant 0 : i32
        %dma_start3A_124 = tpu.memref_slice %dma_start3A_121[%dma_start3A_122, %dma_start3A_123] : memref<10240x64xf32, #tpu.memory_space<hbm>> -> memref<10240x64xf32, #tpu.memory_space<hbm>>
        tpu.enqueue_indirect_dma source(%dma_start3A_124 : memref<10240x64xf32, #tpu.memory_space<hbm>>) target(%dma_start3A_117 : memref<128x64xf32, #tpu.memory_space<vmem>>) offsets(%arg10 : memref<128xi32, #tpu.memory_space<vmem>>) semaphore(%arg19 : memref<!tpu.dma_semaphore, #tpu.memory_space<semaphore_mem>>)
        %dma_start3A_125 = arith.constant 0 : i32
        %dma_start3A_126 = arith.constant 0 : i32
        %dma_start3A_127 = tpu.memref_slice %arg14[%select_n3A_77, %dma_start3A_125, %dma_start3A_126] : memref<2x128x64xf32, #tpu.memory_space<vmem>> -> memref<1x128x64xf32, #tpu.memory_space<vmem>>
        %dma_start3A_128 = tpu.memref_squeeze %dma_start3A_127 : memref<1x128x64xf32, #tpu.memory_space<vmem>> -> memref<128x64xf32, #tpu.memory_space<vmem>>
        %dma_start3A_129 = arith.constant 0 : i32
        %dma_start3A_130 = tpu.memref_slice %arg11[%rem3A_80, %dma_start3A_129] : memref<3x128xi32, #tpu.memory_space<vmem>> -> memref<1x128xi32, #tpu.memory_space<vmem>>
        %dma_start3A_131 = tpu.memref_squeeze %dma_start3A_130 : memref<1x128xi32, #tpu.memory_space<vmem>> -> memref<128xi32, #tpu.memory_space<vmem>>
        %dma_start3A_132 = arith.constant 0 : i32
        %dma_start3A_133 = arith.constant 0 : i32
        %dma_start3A_134 = tpu.memref_slice %arg5[%arg0, %dma_start3A_132, %dma_start3A_133] : memref<2x10240x64xf32, #tpu.memory_space<hbm>> -> memref<1x10240x64xf32, #tpu.memory_space<hbm>>
        %dma_start3A_135 = tpu.memref_squeeze %dma_start3A_134 : memref<1x10240x64xf32, #tpu.memory_space<hbm>> -> memref<10240x64xf32, #tpu.memory_space<hbm>>
        %dma_start3A_136 = arith.constant 0 : i32
        %dma_start3A_137 = arith.constant 0 : i32
        %dma_start3A_138 = tpu.memref_slice %dma_start3A_135[%dma_start3A_136, %dma_start3A_137] : memref<10240x64xf32, #tpu.memory_space<hbm>> -> memref<10240x64xf32, #tpu.memory_space<hbm>>
        tpu.enqueue_indirect_dma source(%dma_start3A_138 : memref<10240x64xf32, #tpu.memory_space<hbm>>) target(%dma_start3A_128 : memref<128x64xf32, #tpu.memory_space<vmem>>) offsets(%dma_start3A_131 : memref<128xi32, #tpu.memory_space<vmem>>) semaphore(%arg20 : memref<!tpu.dma_semaphore, #tpu.memory_space<semaphore_mem>>)
      } else {
      }
      %gt3A = arith.constant 0 : i32
      %gt3A_103 = arith.cmpi sgt, %scan3A_69, %gt3A : i32
      %convert_element_type3A_104 = arith.extui %gt3A_103 : i1 to i32
      %cond3A_105 = arith.constant 0 : i32
      %cond3A_106 = arith.cmpi ne, %convert_element_type3A_104, %cond3A_105 : i32
      scf.if %cond3A_106 {
        %parallel_loop3A = arith.constant 0 : i32
        %parallel_loop3A_112 = arith.constant 128 : i32
        %parallel_loop3A_113 = arith.constant 1 : i32
        scf.for %parallel_loop3A_124 = %parallel_loop3A to %parallel_loop3A_112 step %parallel_loop3A_113  : i32 {
          %parallel_loop3A_125 = arith.index_cast %sub3A_78 : i32 to index
          %parallel_loop3A_126 = arith.index_cast %parallel_loop3A_124 : i32 to index
          %parallel_loop3A_127 = tpu.vector_load %arg12[%parallel_loop3A_125, %parallel_loop3A_126] {strides = array<i32>} : memref<2x144xf32, #tpu.memory_space<vmem>>, vector<16xf32>,
          %parallel_loop3A_128 = vector.extract_strided_slice %parallel_loop3A_127 {offsets = [0], sizes = [1], strides = [1]} : vector<16xf32> to vector<1xf32>
          %parallel_loop3A_129 = vector.extract %parallel_loop3A_128[0] : f32 from vector<1xf32>
          %parallel_loop3A_130 = arith.constant 0.000000e+00 : f32
          %parallel_loop3A_131 = vector.broadcast %parallel_loop3A_130 : f32 to vector<16xf32>
          %parallel_loop3A_132 = arith.constant 0.000000e+00 : f32
          %parallel_loop3A_133 = vector.broadcast %parallel_loop3A_132 : f32 to vector<16xf32>
          %parallel_loop3A_134 = arith.index_cast %sub3A_78 : i32 to index
          %parallel_loop3A_135 = arith.index_cast %parallel_loop3A_124 : i32 to index
          %parallel_loop3A_136 = arith.constant 0 : index
          %parallel_loop3A_137 = tpu.vector_load %arg13[%parallel_loop3A_134, %parallel_loop3A_135, %parallel_loop3A_136] {strides = array<i32>} : memref<2x128x64xf32, #tpu.memory_space<vmem>>, vector<16xf32>,
          %parallel_loop3A_138 = arith.index_cast %sub3A_78 : i32 to index
          %parallel_loop3A_139 = arith.index_cast %parallel_loop3A_124 : i32 to index
          %parallel_loop3A_140 = arith.constant 0 : index
          %parallel_loop3A_141 = tpu.vector_load %arg14[%parallel_loop3A_138, %parallel_loop3A_139, %parallel_loop3A_140] {strides = array<i32>} : memref<2x128x64xf32, #tpu.memory_space<vmem>>, vector<16xf32>,
          %parallel_loop3A_142 = arith.addf %parallel_loop3A_137, %parallel_loop3A_141 : vector<16xf32>
          %parallel_loop3A_143 = vector.broadcast %parallel_loop3A_129 : f32 to vector<16xf32>
          %parallel_loop3A_144 = arith.mulf %parallel_loop3A_143, %get3A_21 : vector<16xf32>
          %parallel_loop3A_145 = arith.addf %parallel_loop3A_142, %parallel_loop3A_144 : vector<16xf32>
          %parallel_loop3A_146 = arith.constant 2.000000e-01 : f32
          %parallel_loop3A_147 = vector.broadcast %parallel_loop3A_146 : f32 to vector<16xf32>
          %parallel_loop3A_148 = arith.mulf %parallel_loop3A_147, %parallel_loop3A_145 : vector<16xf32>
          %parallel_loop3A_149 = arith.maximumf %parallel_loop3A_145, %parallel_loop3A_148 : vector<16xf32>
          %parallel_loop3A_150 = arith.mulf %parallel_loop3A_149, %get3A_5 : vector<16xf32>
          %parallel_loop3A_151 = arith.addf %parallel_loop3A_133, %parallel_loop3A_150 : vector<16xf32>
          %parallel_loop3A_152 = arith.constant true
          %parallel_loop3A_153 = vector.broadcast %parallel_loop3A_152 : i1 to vector<16xi1>
          %parallel_loop3A_154 = tpu.scan <sum>, %parallel_loop3A_151 masked %parallel_loop3A_153 : vector<16xf32>, vector<16xi1> -> vector<16xf32>
          %parallel_loop3A_155 = vector.extract_strided_slice %parallel_loop3A_154 {offsets = [15], sizes = [1], strides = [1]} : vector<16xf32> to vector<1xf32>
          %parallel_loop3A_156 = vector.extract %parallel_loop3A_155[0] : f32 from vector<1xf32>
          %parallel_loop3A_157 = vector.broadcast %parallel_loop3A_156 : f32 to vector<16xf32>
          %parallel_loop3A_158 = math.exp %parallel_loop3A_157 : vector<16xf32>
          %parallel_loop3A_159 = arith.mulf %parallel_loop3A_137, %parallel_loop3A_158 : vector<16xf32>
          %parallel_loop3A_160 = arith.index_cast %sub3A_78 : i32 to index
          %parallel_loop3A_161 = arith.index_cast %parallel_loop3A_124 : i32 to index
          %parallel_loop3A_162 = arith.constant 0 : index
          %parallel_loop3A_163 = tpu.vector_load %arg15[%parallel_loop3A_160, %parallel_loop3A_161, %parallel_loop3A_162] {strides = array<i32>} : memref<2x128x80xf32, #tpu.memory_space<vmem>>, vector<16xf32>,
          tpu.vector_store %arg15[%parallel_loop3A_160, %parallel_loop3A_161, %parallel_loop3A_162], %parallel_loop3A_159 {strides = array<i32>} : memref<2x128x80xf32, #tpu.memory_space<vmem>>, vector<16xf32>,
          %parallel_loop3A_164 = arith.constant 0 : i32
          %parallel_loop3A_165 = vector.broadcast %parallel_loop3A_164 : i32 to vector<16xi32>
          %parallel_loop3A_166 = arith.cmpi eq, %iota3A, %parallel_loop3A_165 : vector<16xi32>
          %parallel_loop3A_167 = arith.constant 0.000000e+00 : f32
          %parallel_loop3A_168 = vector.broadcast %parallel_loop3A_167 : f32 to vector<16xf32>
          %parallel_loop3A_169 = arith.select %parallel_loop3A_166, %parallel_loop3A_158, %parallel_loop3A_168 : vector<16xi1>, vector<16xf32>
          %parallel_loop3A_170 = arith.addf %parallel_loop3A_131, %parallel_loop3A_169 : vector<16xf32>
          %parallel_loop3A_171 = arith.constant 0.000000e+00 : f32
          %parallel_loop3A_172 = vector.broadcast %parallel_loop3A_171 : f32 to vector<16xf32>
          %parallel_loop3A_173 = arith.index_cast %sub3A_78 : i32 to index
          %parallel_loop3A_174 = arith.index_cast %parallel_loop3A_124 : i32 to index
          %parallel_loop3A_175 = arith.constant 16 : index
          %parallel_loop3A_176 = tpu.vector_load %arg13[%parallel_loop3A_173, %parallel_loop3A_174, %parallel_loop3A_175] {strides = array<i32>} : memref<2x128x64xf32, #tpu.memory_space<vmem>>, vector<16xf32>,
          %parallel_loop3A_177 = arith.index_cast %sub3A_78 : i32 to index
          %parallel_loop3A_178 = arith.index_cast %parallel_loop3A_124 : i32 to index
          %parallel_loop3A_179 = arith.constant 16 : index
          %parallel_loop3A_180 = tpu.vector_load %arg14[%parallel_loop3A_177, %parallel_loop3A_178, %parallel_loop3A_179] {strides = array<i32>} : memref<2x128x64xf32, #tpu.memory_space<vmem>>, vector<16xf32>,
          %parallel_loop3A_181 = arith.addf %parallel_loop3A_176, %parallel_loop3A_180 : vector<16xf32>
          %parallel_loop3A_182 = vector.broadcast %parallel_loop3A_129 : f32 to vector<16xf32>
          %parallel_loop3A_183 = arith.mulf %parallel_loop3A_182, %get3A_25 : vector<16xf32>
          %parallel_loop3A_184 = arith.addf %parallel_loop3A_181, %parallel_loop3A_183 : vector<16xf32>
          %parallel_loop3A_185 = arith.constant 2.000000e-01 : f32
          %parallel_loop3A_186 = vector.broadcast %parallel_loop3A_185 : f32 to vector<16xf32>
          %parallel_loop3A_187 = arith.mulf %parallel_loop3A_186, %parallel_loop3A_184 : vector<16xf32>
          %parallel_loop3A_188 = arith.maximumf %parallel_loop3A_184, %parallel_loop3A_187 : vector<16xf32>
          %parallel_loop3A_189 = arith.mulf %parallel_loop3A_188, %get3A_9 : vector<16xf32>
          %parallel_loop3A_190 = arith.addf %parallel_loop3A_172, %parallel_loop3A_189 : vector<16xf32>
          %parallel_loop3A_191 = arith.constant true
          %parallel_loop3A_192 = vector.broadcast %parallel_loop3A_191 : i1 to vector<16xi1>
          %parallel_loop3A_193 = tpu.scan <sum>, %parallel_loop3A_190 masked %parallel_loop3A_192 : vector<16xf32>, vector<16xi1> -> vector<16xf32>
          %parallel_loop3A_194 = vector.extract_strided_slice %parallel_loop3A_193 {offsets = [15], sizes = [1], strides = [1]} : vector<16xf32> to vector<1xf32>
          %parallel_loop3A_195 = vector.extract %parallel_loop3A_194[0] : f32 from vector<1xf32>
          %parallel_loop3A_196 = vector.broadcast %parallel_loop3A_195 : f32 to vector<16xf32>
          %parallel_loop3A_197 = math.exp %parallel_loop3A_196 : vector<16xf32>
          %parallel_loop3A_198 = arith.mulf %parallel_loop3A_176, %parallel_loop3A_197 : vector<16xf32>
          %parallel_loop3A_199 = arith.index_cast %sub3A_78 : i32 to index
          %parallel_loop3A_200 = arith.index_cast %parallel_loop3A_124 : i32 to index
          %parallel_loop3A_201 = arith.constant 16 : index
          %parallel_loop3A_202 = tpu.vector_load %arg15[%parallel_loop3A_199, %parallel_loop3A_200, %parallel_loop3A_201] {strides = array<i32>} : memref<2x128x80xf32, #tpu.memory_space<vmem>>, vector<16xf32>,
          tpu.vector_store %arg15[%parallel_loop3A_199, %parallel_loop3A_200, %parallel_loop3A_201], %parallel_loop3A_198 {strides = array<i32>} : memref<2x128x80xf32, #tpu.memory_space<vmem>>, vector<16xf32>,
          %parallel_loop3A_203 = arith.constant 1 : i32
          %parallel_loop3A_204 = vector.broadcast %parallel_loop3A_203 : i32 to vector<16xi32>
          %parallel_loop3A_205 = arith.cmpi eq, %iota3A, %parallel_loop3A_204 : vector<16xi32>
          %parallel_loop3A_206 = arith.constant 0.000000e+00 : f32
          %parallel_loop3A_207 = vector.broadcast %parallel_loop3A_206 : f32 to vector<16xf32>
          %parallel_loop3A_208 = arith.select %parallel_loop3A_205, %parallel_loop3A_197, %parallel_loop3A_207 : vector<16xi1>, vector<16xf32>
          %parallel_loop3A_209 = arith.addf %parallel_loop3A_170, %parallel_loop3A_208 : vector<16xf32>
          %parallel_loop3A_210 = arith.constant 0.000000e+00 : f32
          %parallel_loop3A_211 = vector.broadcast %parallel_loop3A_210 : f32 to vector<16xf32>
          %parallel_loop3A_212 = arith.index_cast %sub3A_78 : i32 to index
          %parallel_loop3A_213 = arith.index_cast %parallel_loop3A_124 : i32 to index
          %parallel_loop3A_214 = arith.constant 32 : index
          %parallel_loop3A_215 = tpu.vector_load %arg13[%parallel_loop3A_212, %parallel_loop3A_213, %parallel_loop3A_214] {strides = array<i32>} : memref<2x128x64xf32, #tpu.memory_space<vmem>>, vector<16xf32>,
          %parallel_loop3A_216 = arith.index_cast %sub3A_78 : i32 to index
          %parallel_loop3A_217 = arith.index_cast %parallel_loop3A_124 : i32 to index
          %parallel_loop3A_218 = arith.constant 32 : index
          %parallel_loop3A_219 = tpu.vector_load %arg14[%parallel_loop3A_216, %parallel_loop3A_217, %parallel_loop3A_218] {strides = array<i32>} : memref<2x128x64xf32, #tpu.memory_space<vmem>>, vector<16xf32>,
          %parallel_loop3A_220 = arith.addf %parallel_loop3A_215, %parallel_loop3A_219 : vector<16xf32>
          %parallel_loop3A_221 = vector.broadcast %parallel_loop3A_129 : f32 to vector<16xf32>
          %parallel_loop3A_222 = arith.mulf %parallel_loop3A_221, %get3A_29 : vector<16xf32>
          %parallel_loop3A_223 = arith.addf %parallel_loop3A_220, %parallel_loop3A_222 : vector<16xf32>
          %parallel_loop3A_224 = arith.constant 2.000000e-01 : f32
          %parallel_loop3A_225 = vector.broadcast %parallel_loop3A_224 : f32 to vector<16xf32>
          %parallel_loop3A_226 = arith.mulf %parallel_loop3A_225, %parallel_loop3A_223 : vector<16xf32>
          %parallel_loop3A_227 = arith.maximumf %parallel_loop3A_223, %parallel_loop3A_226 : vector<16xf32>
          %parallel_loop3A_228 = arith.mulf %parallel_loop3A_227, %get3A_13 : vector<16xf32>
          %parallel_loop3A_229 = arith.addf %parallel_loop3A_211, %parallel_loop3A_228 : vector<16xf32>
          %parallel_loop3A_230 = arith.constant true
          %parallel_loop3A_231 = vector.broadcast %parallel_loop3A_230 : i1 to vector<16xi1>
          %parallel_loop3A_232 = tpu.scan <sum>, %parallel_loop3A_229 masked %parallel_loop3A_231 : vector<16xf32>, vector<16xi1> -> vector<16xf32>
          %parallel_loop3A_233 = vector.extract_strided_slice %parallel_loop3A_232 {offsets = [15], sizes = [1], strides = [1]} : vector<16xf32> to vector<1xf32>
          %parallel_loop3A_234 = vector.extract %parallel_loop3A_233[0] : f32 from vector<1xf32>
          %parallel_loop3A_235 = vector.broadcast %parallel_loop3A_234 : f32 to vector<16xf32>
          %parallel_loop3A_236 = math.exp %parallel_loop3A_235 : vector<16xf32>
          %parallel_loop3A_237 = arith.mulf %parallel_loop3A_215, %parallel_loop3A_236 : vector<16xf32>
          %parallel_loop3A_238 = arith.index_cast %sub3A_78 : i32 to index
          %parallel_loop3A_239 = arith.index_cast %parallel_loop3A_124 : i32 to index
          %parallel_loop3A_240 = arith.constant 32 : index
          %parallel_loop3A_241 = tpu.vector_load %arg15[%parallel_loop3A_238, %parallel_loop3A_239, %parallel_loop3A_240] {strides = array<i32>} : memref<2x128x80xf32, #tpu.memory_space<vmem>>, vector<16xf32>,
          tpu.vector_store %arg15[%parallel_loop3A_238, %parallel_loop3A_239, %parallel_loop3A_240], %parallel_loop3A_237 {strides = array<i32>} : memref<2x128x80xf32, #tpu.memory_space<vmem>>, vector<16xf32>,
          %parallel_loop3A_242 = arith.constant 2 : i32
          %parallel_loop3A_243 = vector.broadcast %parallel_loop3A_242 : i32 to vector<16xi32>
          %parallel_loop3A_244 = arith.cmpi eq, %iota3A, %parallel_loop3A_243 : vector<16xi32>
          %parallel_loop3A_245 = arith.constant 0.000000e+00 : f32
          %parallel_loop3A_246 = vector.broadcast %parallel_loop3A_245 : f32 to vector<16xf32>
          %parallel_loop3A_247 = arith.select %parallel_loop3A_244, %parallel_loop3A_236, %parallel_loop3A_246 : vector<16xi1>, vector<16xf32>
          %parallel_loop3A_248 = arith.addf %parallel_loop3A_209, %parallel_loop3A_247 : vector<16xf32>
          %parallel_loop3A_249 = arith.constant 0.000000e+00 : f32
          %parallel_loop3A_250 = vector.broadcast %parallel_loop3A_249 : f32 to vector<16xf32>
          %parallel_loop3A_251 = arith.index_cast %sub3A_78 : i32 to index
          %parallel_loop3A_252 = arith.index_cast %parallel_loop3A_124 : i32 to index
          %parallel_loop3A_253 = arith.constant 48 : index
          %parallel_loop3A_254 = tpu.vector_load %arg13[%parallel_loop3A_251, %parallel_loop3A_252, %parallel_loop3A_253] {strides = array<i32>} : memref<2x128x64xf32, #tpu.memory_space<vmem>>, vector<16xf32>,
          %parallel_loop3A_255 = arith.index_cast %sub3A_78 : i32 to index
          %parallel_loop3A_256 = arith.index_cast %parallel_loop3A_124 : i32 to index
          %parallel_loop3A_257 = arith.constant 48 : index
          %parallel_loop3A_258 = tpu.vector_load %arg14[%parallel_loop3A_255, %parallel_loop3A_256, %parallel_loop3A_257] {strides = array<i32>} : memref<2x128x64xf32, #tpu.memory_space<vmem>>, vector<16xf32>,
          %parallel_loop3A_259 = arith.addf %parallel_loop3A_254, %parallel_loop3A_258 : vector<16xf32>
          %parallel_loop3A_260 = vector.broadcast %parallel_loop3A_129 : f32 to vector<16xf32>
          %parallel_loop3A_261 = arith.mulf %parallel_loop3A_260, %get3A_33 : vector<16xf32>
          %parallel_loop3A_262 = arith.addf %parallel_loop3A_259, %parallel_loop3A_261 : vector<16xf32>
          %parallel_loop3A_263 = arith.constant 2.000000e-01 : f32
          %parallel_loop3A_264 = vector.broadcast %parallel_loop3A_263 : f32 to vector<16xf32>
          %parallel_loop3A_265 = arith.mulf %parallel_loop3A_264, %parallel_loop3A_262 : vector<16xf32>
          %parallel_loop3A_266 = arith.maximumf %parallel_loop3A_262, %parallel_loop3A_265 : vector<16xf32>
          %parallel_loop3A_267 = arith.mulf %parallel_loop3A_266, %get3A_17 : vector<16xf32>
          %parallel_loop3A_268 = arith.addf %parallel_loop3A_250, %parallel_loop3A_267 : vector<16xf32>
          %parallel_loop3A_269 = arith.constant true
          %parallel_loop3A_270 = vector.broadcast %parallel_loop3A_269 : i1 to vector<16xi1>
          %parallel_loop3A_271 = tpu.scan <sum>, %parallel_loop3A_268 masked %parallel_loop3A_270 : vector<16xf32>, vector<16xi1> -> vector<16xf32>
          %parallel_loop3A_272 = vector.extract_strided_slice %parallel_loop3A_271 {offsets = [15], sizes = [1], strides = [1]} : vector<16xf32> to vector<1xf32>
          %parallel_loop3A_273 = vector.extract %parallel_loop3A_272[0] : f32 from vector<1xf32>
          %parallel_loop3A_274 = vector.broadcast %parallel_loop3A_273 : f32 to vector<16xf32>
          %parallel_loop3A_275 = math.exp %parallel_loop3A_274 : vector<16xf32>
          %parallel_loop3A_276 = arith.mulf %parallel_loop3A_254, %parallel_loop3A_275 : vector<16xf32>
          %parallel_loop3A_277 = arith.index_cast %sub3A_78 : i32 to index
          %parallel_loop3A_278 = arith.index_cast %parallel_loop3A_124 : i32 to index
          %parallel_loop3A_279 = arith.constant 48 : index
          %parallel_loop3A_280 = tpu.vector_load %arg15[%parallel_loop3A_277, %parallel_loop3A_278, %parallel_loop3A_279] {strides = array<i32>} : memref<2x128x80xf32, #tpu.memory_space<vmem>>, vector<16xf32>,
          tpu.vector_store %arg15[%parallel_loop3A_277, %parallel_loop3A_278, %parallel_loop3A_279], %parallel_loop3A_276 {strides = array<i32>} : memref<2x128x80xf32, #tpu.memory_space<vmem>>, vector<16xf32>,
          %parallel_loop3A_281 = arith.constant 3 : i32
          %parallel_loop3A_282 = vector.broadcast %parallel_loop3A_281 : i32 to vector<16xi32>
          %parallel_loop3A_283 = arith.cmpi eq, %iota3A, %parallel_loop3A_282 : vector<16xi32>
          %parallel_loop3A_284 = arith.constant 0.000000e+00 : f32
          %parallel_loop3A_285 = vector.broadcast %parallel_loop3A_284 : f32 to vector<16xf32>
          %parallel_loop3A_286 = arith.select %parallel_loop3A_283, %parallel_loop3A_275, %parallel_loop3A_285 : vector<16xi1>, vector<16xf32>
          %parallel_loop3A_287 = arith.addf %parallel_loop3A_248, %parallel_loop3A_286 : vector<16xf32>
          %parallel_loop3A_288 = arith.index_cast %sub3A_78 : i32 to index
          %parallel_loop3A_289 = arith.index_cast %parallel_loop3A_124 : i32 to index
          %parallel_loop3A_290 = arith.constant 64 : index
          %parallel_loop3A_291 = tpu.vector_load %arg15[%parallel_loop3A_288, %parallel_loop3A_289, %parallel_loop3A_290] {strides = array<i32>} : memref<2x128x80xf32, #tpu.memory_space<vmem>>, vector<16xf32>,
          tpu.vector_store %arg15[%parallel_loop3A_288, %parallel_loop3A_289, %parallel_loop3A_290], %parallel_loop3A_287 {strides = array<i32>} : memref<2x128x80xf32, #tpu.memory_space<vmem>>, vector<16xf32>,
        } {sc.loop_unroll_factor = 4 : i64, sc.parallel_access}
        %eq3A_114 = arith.constant 0 : i32
        %eq3A_115 = arith.cmpi eq, %sub3A_78, %eq3A_114 : i32
        %convert_element_type3A_116 = arith.extui %eq3A_115 : i1 to i32
        %cond3A_117 = arith.constant 0 : i32
        %cond3A_118 = arith.cmpi ne, %convert_element_type3A_116, %cond3A_117 : i32
        scf.if %cond3A_118 {
          %dma_start3A = arith.constant 0 : i32
          %dma_start3A_124 = arith.constant 0 : i32
          %dma_start3A_125 = arith.constant 0 : i32
          %dma_start3A_126 = tpu.memref_slice %arg15[%dma_start3A, %dma_start3A_124, %dma_start3A_125] : memref<2x128x80xf32, #tpu.memory_space<vmem>> -> memref<1x128x80xf32, #tpu.memory_space<vmem>>
          %dma_start3A_127 = tpu.memref_squeeze %dma_start3A_126 : memref<1x128x80xf32, #tpu.memory_space<vmem>> -> memref<128x80xf32, #tpu.memory_space<vmem>>
          %dma_start3A_128 = arith.constant 0 : i32
          %dma_start3A_129 = tpu.memref_slice %arg11[%rem3A_84, %dma_start3A_128] : memref<3x128xi32, #tpu.memory_space<vmem>> -> memref<1x128xi32, #tpu.memory_space<vmem>>
          %dma_start3A_130 = tpu.memref_squeeze %dma_start3A_129 : memref<1x128xi32, #tpu.memory_space<vmem>> -> memref<128xi32, #tpu.memory_space<vmem>>
          %dma_start3A_131 = arith.constant 0 : i32
          %dma_start3A_132 = arith.constant 0 : i32
          %dma_start3A_133 = tpu.memref_slice %arg18[%dma_start3A_131, %dma_start3A_132] : memref<10240x80xf32, #tpu.memory_space<vmem_shared>> -> memref<10240x80xf32, #tpu.memory_space<vmem_shared>>
          tpu.enqueue_indirect_dma source(%dma_start3A_127 : memref<128x80xf32, #tpu.memory_space<vmem>>) target(%dma_start3A_133 : memref<10240x80xf32, #tpu.memory_space<vmem_shared>>) offsets(%dma_start3A_130 : memref<128xi32, #tpu.memory_space<vmem>>) semaphore(%arg21 : memref<!tpu.dma_semaphore, #tpu.memory_space<semaphore_mem>>) {add = true}
        } else {
        }
        %eq3A_119 = arith.constant 1 : i32
        %eq3A_120 = arith.cmpi eq, %sub3A_78, %eq3A_119 : i32
        %convert_element_type3A_121 = arith.extui %eq3A_120 : i1 to i32
        %cond3A_122 = arith.constant 0 : i32
        %cond3A_123 = arith.cmpi ne, %convert_element_type3A_121, %cond3A_122 : i32
        scf.if %cond3A_123 {
          %dma_start3A = arith.constant 1 : i32
          %dma_start3A_124 = arith.constant 0 : i32
          %dma_start3A_125 = arith.constant 0 : i32
          %dma_start3A_126 = tpu.memref_slice %arg15[%dma_start3A, %dma_start3A_124, %dma_start3A_125] : memref<2x128x80xf32, #tpu.memory_space<vmem>> -> memref<1x128x80xf32, #tpu.memory_space<vmem>>
          %dma_start3A_127 = tpu.memref_squeeze %dma_start3A_126 : memref<1x128x80xf32, #tpu.memory_space<vmem>> -> memref<128x80xf32, #tpu.memory_space<vmem>>
          %dma_start3A_128 = arith.constant 0 : i32
          %dma_start3A_129 = tpu.memref_slice %arg11[%rem3A_84, %dma_start3A_128] : memref<3x128xi32, #tpu.memory_space<vmem>> -> memref<1x128xi32, #tpu.memory_space<vmem>>
          %dma_start3A_130 = tpu.memref_squeeze %dma_start3A_129 : memref<1x128xi32, #tpu.memory_space<vmem>> -> memref<128xi32, #tpu.memory_space<vmem>>
          %dma_start3A_131 = arith.constant 0 : i32
          %dma_start3A_132 = arith.constant 0 : i32
          %dma_start3A_133 = tpu.memref_slice %arg18[%dma_start3A_131, %dma_start3A_132] : memref<10240x80xf32, #tpu.memory_space<vmem_shared>> -> memref<10240x80xf32, #tpu.memory_space<vmem_shared>>
          tpu.enqueue_indirect_dma source(%dma_start3A_127 : memref<128x80xf32, #tpu.memory_space<vmem>>) target(%dma_start3A_133 : memref<10240x80xf32, #tpu.memory_space<vmem_shared>>) offsets(%dma_start3A_130 : memref<128xi32, #tpu.memory_space<vmem>>) semaphore(%arg22 : memref<!tpu.dma_semaphore, #tpu.memory_space<semaphore_mem>>) {add = true}
        } else {
        }
      } else {
      }
      %lt3A_107 = arith.constant 162 : i32
      %lt3A_108 = arith.cmpi slt, %scan3A_69, %lt3A_107 : i32
      %convert_element_type3A_109 = arith.extui %lt3A_108 : i1 to i32
      %cond3A_110 = arith.constant 0 : i32
      %cond3A_111 = arith.cmpi ne, %convert_element_type3A_109, %cond3A_110 : i32
      scf.if %cond3A_111 {
        %dma_wait3A_112 = arith.constant 0 : i32
        %dma_wait3A_113 = arith.constant 0 : i32
        %dma_wait3A_114 = tpu.memref_slice %arg13[%select_n3A_77, %dma_wait3A_112, %dma_wait3A_113] : memref<2x128x64xf32, #tpu.memory_space<vmem>> -> memref<1x128x64xf32, #tpu.memory_space<vmem>>
        %dma_wait3A_115 = tpu.memref_squeeze %dma_wait3A_114 : memref<1x128x64xf32, #tpu.memory_space<vmem>> -> memref<128x64xf32, #tpu.memory_space<vmem>>
        %dma_wait3A_116 = arith.constant 0 : i32
        %dma_wait3A_117 = arith.constant 0 : i32
        %dma_wait3A_118 = tpu.memref_slice %arg5[%arg0, %dma_wait3A_116, %dma_wait3A_117] : memref<2x10240x64xf32, #tpu.memory_space<hbm>> -> memref<1x10240x64xf32, #tpu.memory_space<hbm>>
        %dma_wait3A_119 = tpu.memref_squeeze %dma_wait3A_118 : memref<1x10240x64xf32, #tpu.memory_space<hbm>> -> memref<10240x64xf32, #tpu.memory_space<hbm>>
        %dma_wait3A_120 = arith.constant 0 : i32
        %dma_wait3A_121 = arith.constant 0 : i32
        %dma_wait3A_122 = tpu.memref_slice %dma_wait3A_119[%dma_wait3A_120, %dma_wait3A_121] : memref<10240x64xf32, #tpu.memory_space<hbm>> -> memref<10240x64xf32, #tpu.memory_space<hbm>>
        tpu.wait_indirect_dma semaphore(%arg19 : memref<!tpu.dma_semaphore, #tpu.memory_space<semaphore_mem>>) src(%dma_wait3A_122 : memref<10240x64xf32, #tpu.memory_space<hbm>>) dst(%dma_wait3A_115 : memref<128x64xf32, #tpu.memory_space<vmem>>)
        %dma_wait3A_123 = arith.constant 0 : i32
        %dma_wait3A_124 = arith.constant 0 : i32
        %dma_wait3A_125 = tpu.memref_slice %arg14[%select_n3A_77, %dma_wait3A_123, %dma_wait3A_124] : memref<2x128x64xf32, #tpu.memory_space<vmem>> -> memref<1x128x64xf32, #tpu.memory_space<vmem>>
        %dma_wait3A_126 = tpu.memref_squeeze %dma_wait3A_125 : memref<1x128x64xf32, #tpu.memory_space<vmem>> -> memref<128x64xf32, #tpu.memory_space<vmem>>
        %dma_wait3A_127 = arith.constant 0 : i32
        %dma_wait3A_128 = tpu.memref_slice %arg11[%rem3A_80, %dma_wait3A_127] : memref<3x128xi32, #tpu.memory_space<vmem>> -> memref<1x128xi32, #tpu.memory_space<vmem>>
        %dma_wait3A_129 = tpu.memref_squeeze %dma_wait3A_128 : memref<1x128xi32, #tpu.memory_space<vmem>> -> memref<128xi32, #tpu.memory_space<vmem>>
        %dma_wait3A_130 = arith.constant 0 : i32
        %dma_wait3A_131 = arith.constant 0 : i32
        %dma_wait3A_132 = tpu.memref_slice %arg5[%arg0, %dma_wait3A_130, %dma_wait3A_131] : memref<2x10240x64xf32, #tpu.memory_space<hbm>> -> memref<1x10240x64xf32, #tpu.memory_space<hbm>>
        %dma_wait3A_133 = tpu.memref_squeeze %dma_wait3A_132 : memref<1x10240x64xf32, #tpu.memory_space<hbm>> -> memref<10240x64xf32, #tpu.memory_space<hbm>>
        %dma_wait3A_134 = arith.constant 0 : i32
        %dma_wait3A_135 = arith.constant 0 : i32
        %dma_wait3A_136 = tpu.memref_slice %dma_wait3A_133[%dma_wait3A_134, %dma_wait3A_135] : memref<10240x64xf32, #tpu.memory_space<hbm>> -> memref<10240x64xf32, #tpu.memory_space<hbm>>
        tpu.wait_indirect_dma semaphore(%arg20 : memref<!tpu.dma_semaphore, #tpu.memory_space<semaphore_mem>>) src(%dma_wait3A_136 : memref<10240x64xf32, #tpu.memory_space<hbm>>) dst(%dma_wait3A_126 : memref<128x64xf32, #tpu.memory_space<vmem>>)
      } else {
      }
    }
    %scan3A_40 = arith.constant 163 : i32
    %dma_wait3A = arith.constant 0 : i32
    %dma_wait3A_41 = arith.constant 1 : i32
    %dma_wait3A_42 = arith.constant 0 : i32
    %dma_wait3A_43 = arith.constant 0 : i32
    %dma_wait3A_44 = tpu.memref_slice %arg15[%dma_wait3A, %dma_wait3A_42, %dma_wait3A_43] : memref<2x128x80xf32, #tpu.memory_space<vmem>> -> memref<1x128x80xf32, #tpu.memory_space<vmem>>
    %dma_wait3A_45 = tpu.memref_squeeze %dma_wait3A_44 : memref<1x128x80xf32, #tpu.memory_space<vmem>> -> memref<128x80xf32, #tpu.memory_space<vmem>>
    %dma_wait3A_46 = arith.constant 0 : i32
    %dma_wait3A_47 = tpu.memref_slice %arg11[%dma_wait3A_41, %dma_wait3A_46] : memref<3x128xi32, #tpu.memory_space<vmem>> -> memref<1x128xi32, #tpu.memory_space<vmem>>
    %dma_wait3A_48 = tpu.memref_squeeze %dma_wait3A_47 : memref<1x128xi32, #tpu.memory_space<vmem>> -> memref<128xi32, #tpu.memory_space<vmem>>
    %dma_wait3A_49 = arith.constant 0 : i32
    %dma_wait3A_50 = arith.constant 0 : i32
    %dma_wait3A_51 = tpu.memref_slice %arg18[%dma_wait3A_49, %dma_wait3A_50] : memref<10240x80xf32, #tpu.memory_space<vmem_shared>> -> memref<10240x80xf32, #tpu.memory_space<vmem_shared>>
    tpu.wait_indirect_dma semaphore(%arg21 : memref<!tpu.dma_semaphore, #tpu.memory_space<semaphore_mem>>) src(%dma_wait3A_45 : memref<128x80xf32, #tpu.memory_space<vmem>>) dst(%dma_wait3A_51 : memref<10240x80xf32, #tpu.memory_space<vmem_shared>>)
    %dma_wait3A_52 = arith.constant 1 : i32
    %dma_wait3A_53 = arith.constant 2 : i32
    %dma_wait3A_54 = arith.constant 0 : i32
    %dma_wait3A_55 = arith.constant 0 : i32
    %dma_wait3A_56 = tpu.memref_slice %arg15[%dma_wait3A_52, %dma_wait3A_54, %dma_wait3A_55] : memref<2x128x80xf32, #tpu.memory_space<vmem>> -> memref<1x128x80xf32, #tpu.memory_space<vmem>>
    %dma_wait3A_57 = tpu.memref_squeeze %dma_wait3A_56 : memref<1x128x80xf32, #tpu.memory_space<vmem>> -> memref<128x80xf32, #tpu.memory_space<vmem>>
    %dma_wait3A_58 = arith.constant 0 : i32
    %dma_wait3A_59 = tpu.memref_slice %arg11[%dma_wait3A_53, %dma_wait3A_58] : memref<3x128xi32, #tpu.memory_space<vmem>> -> memref<1x128xi32, #tpu.memory_space<vmem>>
    %dma_wait3A_60 = tpu.memref_squeeze %dma_wait3A_59 : memref<1x128xi32, #tpu.memory_space<vmem>> -> memref<128xi32, #tpu.memory_space<vmem>>
    %dma_wait3A_61 = arith.constant 0 : i32
    %dma_wait3A_62 = arith.constant 0 : i32
    %dma_wait3A_63 = tpu.memref_slice %arg18[%dma_wait3A_61, %dma_wait3A_62] : memref<10240x80xf32, #tpu.memory_space<vmem_shared>> -> memref<10240x80xf32, #tpu.memory_space<vmem_shared>>
    tpu.wait_indirect_dma semaphore(%arg22 : memref<!tpu.dma_semaphore, #tpu.memory_space<semaphore_mem>>) src(%dma_wait3A_57 : memref<128x80xf32, #tpu.memory_space<vmem>>) dst(%dma_wait3A_63 : memref<10240x80xf32, #tpu.memory_space<vmem_shared>>)
    %barrier3A_64 = arith.constant 0 : index
    tpu.barrier barrier_id(%barrier3A_64)
    %mul3A_65 = arith.constant 640 : i32
    %mul3A_66 = arith.muli %arg1, %mul3A_65 : i32
    %mul3A_67 = arith.constant 640 : i32
    %mul3A_68 = arith.muli %arg1, %mul3A_67 : i32
    "tpu.region"() ({
      %run_scoped3A = tpu.sem_alloc : memref<!tpu.dma_semaphore, #tpu.memory_space<semaphore_mem>>
      %dma_start3A = arith.constant 0 : i32
      %dma_start3A_69 = tpu.memref_slice %arg9[%arg0, %mul3A_68, %dma_start3A] : memref<2x10240x80xf32, #tpu.memory_space<hbm>> -> memref<1x640x80xf32, #tpu.memory_space<hbm>>
      %dma_start3A_70 = tpu.memref_squeeze %dma_start3A_69 : memref<1x640x80xf32, #tpu.memory_space<hbm>> -> memref<640x80xf32, #tpu.memory_space<hbm>>
      %dma_start3A_71 = arith.constant 0 : i32
      %dma_start3A_72 = tpu.memref_slice %arg18[%mul3A_66, %dma_start3A_71] : memref<10240x80xf32, #tpu.memory_space<vmem_shared>> -> memref<640x80xf32, #tpu.memory_space<vmem_shared>>
      tpu.enqueue_dma source(%dma_start3A_72 : memref<640x80xf32, #tpu.memory_space<vmem_shared>>) target(%dma_start3A_70 : memref<640x80xf32, #tpu.memory_space<hbm>>) target_semaphore(%run_scoped3A : memref<!tpu.dma_semaphore, #tpu.memory_space<semaphore_mem>>)
      %dma_wait3A_73 = arith.constant 0 : i32
      %dma_wait3A_74 = tpu.memref_slice %arg9[%arg0, %mul3A_68, %dma_wait3A_73] : memref<2x10240x80xf32, #tpu.memory_space<hbm>> -> memref<1x640x80xf32, #tpu.memory_space<hbm>>
      %dma_wait3A_75 = tpu.memref_squeeze %dma_wait3A_74 : memref<1x640x80xf32, #tpu.memory_space<hbm>> -> memref<640x80xf32, #tpu.memory_space<hbm>>
      %dma_wait3A_76 = arith.constant 0 : i32
      %dma_wait3A_77 = tpu.memref_slice %arg18[%mul3A_66, %dma_wait3A_76] : memref<10240x80xf32, #tpu.memory_space<vmem_shared>> -> memref<640x80xf32, #tpu.memory_space<vmem_shared>>
      tpu.wait_dma2 semaphore(%run_scoped3A : memref<!tpu.dma_semaphore, #tpu.memory_space<semaphore_mem>>) src(%dma_wait3A_77 : memref<640x80xf32, #tpu.memory_space<vmem_shared>>) dst(%dma_wait3A_75 : memref<640x80xf32, #tpu.memory_space<hbm>>)
      tpu.yield
    }) : () -> ()
    return
  }
}

#map = affine_map<(d0, d1) -> (0)>
#map1 = affine_map<(d0, d1) -> (0, 0)>
#map2 = affine_map<(d0, d1) -> (0, 0, 0)>
module attributes {stable_mosaic.version = 14 : i64} {
  func.func @k(%arg0: i32, %arg1: i32, %arg2: memref<331776xi32, #tpu.memory_space<hbm>>, %arg3: memref<331776xi32, #tpu.memory_space<hbm>>, %arg4: memref<331776xf32, #tpu.memory_space<hbm>>, %arg5: memref<10240x64xf32, #tpu.memory_space<hbm>>, %arg6: memref<4x16xf32, #tpu.memory_space<hbm>>, %arg7: memref<4x16xf32, #tpu.memory_space<hbm>>, %arg8: memref<10240x80xf32, #tpu.memory_space<hbm>>, %arg9: memref<2x10240x80xf32, #tpu.memory_space<hbm>>, %arg10: memref<128xi32, #tpu.memory_space<vmem>>, %arg11: memref<3x128xi32, #tpu.memory_space<vmem>>, %arg12: memref<2x144xf32, #tpu.memory_space<vmem>>, %arg13: memref<2x128x64xf32, #tpu.memory_space<vmem>>, %arg14: memref<2x128x64xf32, #tpu.memory_space<vmem>>, %arg15: memref<2x128x80xf32, #tpu.memory_space<vmem>>, %arg16: memref<4x16xf32, #tpu.memory_space<vmem>>, %arg17: memref<4x16xf32, #tpu.memory_space<vmem>>, %arg18: memref<10240x80xf32, #tpu.memory_space<vmem_shared>>, %arg19: memref<!tpu.dma_semaphore, #tpu.memory_space<semaphore_mem>>, %arg20: memref<!tpu.dma_semaphore, #tpu.memory_space<semaphore_mem>>, %arg21: memref<!tpu.dma_semaphore, #tpu.memory_space<semaphore_mem>>, %arg22: memref<!tpu.dma_semaphore, #tpu.memory_space<semaphore_mem>>) attributes {dimension_semantics = [#tpu.dimension_semantics<core_parallel>, #tpu.dimension_semantics<subcore_parallel>], iteration_bounds = array<i64: 2, 16>, scalar_prefetch = 0 : i64, scratch_operands = 13 : i64, tpu.core_type = #tpu.core_type<sc_vector_subcore>, window_params = [{transform_indices = #map}, {transform_indices = #map}, {transform_indices = #map}, {transform_indices = #map1}, {transform_indices = #map1}, {transform_indices = #map1}, {transform_indices = #map1}, {transform_indices = #map2}]} {
    %mul3A = arith.constant 16 : i32
    %mul3A_0 = arith.muli %arg0, %mul3A : i32
    %add3A = arith.addi %mul3A_0, %arg1 : i32
    "tpu.region"() ({
      %run_scoped3A = tpu.sem_alloc : memref<!tpu.dma_semaphore, #tpu.memory_space<semaphore_mem>>
      tpu.enqueue_dma source(%arg6 : memref<4x16xf32, #tpu.memory_space<hbm>>) target(%arg16 : memref<4x16xf32, #tpu.memory_space<vmem>>) target_semaphore(%run_scoped3A : memref<!tpu.dma_semaphore, #tpu.memory_space<semaphore_mem>>)
      tpu.wait_dma2 semaphore(%run_scoped3A : memref<!tpu.dma_semaphore, #tpu.memory_space<semaphore_mem>>) src(%arg6 : memref<4x16xf32, #tpu.memory_space<hbm>>) dst(%arg16 : memref<4x16xf32, #tpu.memory_space<vmem>>)
      tpu.yield
    }) : () -> ()
    "tpu.region"() ({
      %run_scoped3A = tpu.sem_alloc : memref<!tpu.dma_semaphore, #tpu.memory_space<semaphore_mem>>
      tpu.enqueue_dma source(%arg7 : memref<4x16xf32, #tpu.memory_space<hbm>>) target(%arg17 : memref<4x16xf32, #tpu.memory_space<vmem>>) target_semaphore(%run_scoped3A : memref<!tpu.dma_semaphore, #tpu.memory_space<semaphore_mem>>)
      tpu.wait_dma2 semaphore(%run_scoped3A : memref<!tpu.dma_semaphore, #tpu.memory_space<semaphore_mem>>) src(%arg7 : memref<4x16xf32, #tpu.memory_space<hbm>>) dst(%arg17 : memref<4x16xf32, #tpu.memory_space<vmem>>)
      tpu.yield
    }) : () -> ()
    %mul3A_1 = arith.constant 640 : i32
    %mul3A_2 = arith.muli %arg1, %mul3A_1 : i32
    %mul3A_3 = arith.constant 640 : i32
    %mul3A_4 = arith.muli %arg1, %mul3A_3 : i32
    "tpu.region"() ({
      %run_scoped3A = tpu.sem_alloc : memref<!tpu.dma_semaphore, #tpu.memory_space<semaphore_mem>>
      %dma_start3A = arith.constant 0 : i32
      %dma_start3A_71 = tpu.memref_slice %arg18[%mul3A_4, %dma_start3A] : memref<10240x80xf32, #tpu.memory_space<vmem_shared>> -> memref<640x80xf32, #tpu.memory_space<vmem_shared>>
      %dma_start3A_72 = arith.constant 0 : i32
      %dma_start3A_73 = tpu.memref_slice %arg8[%mul3A_2, %dma_start3A_72] : memref<10240x80xf32, #tpu.memory_space<hbm>> -> memref<640x80xf32, #tpu.memory_space<hbm>>
      tpu.enqueue_dma source(%dma_start3A_73 : memref<640x80xf32, #tpu.memory_space<hbm>>) target(%dma_start3A_71 : memref<640x80xf32, #tpu.memory_space<vmem_shared>>) target_semaphore(%run_scoped3A : memref<!tpu.dma_semaphore, #tpu.memory_space<semaphore_mem>>)
      %dma_wait3A_74 = arith.constant 0 : i32
      %dma_wait3A_75 = tpu.memref_slice %arg18[%mul3A_4, %dma_wait3A_74] : memref<10240x80xf32, #tpu.memory_space<vmem_shared>> -> memref<640x80xf32, #tpu.memory_space<vmem_shared>>
      %dma_wait3A_76 = arith.constant 0 : i32
      %dma_wait3A_77 = tpu.memref_slice %arg8[%mul3A_2, %dma_wait3A_76] : memref<10240x80xf32, #tpu.memory_space<hbm>> -> memref<640x80xf32, #tpu.memory_space<hbm>>
      tpu.wait_dma2 semaphore(%run_scoped3A : memref<!tpu.dma_semaphore, #tpu.memory_space<semaphore_mem>>) src(%dma_wait3A_77 : memref<640x80xf32, #tpu.memory_space<hbm>>) dst(%dma_wait3A_75 : memref<640x80xf32, #tpu.memory_space<vmem_shared>>)
      tpu.yield
    }) : () -> ()
    %iota3A = tpu.iota {dimensions = array<i32: 0>} : vector<16xi32>
    %get3A = arith.constant 0 : i32
    %get3A_5 = arith.index_cast %get3A : i32 to index
    %get3A_6 = arith.constant 0 : index
    %get3A_7 = tpu.vector_load %arg16[%get3A_5, %get3A_6] {strides = array<i32>} : memref<4x16xf32, #tpu.memory_space<vmem>>, vector<16xf32>,
    %get3A_8 = arith.constant 1 : i32
    %get3A_9 = arith.index_cast %get3A_8 : i32 to index
    %get3A_10 = arith.constant 0 : index
    %get3A_11 = tpu.vector_load %arg16[%get3A_9, %get3A_10] {strides = array<i32>} : memref<4x16xf32, #tpu.memory_space<vmem>>, vector<16xf32>,
    %get3A_12 = arith.constant 2 : i32
    %get3A_13 = arith.index_cast %get3A_12 : i32 to index
    %get3A_14 = arith.constant 0 : index
    %get3A_15 = tpu.vector_load %arg16[%get3A_13, %get3A_14] {strides = array<i32>} : memref<4x16xf32, #tpu.memory_space<vmem>>, vector<16xf32>,
    %get3A_16 = arith.constant 3 : i32
    %get3A_17 = arith.index_cast %get3A_16 : i32 to index
    %get3A_18 = arith.constant 0 : index
    %get3A_19 = tpu.vector_load %arg16[%get3A_17, %get3A_18] {strides = array<i32>} : memref<4x16xf32, #tpu.memory_space<vmem>>, vector<16xf32>,
    %get3A_20 = arith.constant 0 : i32
    %get3A_21 = arith.index_cast %get3A_20 : i32 to index
    %get3A_22 = arith.constant 0 : index
    %get3A_23 = tpu.vector_load %arg17[%get3A_21, %get3A_22] {strides = array<i32>} : memref<4x16xf32, #tpu.memory_space<vmem>>, vector<16xf32>,
    %get3A_24 = arith.constant 1 : i32
    %get3A_25 = arith.index_cast %get3A_24 : i32 to index
    %get3A_26 = arith.constant 0 : index
    %get3A_27 = tpu.vector_load %arg17[%get3A_25, %get3A_26] {strides = array<i32>} : memref<4x16xf32, #tpu.memory_space<vmem>>, vector<16xf32>,
    %get3A_28 = arith.constant 2 : i32
    %get3A_29 = arith.index_cast %get3A_28 : i32 to index
    %get3A_30 = arith.constant 0 : index
    %get3A_31 = tpu.vector_load %arg17[%get3A_29, %get3A_30] {strides = array<i32>} : memref<4x16xf32, #tpu.memory_space<vmem>>, vector<16xf32>,
    %get3A_32 = arith.constant 3 : i32
    %get3A_33 = arith.index_cast %get3A_32 : i32 to index
    %get3A_34 = arith.constant 0 : index
    %get3A_35 = tpu.vector_load %arg17[%get3A_33, %get3A_34] {strides = array<i32>} : memref<4x16xf32, #tpu.memory_space<vmem>>, vector<16xf32>,
    %barrier3A = arith.constant 0 : index
    tpu.barrier barrier_id(%barrier3A)
    %mul3A_36 = arith.constant 10368 : i32
    %mul3A_37 = arith.muli %add3A, %mul3A_36 : i32
    %scan3A = arith.constant 0 : i32
    %scan3A_38 = arith.constant 0 : i32
    %scan3A_39 = arith.constant 82 : i32
    %scan3A_40 = arith.addi %scan3A_38, %scan3A_39 : i32
    %scan3A_41 = arith.constant 1 : i32
    scf.for %scan3A_71 = %scan3A_38 to %scan3A_40 step %scan3A_41  : i32 {
      %jit3A = arith.constant 2 : i32
      %eq3A = arith.constant 0 : i32
      %eq3A_72 = arith.cmpi eq, %jit3A, %eq3A : i32
      %jit3A_73 = arith.constant 1 : i32
      %select_n3A = arith.select %eq3A_72, %jit3A_73, %jit3A : i32
      %rem3A = arith.remsi %scan3A_71, %select_n3A : i32
      %ne3A = arith.constant 0 : i32
      %ne3A_74 = arith.cmpi ne, %rem3A, %ne3A : i32
      %lt3A = arith.constant 0 : i32
      %lt3A_75 = arith.cmpi slt, %rem3A, %lt3A : i32
      %lt3A_76 = arith.constant 0 : i32
      %lt3A_77 = arith.cmpi slt, %select_n3A, %lt3A_76 : i32
      %ne3A_78 = arith.xori %lt3A_75, %lt3A_77 : i1
      %and3A = arith.andi %ne3A_78, %ne3A_74 : i1
      %add3A_79 = arith.addi %rem3A, %select_n3A : i32
      %select_n3A_80 = arith.select %and3A, %add3A_79, %rem3A : i32
      %sub3A = arith.constant 1 : i32
      %sub3A_81 = arith.subi %sub3A, %select_n3A_80 : i32
      %rem3A_82 = arith.constant 3 : i32
      %rem3A_83 = arith.remsi %scan3A_71, %rem3A_82 : i32
      %add3A_84 = arith.constant 2 : i32
      %add3A_85 = arith.addi %scan3A_71, %add3A_84 : i32
      %rem3A_86 = arith.constant 3 : i32
      %rem3A_87 = arith.remsi %add3A_85, %rem3A_86 : i32
      %ge3A = arith.constant 3 : i32
      %ge3A_88 = arith.cmpi sge, %scan3A_71, %ge3A : i32
      %eq3A_89 = arith.constant 0 : i32
      %eq3A_90 = arith.cmpi eq, %sub3A_81, %eq3A_89 : i32
      %and3A_91 = arith.andi %ge3A_88, %eq3A_90 : i1
      %convert_element_type3A = arith.extui %and3A_91 : i1 to i32
      %cond3A = arith.constant 0 : i32
      %cond3A_92 = arith.cmpi ne, %convert_element_type3A, %cond3A : i32
      scf.if %cond3A_92 {
        %dma_wait3A_115 = arith.constant 0 : i32
        %dma_wait3A_116 = arith.constant 0 : i32
        %dma_wait3A_117 = arith.constant 0 : i32
        %dma_wait3A_118 = tpu.memref_slice %arg15[%dma_wait3A_115, %dma_wait3A_116, %dma_wait3A_117] : memref<2x128x80xf32, #tpu.memory_space<vmem>> -> memref<1x128x80xf32, #tpu.memory_space<vmem>>
        %dma_wait3A_119 = tpu.memref_squeeze %dma_wait3A_118 : memref<1x128x80xf32, #tpu.memory_space<vmem>> -> memref<128x80xf32, #tpu.memory_space<vmem>>
        %dma_wait3A_120 = arith.constant 0 : i32
        %dma_wait3A_121 = tpu.memref_slice %arg11[%rem3A_83, %dma_wait3A_120] : memref<3x128xi32, #tpu.memory_space<vmem>> -> memref<1x128xi32, #tpu.memory_space<vmem>>
        %dma_wait3A_122 = tpu.memref_squeeze %dma_wait3A_121 : memref<1x128xi32, #tpu.memory_space<vmem>> -> memref<128xi32, #tpu.memory_space<vmem>>
        %dma_wait3A_123 = arith.constant 0 : i32
        %dma_wait3A_124 = arith.constant 0 : i32
        %dma_wait3A_125 = tpu.memref_slice %arg18[%dma_wait3A_123, %dma_wait3A_124] : memref<10240x80xf32, #tpu.memory_space<vmem_shared>> -> memref<10240x80xf32, #tpu.memory_space<vmem_shared>>
        tpu.wait_indirect_dma semaphore(%arg21 : memref<!tpu.dma_semaphore, #tpu.memory_space<semaphore_mem>>) src(%dma_wait3A_119 : memref<128x80xf32, #tpu.memory_space<vmem>>) dst(%dma_wait3A_125 : memref<10240x80xf32, #tpu.memory_space<vmem_shared>>)
      } else {
      }
      %ge3A_93 = arith.constant 3 : i32
      %ge3A_94 = arith.cmpi sge, %scan3A_71, %ge3A_93 : i32
      %eq3A_95 = arith.constant 1 : i32
      %eq3A_96 = arith.cmpi eq, %sub3A_81, %eq3A_95 : i32
      %and3A_97 = arith.andi %ge3A_94, %eq3A_96 : i1
      %convert_element_type3A_98 = arith.extui %and3A_97 : i1 to i32
      %cond3A_99 = arith.constant 0 : i32
      %cond3A_100 = arith.cmpi ne, %convert_element_type3A_98, %cond3A_99 : i32
      scf.if %cond3A_100 {
        %dma_wait3A_115 = arith.constant 1 : i32
        %dma_wait3A_116 = arith.constant 0 : i32
        %dma_wait3A_117 = arith.constant 0 : i32
        %dma_wait3A_118 = tpu.memref_slice %arg15[%dma_wait3A_115, %dma_wait3A_116, %dma_wait3A_117] : memref<2x128x80xf32, #tpu.memory_space<vmem>> -> memref<1x128x80xf32, #tpu.memory_space<vmem>>
        %dma_wait3A_119 = tpu.memref_squeeze %dma_wait3A_118 : memref<1x128x80xf32, #tpu.memory_space<vmem>> -> memref<128x80xf32, #tpu.memory_space<vmem>>
        %dma_wait3A_120 = arith.constant 0 : i32
        %dma_wait3A_121 = tpu.memref_slice %arg11[%rem3A_83, %dma_wait3A_120] : memref<3x128xi32, #tpu.memory_space<vmem>> -> memref<1x128xi32, #tpu.memory_space<vmem>>
        %dma_wait3A_122 = tpu.memref_squeeze %dma_wait3A_121 : memref<1x128xi32, #tpu.memory_space<vmem>> -> memref<128xi32, #tpu.memory_space<vmem>>
        %dma_wait3A_123 = arith.constant 0 : i32
        %dma_wait3A_124 = arith.constant 0 : i32
        %dma_wait3A_125 = tpu.memref_slice %arg18[%dma_wait3A_123, %dma_wait3A_124] : memref<10240x80xf32, #tpu.memory_space<vmem_shared>> -> memref<10240x80xf32, #tpu.memory_space<vmem_shared>>
        tpu.wait_indirect_dma semaphore(%arg22 : memref<!tpu.dma_semaphore, #tpu.memory_space<semaphore_mem>>) src(%dma_wait3A_119 : memref<128x80xf32, #tpu.memory_space<vmem>>) dst(%dma_wait3A_125 : memref<10240x80xf32, #tpu.memory_space<vmem_shared>>)
      } else {
      }
      %lt3A_101 = arith.constant 81 : i32
      %lt3A_102 = arith.cmpi slt, %scan3A_71, %lt3A_101 : i32
      %convert_element_type3A_103 = arith.extui %lt3A_102 : i1 to i32
      %cond3A_104 = arith.constant 0 : i32
      %cond3A_105 = arith.cmpi ne, %convert_element_type3A_103, %cond3A_104 : i32
      scf.if %cond3A_105 {
        %mul3A_115 = arith.constant 128 : i32
        %mul3A_116 = arith.muli %scan3A_71, %mul3A_115 : i32
        %add3A_117 = arith.addi %mul3A_37, %mul3A_116 : i32
        "tpu.region"() ({
          %run_scoped3A = tpu.sem_alloc : memref<!tpu.dma_semaphore, #tpu.memory_space<semaphore_mem>>
          %dma_start3A_134 = tpu.memref_slice %arg2[%add3A_117] : memref<331776xi32, #tpu.memory_space<hbm>> -> memref<128xi32, #tpu.memory_space<hbm>>
          %dma_start3A_135 = tpu.memref_slice %arg2[%add3A_117] : memref<331776xi32, #tpu.memory_space<hbm>> -> memref<128xi32, #tpu.memory_space<hbm>>
          tpu.enqueue_dma source(%dma_start3A_135 : memref<128xi32, #tpu.memory_space<hbm>>) target(%arg10 : memref<128xi32, #tpu.memory_space<vmem>>) target_semaphore(%run_scoped3A : memref<!tpu.dma_semaphore, #tpu.memory_space<semaphore_mem>>)
          %dma_wait3A_136 = tpu.memref_slice %arg2[%add3A_117] : memref<331776xi32, #tpu.memory_space<hbm>> -> memref<128xi32, #tpu.memory_space<hbm>>
          %dma_wait3A_137 = tpu.memref_slice %arg2[%add3A_117] : memref<331776xi32, #tpu.memory_space<hbm>> -> memref<128xi32, #tpu.memory_space<hbm>>
          tpu.wait_dma2 semaphore(%run_scoped3A : memref<!tpu.dma_semaphore, #tpu.memory_space<semaphore_mem>>) src(%dma_wait3A_137 : memref<128xi32, #tpu.memory_space<hbm>>) dst(%arg10 : memref<128xi32, #tpu.memory_space<vmem>>)
          tpu.yield
        }) : () -> ()
        "tpu.region"() ({
          %run_scoped3A = tpu.sem_alloc : memref<!tpu.dma_semaphore, #tpu.memory_space<semaphore_mem>>
          %dma_start3A_134 = arith.constant 0 : i32
          %dma_start3A_135 = tpu.memref_slice %arg11[%rem3A_83, %dma_start3A_134] : memref<3x128xi32, #tpu.memory_space<vmem>> -> memref<1x128xi32, #tpu.memory_space<vmem>>
          %dma_start3A_136 = tpu.memref_squeeze %dma_start3A_135 : memref<1x128xi32, #tpu.memory_space<vmem>> -> memref<128xi32, #tpu.memory_space<vmem>>
          %dma_start3A_137 = tpu.memref_slice %arg3[%add3A_117] : memref<331776xi32, #tpu.memory_space<hbm>> -> memref<128xi32, #tpu.memory_space<hbm>>
          %dma_start3A_138 = arith.constant 0 : i32
          %dma_start3A_139 = tpu.memref_slice %arg11[%rem3A_83, %dma_start3A_138] : memref<3x128xi32, #tpu.memory_space<vmem>> -> memref<1x128xi32, #tpu.memory_space<vmem>>
          %dma_start3A_140 = tpu.memref_squeeze %dma_start3A_139 : memref<1x128xi32, #tpu.memory_space<vmem>> -> memref<128xi32, #tpu.memory_space<vmem>>
          %dma_start3A_141 = tpu.memref_slice %arg3[%add3A_117] : memref<331776xi32, #tpu.memory_space<hbm>> -> memref<128xi32, #tpu.memory_space<hbm>>
          tpu.enqueue_dma source(%dma_start3A_141 : memref<128xi32, #tpu.memory_space<hbm>>) target(%dma_start3A_140 : memref<128xi32, #tpu.memory_space<vmem>>) target_semaphore(%run_scoped3A : memref<!tpu.dma_semaphore, #tpu.memory_space<semaphore_mem>>)
          %dma_wait3A_142 = arith.constant 0 : i32
          %dma_wait3A_143 = tpu.memref_slice %arg11[%rem3A_83, %dma_wait3A_142] : memref<3x128xi32, #tpu.memory_space<vmem>> -> memref<1x128xi32, #tpu.memory_space<vmem>>
          %dma_wait3A_144 = tpu.memref_squeeze %dma_wait3A_143 : memref<1x128xi32, #tpu.memory_space<vmem>> -> memref<128xi32, #tpu.memory_space<vmem>>
          %dma_wait3A_145 = tpu.memref_slice %arg3[%add3A_117] : memref<331776xi32, #tpu.memory_space<hbm>> -> memref<128xi32, #tpu.memory_space<hbm>>
          %dma_wait3A_146 = arith.constant 0 : i32
          %dma_wait3A_147 = tpu.memref_slice %arg11[%rem3A_83, %dma_wait3A_146] : memref<3x128xi32, #tpu.memory_space<vmem>> -> memref<1x128xi32, #tpu.memory_space<vmem>>
          %dma_wait3A_148 = tpu.memref_squeeze %dma_wait3A_147 : memref<1x128xi32, #tpu.memory_space<vmem>> -> memref<128xi32, #tpu.memory_space<vmem>>
          %dma_wait3A_149 = tpu.memref_slice %arg3[%add3A_117] : memref<331776xi32, #tpu.memory_space<hbm>> -> memref<128xi32, #tpu.memory_space<hbm>>
          tpu.wait_dma2 semaphore(%run_scoped3A : memref<!tpu.dma_semaphore, #tpu.memory_space<semaphore_mem>>) src(%dma_wait3A_149 : memref<128xi32, #tpu.memory_space<hbm>>) dst(%dma_wait3A_148 : memref<128xi32, #tpu.memory_space<vmem>>)
          tpu.yield
        }) : () -> ()
        "tpu.region"() ({
          %run_scoped3A = tpu.sem_alloc : memref<!tpu.dma_semaphore, #tpu.memory_space<semaphore_mem>>
          %dma_start3A_134 = arith.constant 0 : i32
          %dma_start3A_135 = tpu.memref_slice %arg12[%select_n3A_80, %dma_start3A_134] : memref<2x144xf32, #tpu.memory_space<vmem>> -> memref<1x128xf32, #tpu.memory_space<vmem>>
          %dma_start3A_136 = tpu.memref_squeeze %dma_start3A_135 : memref<1x128xf32, #tpu.memory_space<vmem>> -> memref<128xf32, #tpu.memory_space<vmem>>
          %dma_start3A_137 = tpu.memref_slice %arg4[%add3A_117] : memref<331776xf32, #tpu.memory_space<hbm>> -> memref<128xf32, #tpu.memory_space<hbm>>
          %dma_start3A_138 = arith.constant 0 : i32
          %dma_start3A_139 = tpu.memref_slice %arg12[%select_n3A_80, %dma_start3A_138] : memref<2x144xf32, #tpu.memory_space<vmem>> -> memref<1x128xf32, #tpu.memory_space<vmem>>
          %dma_start3A_140 = tpu.memref_squeeze %dma_start3A_139 : memref<1x128xf32, #tpu.memory_space<vmem>> -> memref<128xf32, #tpu.memory_space<vmem>>
          %dma_start3A_141 = tpu.memref_slice %arg4[%add3A_117] : memref<331776xf32, #tpu.memory_space<hbm>> -> memref<128xf32, #tpu.memory_space<hbm>>
          tpu.enqueue_dma source(%dma_start3A_141 : memref<128xf32, #tpu.memory_space<hbm>>) target(%dma_start3A_140 : memref<128xf32, #tpu.memory_space<vmem>>) target_semaphore(%run_scoped3A : memref<!tpu.dma_semaphore, #tpu.memory_space<semaphore_mem>>)
          %dma_wait3A_142 = arith.constant 0 : i32
          %dma_wait3A_143 = tpu.memref_slice %arg12[%select_n3A_80, %dma_wait3A_142] : memref<2x144xf32, #tpu.memory_space<vmem>> -> memref<1x128xf32, #tpu.memory_space<vmem>>
          %dma_wait3A_144 = tpu.memref_squeeze %dma_wait3A_143 : memref<1x128xf32, #tpu.memory_space<vmem>> -> memref<128xf32, #tpu.memory_space<vmem>>
          %dma_wait3A_145 = tpu.memref_slice %arg4[%add3A_117] : memref<331776xf32, #tpu.memory_space<hbm>> -> memref<128xf32, #tpu.memory_space<hbm>>
          %dma_wait3A_146 = arith.constant 0 : i32
          %dma_wait3A_147 = tpu.memref_slice %arg12[%select_n3A_80, %dma_wait3A_146] : memref<2x144xf32, #tpu.memory_space<vmem>> -> memref<1x128xf32, #tpu.memory_space<vmem>>
          %dma_wait3A_148 = tpu.memref_squeeze %dma_wait3A_147 : memref<1x128xf32, #tpu.memory_space<vmem>> -> memref<128xf32, #tpu.memory_space<vmem>>
          %dma_wait3A_149 = tpu.memref_slice %arg4[%add3A_117] : memref<331776xf32, #tpu.memory_space<hbm>> -> memref<128xf32, #tpu.memory_space<hbm>>
          tpu.wait_dma2 semaphore(%run_scoped3A : memref<!tpu.dma_semaphore, #tpu.memory_space<semaphore_mem>>) src(%dma_wait3A_149 : memref<128xf32, #tpu.memory_space<hbm>>) dst(%dma_wait3A_148 : memref<128xf32, #tpu.memory_space<vmem>>)
          tpu.yield
        }) : () -> ()
        %dma_start3A = arith.constant 0 : i32
        %dma_start3A_118 = arith.constant 0 : i32
        %dma_start3A_119 = tpu.memref_slice %arg13[%select_n3A_80, %dma_start3A, %dma_start3A_118] : memref<2x128x64xf32, #tpu.memory_space<vmem>> -> memref<1x128x64xf32, #tpu.memory_space<vmem>>
        %dma_start3A_120 = tpu.memref_squeeze %dma_start3A_119 : memref<1x128x64xf32, #tpu.memory_space<vmem>> -> memref<128x64xf32, #tpu.memory_space<vmem>>
        %dma_start3A_121 = arith.constant 0 : i32
        %dma_start3A_122 = arith.constant 0 : i32
        %dma_start3A_123 = tpu.memref_slice %arg5[%dma_start3A_121, %dma_start3A_122] : memref<10240x64xf32, #tpu.memory_space<hbm>> -> memref<10240x64xf32, #tpu.memory_space<hbm>>
        tpu.enqueue_indirect_dma source(%dma_start3A_123 : memref<10240x64xf32, #tpu.memory_space<hbm>>) target(%dma_start3A_120 : memref<128x64xf32, #tpu.memory_space<vmem>>) offsets(%arg10 : memref<128xi32, #tpu.memory_space<vmem>>) semaphore(%arg19 : memref<!tpu.dma_semaphore, #tpu.memory_space<semaphore_mem>>)
        %dma_start3A_124 = arith.constant 0 : i32
        %dma_start3A_125 = arith.constant 0 : i32
        %dma_start3A_126 = tpu.memref_slice %arg14[%select_n3A_80, %dma_start3A_124, %dma_start3A_125] : memref<2x128x64xf32, #tpu.memory_space<vmem>> -> memref<1x128x64xf32, #tpu.memory_space<vmem>>
        %dma_start3A_127 = tpu.memref_squeeze %dma_start3A_126 : memref<1x128x64xf32, #tpu.memory_space<vmem>> -> memref<128x64xf32, #tpu.memory_space<vmem>>
        %dma_start3A_128 = arith.constant 0 : i32
        %dma_start3A_129 = tpu.memref_slice %arg11[%rem3A_83, %dma_start3A_128] : memref<3x128xi32, #tpu.memory_space<vmem>> -> memref<1x128xi32, #tpu.memory_space<vmem>>
        %dma_start3A_130 = tpu.memref_squeeze %dma_start3A_129 : memref<1x128xi32, #tpu.memory_space<vmem>> -> memref<128xi32, #tpu.memory_space<vmem>>
        %dma_start3A_131 = arith.constant 0 : i32
        %dma_start3A_132 = arith.constant 0 : i32
        %dma_start3A_133 = tpu.memref_slice %arg5[%dma_start3A_131, %dma_start3A_132] : memref<10240x64xf32, #tpu.memory_space<hbm>> -> memref<10240x64xf32, #tpu.memory_space<hbm>>
        tpu.enqueue_indirect_dma source(%dma_start3A_133 : memref<10240x64xf32, #tpu.memory_space<hbm>>) target(%dma_start3A_127 : memref<128x64xf32, #tpu.memory_space<vmem>>) offsets(%dma_start3A_130 : memref<128xi32, #tpu.memory_space<vmem>>) semaphore(%arg20 : memref<!tpu.dma_semaphore, #tpu.memory_space<semaphore_mem>>)
      } else {
      }
      %gt3A = arith.constant 0 : i32
      %gt3A_106 = arith.cmpi sgt, %scan3A_71, %gt3A : i32
      %convert_element_type3A_107 = arith.extui %gt3A_106 : i1 to i32
      %cond3A_108 = arith.constant 0 : i32
      %cond3A_109 = arith.cmpi ne, %convert_element_type3A_107, %cond3A_108 : i32
      scf.if %cond3A_109 {
        %parallel_loop3A = arith.constant 0 : i32
        %parallel_loop3A_115 = arith.constant 128 : i32
        %parallel_loop3A_116 = arith.constant 1 : i32
        scf.for %parallel_loop3A_127 = %parallel_loop3A to %parallel_loop3A_115 step %parallel_loop3A_116  : i32 {
          %parallel_loop3A_128 = arith.index_cast %sub3A_81 : i32 to index
          %parallel_loop3A_129 = arith.index_cast %parallel_loop3A_127 : i32 to index
          %parallel_loop3A_130 = tpu.vector_load %arg12[%parallel_loop3A_128, %parallel_loop3A_129] {strides = array<i32>} : memref<2x144xf32, #tpu.memory_space<vmem>>, vector<16xf32>,
          %parallel_loop3A_131 = vector.extract_strided_slice %parallel_loop3A_130 {offsets = [0], sizes = [1], strides = [1]} : vector<16xf32> to vector<1xf32>
          %parallel_loop3A_132 = vector.extract %parallel_loop3A_131[0] : f32 from vector<1xf32>
          %parallel_loop3A_133 = arith.constant 0.000000e+00 : f32
          %parallel_loop3A_134 = vector.broadcast %parallel_loop3A_133 : f32 to vector<16xf32>
          %parallel_loop3A_135 = arith.constant 0.000000e+00 : f32
          %parallel_loop3A_136 = vector.broadcast %parallel_loop3A_135 : f32 to vector<16xf32>
          %parallel_loop3A_137 = arith.index_cast %sub3A_81 : i32 to index
          %parallel_loop3A_138 = arith.index_cast %parallel_loop3A_127 : i32 to index
          %parallel_loop3A_139 = arith.constant 0 : index
          %parallel_loop3A_140 = tpu.vector_load %arg13[%parallel_loop3A_137, %parallel_loop3A_138, %parallel_loop3A_139] {strides = array<i32>} : memref<2x128x64xf32, #tpu.memory_space<vmem>>, vector<16xf32>,
          %parallel_loop3A_141 = arith.index_cast %sub3A_81 : i32 to index
          %parallel_loop3A_142 = arith.index_cast %parallel_loop3A_127 : i32 to index
          %parallel_loop3A_143 = arith.constant 0 : index
          %parallel_loop3A_144 = tpu.vector_load %arg14[%parallel_loop3A_141, %parallel_loop3A_142, %parallel_loop3A_143] {strides = array<i32>} : memref<2x128x64xf32, #tpu.memory_space<vmem>>, vector<16xf32>,
          %parallel_loop3A_145 = arith.addf %parallel_loop3A_140, %parallel_loop3A_144 : vector<16xf32>
          %parallel_loop3A_146 = vector.broadcast %parallel_loop3A_132 : f32 to vector<16xf32>
          %parallel_loop3A_147 = arith.mulf %parallel_loop3A_146, %get3A_23 : vector<16xf32>
          %parallel_loop3A_148 = arith.addf %parallel_loop3A_145, %parallel_loop3A_147 : vector<16xf32>
          %parallel_loop3A_149 = arith.constant 2.000000e-01 : f32
          %parallel_loop3A_150 = vector.broadcast %parallel_loop3A_149 : f32 to vector<16xf32>
          %parallel_loop3A_151 = arith.mulf %parallel_loop3A_150, %parallel_loop3A_148 : vector<16xf32>
          %parallel_loop3A_152 = arith.maximumf %parallel_loop3A_148, %parallel_loop3A_151 : vector<16xf32>
          %parallel_loop3A_153 = arith.mulf %parallel_loop3A_152, %get3A_7 : vector<16xf32>
          %parallel_loop3A_154 = arith.addf %parallel_loop3A_136, %parallel_loop3A_153 : vector<16xf32>
          %parallel_loop3A_155 = arith.index_cast %sub3A_81 : i32 to index
          %parallel_loop3A_156 = arith.index_cast %parallel_loop3A_127 : i32 to index
          %parallel_loop3A_157 = arith.constant 16 : index
          %parallel_loop3A_158 = tpu.vector_load %arg13[%parallel_loop3A_155, %parallel_loop3A_156, %parallel_loop3A_157] {strides = array<i32>} : memref<2x128x64xf32, #tpu.memory_space<vmem>>, vector<16xf32>,
          %parallel_loop3A_159 = arith.index_cast %sub3A_81 : i32 to index
          %parallel_loop3A_160 = arith.index_cast %parallel_loop3A_127 : i32 to index
          %parallel_loop3A_161 = arith.constant 16 : index
          %parallel_loop3A_162 = tpu.vector_load %arg14[%parallel_loop3A_159, %parallel_loop3A_160, %parallel_loop3A_161] {strides = array<i32>} : memref<2x128x64xf32, #tpu.memory_space<vmem>>, vector<16xf32>,
          %parallel_loop3A_163 = arith.addf %parallel_loop3A_158, %parallel_loop3A_162 : vector<16xf32>
          %parallel_loop3A_164 = vector.broadcast %parallel_loop3A_132 : f32 to vector<16xf32>
          %parallel_loop3A_165 = arith.mulf %parallel_loop3A_164, %get3A_27 : vector<16xf32>
          %parallel_loop3A_166 = arith.addf %parallel_loop3A_163, %parallel_loop3A_165 : vector<16xf32>
          %parallel_loop3A_167 = arith.constant 2.000000e-01 : f32
          %parallel_loop3A_168 = vector.broadcast %parallel_loop3A_167 : f32 to vector<16xf32>
          %parallel_loop3A_169 = arith.mulf %parallel_loop3A_168, %parallel_loop3A_166 : vector<16xf32>
          %parallel_loop3A_170 = arith.maximumf %parallel_loop3A_166, %parallel_loop3A_169 : vector<16xf32>
          %parallel_loop3A_171 = arith.mulf %parallel_loop3A_170, %get3A_11 : vector<16xf32>
          %parallel_loop3A_172 = arith.addf %parallel_loop3A_154, %parallel_loop3A_171 : vector<16xf32>
          %parallel_loop3A_173 = arith.index_cast %sub3A_81 : i32 to index
          %parallel_loop3A_174 = arith.index_cast %parallel_loop3A_127 : i32 to index
          %parallel_loop3A_175 = arith.constant 32 : index
          %parallel_loop3A_176 = tpu.vector_load %arg13[%parallel_loop3A_173, %parallel_loop3A_174, %parallel_loop3A_175] {strides = array<i32>} : memref<2x128x64xf32, #tpu.memory_space<vmem>>, vector<16xf32>,
          %parallel_loop3A_177 = arith.index_cast %sub3A_81 : i32 to index
          %parallel_loop3A_178 = arith.index_cast %parallel_loop3A_127 : i32 to index
          %parallel_loop3A_179 = arith.constant 32 : index
          %parallel_loop3A_180 = tpu.vector_load %arg14[%parallel_loop3A_177, %parallel_loop3A_178, %parallel_loop3A_179] {strides = array<i32>} : memref<2x128x64xf32, #tpu.memory_space<vmem>>, vector<16xf32>,
          %parallel_loop3A_181 = arith.addf %parallel_loop3A_176, %parallel_loop3A_180 : vector<16xf32>
          %parallel_loop3A_182 = vector.broadcast %parallel_loop3A_132 : f32 to vector<16xf32>
          %parallel_loop3A_183 = arith.mulf %parallel_loop3A_182, %get3A_31 : vector<16xf32>
          %parallel_loop3A_184 = arith.addf %parallel_loop3A_181, %parallel_loop3A_183 : vector<16xf32>
          %parallel_loop3A_185 = arith.constant 2.000000e-01 : f32
          %parallel_loop3A_186 = vector.broadcast %parallel_loop3A_185 : f32 to vector<16xf32>
          %parallel_loop3A_187 = arith.mulf %parallel_loop3A_186, %parallel_loop3A_184 : vector<16xf32>
          %parallel_loop3A_188 = arith.maximumf %parallel_loop3A_184, %parallel_loop3A_187 : vector<16xf32>
          %parallel_loop3A_189 = arith.mulf %parallel_loop3A_188, %get3A_15 : vector<16xf32>
          %parallel_loop3A_190 = arith.addf %parallel_loop3A_172, %parallel_loop3A_189 : vector<16xf32>
          %parallel_loop3A_191 = arith.index_cast %sub3A_81 : i32 to index
          %parallel_loop3A_192 = arith.index_cast %parallel_loop3A_127 : i32 to index
          %parallel_loop3A_193 = arith.constant 48 : index
          %parallel_loop3A_194 = tpu.vector_load %arg13[%parallel_loop3A_191, %parallel_loop3A_192, %parallel_loop3A_193] {strides = array<i32>} : memref<2x128x64xf32, #tpu.memory_space<vmem>>, vector<16xf32>,
          %parallel_loop3A_195 = arith.index_cast %sub3A_81 : i32 to index
          %parallel_loop3A_196 = arith.index_cast %parallel_loop3A_127 : i32 to index
          %parallel_loop3A_197 = arith.constant 48 : index
          %parallel_loop3A_198 = tpu.vector_load %arg14[%parallel_loop3A_195, %parallel_loop3A_196, %parallel_loop3A_197] {strides = array<i32>} : memref<2x128x64xf32, #tpu.memory_space<vmem>>, vector<16xf32>,
          %parallel_loop3A_199 = arith.addf %parallel_loop3A_194, %parallel_loop3A_198 : vector<16xf32>
          %parallel_loop3A_200 = vector.broadcast %parallel_loop3A_132 : f32 to vector<16xf32>
          %parallel_loop3A_201 = arith.mulf %parallel_loop3A_200, %get3A_35 : vector<16xf32>
          %parallel_loop3A_202 = arith.addf %parallel_loop3A_199, %parallel_loop3A_201 : vector<16xf32>
          %parallel_loop3A_203 = arith.constant 2.000000e-01 : f32
          %parallel_loop3A_204 = vector.broadcast %parallel_loop3A_203 : f32 to vector<16xf32>
          %parallel_loop3A_205 = arith.mulf %parallel_loop3A_204, %parallel_loop3A_202 : vector<16xf32>
          %parallel_loop3A_206 = arith.maximumf %parallel_loop3A_202, %parallel_loop3A_205 : vector<16xf32>
          %parallel_loop3A_207 = arith.mulf %parallel_loop3A_206, %get3A_19 : vector<16xf32>
          %parallel_loop3A_208 = arith.addf %parallel_loop3A_190, %parallel_loop3A_207 : vector<16xf32>
          %parallel_loop3A_209 = arith.constant true
          %parallel_loop3A_210 = vector.broadcast %parallel_loop3A_209 : i1 to vector<16xi1>
          %parallel_loop3A_211 = tpu.scan <sum>, %parallel_loop3A_208 masked %parallel_loop3A_210 : vector<16xf32>, vector<16xi1> -> vector<16xf32>
          %parallel_loop3A_212 = vector.extract_strided_slice %parallel_loop3A_211 {offsets = [15], sizes = [1], strides = [1]} : vector<16xf32> to vector<1xf32>
          %parallel_loop3A_213 = vector.extract %parallel_loop3A_212[0] : f32 from vector<1xf32>
          %parallel_loop3A_214 = vector.broadcast %parallel_loop3A_213 : f32 to vector<16xf32>
          %parallel_loop3A_215 = math.exp %parallel_loop3A_214 : vector<16xf32>
          %parallel_loop3A_216 = arith.mulf %parallel_loop3A_140, %parallel_loop3A_215 : vector<16xf32>
          %parallel_loop3A_217 = arith.index_cast %sub3A_81 : i32 to index
          %parallel_loop3A_218 = arith.index_cast %parallel_loop3A_127 : i32 to index
          %parallel_loop3A_219 = arith.constant 0 : index
          %parallel_loop3A_220 = tpu.vector_load %arg15[%parallel_loop3A_217, %parallel_loop3A_218, %parallel_loop3A_219] {strides = array<i32>} : memref<2x128x80xf32, #tpu.memory_space<vmem>>, vector<16xf32>,
          tpu.vector_store %arg15[%parallel_loop3A_217, %parallel_loop3A_218, %parallel_loop3A_219], %parallel_loop3A_216 {strides = array<i32>} : memref<2x128x80xf32, #tpu.memory_space<vmem>>, vector<16xf32>,
          %parallel_loop3A_221 = arith.mulf %parallel_loop3A_158, %parallel_loop3A_215 : vector<16xf32>
          %parallel_loop3A_222 = arith.index_cast %sub3A_81 : i32 to index
          %parallel_loop3A_223 = arith.index_cast %parallel_loop3A_127 : i32 to index
          %parallel_loop3A_224 = arith.constant 16 : index
          %parallel_loop3A_225 = tpu.vector_load %arg15[%parallel_loop3A_222, %parallel_loop3A_223, %parallel_loop3A_224] {strides = array<i32>} : memref<2x128x80xf32, #tpu.memory_space<vmem>>, vector<16xf32>,
          tpu.vector_store %arg15[%parallel_loop3A_222, %parallel_loop3A_223, %parallel_loop3A_224], %parallel_loop3A_221 {strides = array<i32>} : memref<2x128x80xf32, #tpu.memory_space<vmem>>, vector<16xf32>,
          %parallel_loop3A_226 = arith.mulf %parallel_loop3A_176, %parallel_loop3A_215 : vector<16xf32>
          %parallel_loop3A_227 = arith.index_cast %sub3A_81 : i32 to index
          %parallel_loop3A_228 = arith.index_cast %parallel_loop3A_127 : i32 to index
          %parallel_loop3A_229 = arith.constant 32 : index
          %parallel_loop3A_230 = tpu.vector_load %arg15[%parallel_loop3A_227, %parallel_loop3A_228, %parallel_loop3A_229] {strides = array<i32>} : memref<2x128x80xf32, #tpu.memory_space<vmem>>, vector<16xf32>,
          tpu.vector_store %arg15[%parallel_loop3A_227, %parallel_loop3A_228, %parallel_loop3A_229], %parallel_loop3A_226 {strides = array<i32>} : memref<2x128x80xf32, #tpu.memory_space<vmem>>, vector<16xf32>,
          %parallel_loop3A_231 = arith.mulf %parallel_loop3A_194, %parallel_loop3A_215 : vector<16xf32>
          %parallel_loop3A_232 = arith.index_cast %sub3A_81 : i32 to index
          %parallel_loop3A_233 = arith.index_cast %parallel_loop3A_127 : i32 to index
          %parallel_loop3A_234 = arith.constant 48 : index
          %parallel_loop3A_235 = tpu.vector_load %arg15[%parallel_loop3A_232, %parallel_loop3A_233, %parallel_loop3A_234] {strides = array<i32>} : memref<2x128x80xf32, #tpu.memory_space<vmem>>, vector<16xf32>,
          tpu.vector_store %arg15[%parallel_loop3A_232, %parallel_loop3A_233, %parallel_loop3A_234], %parallel_loop3A_231 {strides = array<i32>} : memref<2x128x80xf32, #tpu.memory_space<vmem>>, vector<16xf32>,
          %parallel_loop3A_236 = arith.constant 0 : i32
          %parallel_loop3A_237 = vector.broadcast %parallel_loop3A_236 : i32 to vector<16xi32>
          %parallel_loop3A_238 = arith.cmpi eq, %iota3A, %parallel_loop3A_237 : vector<16xi32>
          %parallel_loop3A_239 = arith.constant 0.000000e+00 : f32
          %parallel_loop3A_240 = vector.broadcast %parallel_loop3A_239 : f32 to vector<16xf32>
          %parallel_loop3A_241 = arith.select %parallel_loop3A_238, %parallel_loop3A_215, %parallel_loop3A_240 : vector<16xi1>, vector<16xf32>
          %parallel_loop3A_242 = arith.addf %parallel_loop3A_134, %parallel_loop3A_241 : vector<16xf32>
          %parallel_loop3A_243 = arith.index_cast %sub3A_81 : i32 to index
          %parallel_loop3A_244 = arith.index_cast %parallel_loop3A_127 : i32 to index
          %parallel_loop3A_245 = arith.constant 64 : index
          %parallel_loop3A_246 = tpu.vector_load %arg15[%parallel_loop3A_243, %parallel_loop3A_244, %parallel_loop3A_245] {strides = array<i32>} : memref<2x128x80xf32, #tpu.memory_space<vmem>>, vector<16xf32>,
          tpu.vector_store %arg15[%parallel_loop3A_243, %parallel_loop3A_244, %parallel_loop3A_245], %parallel_loop3A_242 {strides = array<i32>} : memref<2x128x80xf32, #tpu.memory_space<vmem>>, vector<16xf32>,
        } {sc.loop_unroll_factor = 4 : i64, sc.parallel_access}
        %eq3A_117 = arith.constant 0 : i32
        %eq3A_118 = arith.cmpi eq, %sub3A_81, %eq3A_117 : i32
        %convert_element_type3A_119 = arith.extui %eq3A_118 : i1 to i32
        %cond3A_120 = arith.constant 0 : i32
        %cond3A_121 = arith.cmpi ne, %convert_element_type3A_119, %cond3A_120 : i32
        scf.if %cond3A_121 {
          %dma_start3A = arith.constant 0 : i32
          %dma_start3A_127 = arith.constant 0 : i32
          %dma_start3A_128 = arith.constant 0 : i32
          %dma_start3A_129 = tpu.memref_slice %arg15[%dma_start3A, %dma_start3A_127, %dma_start3A_128] : memref<2x128x80xf32, #tpu.memory_space<vmem>> -> memref<1x128x80xf32, #tpu.memory_space<vmem>>
          %dma_start3A_130 = tpu.memref_squeeze %dma_start3A_129 : memref<1x128x80xf32, #tpu.memory_space<vmem>> -> memref<128x80xf32, #tpu.memory_space<vmem>>
          %dma_start3A_131 = arith.constant 0 : i32
          %dma_start3A_132 = tpu.memref_slice %arg11[%rem3A_87, %dma_start3A_131] : memref<3x128xi32, #tpu.memory_space<vmem>> -> memref<1x128xi32, #tpu.memory_space<vmem>>
          %dma_start3A_133 = tpu.memref_squeeze %dma_start3A_132 : memref<1x128xi32, #tpu.memory_space<vmem>> -> memref<128xi32, #tpu.memory_space<vmem>>
          %dma_start3A_134 = arith.constant 0 : i32
          %dma_start3A_135 = arith.constant 0 : i32
          %dma_start3A_136 = tpu.memref_slice %arg18[%dma_start3A_134, %dma_start3A_135] : memref<10240x80xf32, #tpu.memory_space<vmem_shared>> -> memref<10240x80xf32, #tpu.memory_space<vmem_shared>>
          tpu.enqueue_indirect_dma source(%dma_start3A_130 : memref<128x80xf32, #tpu.memory_space<vmem>>) target(%dma_start3A_136 : memref<10240x80xf32, #tpu.memory_space<vmem_shared>>) offsets(%dma_start3A_133 : memref<128xi32, #tpu.memory_space<vmem>>) semaphore(%arg21 : memref<!tpu.dma_semaphore, #tpu.memory_space<semaphore_mem>>) {add = true}
        } else {
        }
        %eq3A_122 = arith.constant 1 : i32
        %eq3A_123 = arith.cmpi eq, %sub3A_81, %eq3A_122 : i32
        %convert_element_type3A_124 = arith.extui %eq3A_123 : i1 to i32
        %cond3A_125 = arith.constant 0 : i32
        %cond3A_126 = arith.cmpi ne, %convert_element_type3A_124, %cond3A_125 : i32
        scf.if %cond3A_126 {
          %dma_start3A = arith.constant 1 : i32
          %dma_start3A_127 = arith.constant 0 : i32
          %dma_start3A_128 = arith.constant 0 : i32
          %dma_start3A_129 = tpu.memref_slice %arg15[%dma_start3A, %dma_start3A_127, %dma_start3A_128] : memref<2x128x80xf32, #tpu.memory_space<vmem>> -> memref<1x128x80xf32, #tpu.memory_space<vmem>>
          %dma_start3A_130 = tpu.memref_squeeze %dma_start3A_129 : memref<1x128x80xf32, #tpu.memory_space<vmem>> -> memref<128x80xf32, #tpu.memory_space<vmem>>
          %dma_start3A_131 = arith.constant 0 : i32
          %dma_start3A_132 = tpu.memref_slice %arg11[%rem3A_87, %dma_start3A_131] : memref<3x128xi32, #tpu.memory_space<vmem>> -> memref<1x128xi32, #tpu.memory_space<vmem>>
          %dma_start3A_133 = tpu.memref_squeeze %dma_start3A_132 : memref<1x128xi32, #tpu.memory_space<vmem>> -> memref<128xi32, #tpu.memory_space<vmem>>
          %dma_start3A_134 = arith.constant 0 : i32
          %dma_start3A_135 = arith.constant 0 : i32
          %dma_start3A_136 = tpu.memref_slice %arg18[%dma_start3A_134, %dma_start3A_135] : memref<10240x80xf32, #tpu.memory_space<vmem_shared>> -> memref<10240x80xf32, #tpu.memory_space<vmem_shared>>
          tpu.enqueue_indirect_dma source(%dma_start3A_130 : memref<128x80xf32, #tpu.memory_space<vmem>>) target(%dma_start3A_136 : memref<10240x80xf32, #tpu.memory_space<vmem_shared>>) offsets(%dma_start3A_133 : memref<128xi32, #tpu.memory_space<vmem>>) semaphore(%arg22 : memref<!tpu.dma_semaphore, #tpu.memory_space<semaphore_mem>>) {add = true}
        } else {
        }
      } else {
      }
      %lt3A_110 = arith.constant 81 : i32
      %lt3A_111 = arith.cmpi slt, %scan3A_71, %lt3A_110 : i32
      %convert_element_type3A_112 = arith.extui %lt3A_111 : i1 to i32
      %cond3A_113 = arith.constant 0 : i32
      %cond3A_114 = arith.cmpi ne, %convert_element_type3A_112, %cond3A_113 : i32
      scf.if %cond3A_114 {
        %dma_wait3A_115 = arith.constant 0 : i32
        %dma_wait3A_116 = arith.constant 0 : i32
        %dma_wait3A_117 = tpu.memref_slice %arg13[%select_n3A_80, %dma_wait3A_115, %dma_wait3A_116] : memref<2x128x64xf32, #tpu.memory_space<vmem>> -> memref<1x128x64xf32, #tpu.memory_space<vmem>>
        %dma_wait3A_118 = tpu.memref_squeeze %dma_wait3A_117 : memref<1x128x64xf32, #tpu.memory_space<vmem>> -> memref<128x64xf32, #tpu.memory_space<vmem>>
        %dma_wait3A_119 = arith.constant 0 : i32
        %dma_wait3A_120 = arith.constant 0 : i32
        %dma_wait3A_121 = tpu.memref_slice %arg5[%dma_wait3A_119, %dma_wait3A_120] : memref<10240x64xf32, #tpu.memory_space<hbm>> -> memref<10240x64xf32, #tpu.memory_space<hbm>>
        tpu.wait_indirect_dma semaphore(%arg19 : memref<!tpu.dma_semaphore, #tpu.memory_space<semaphore_mem>>) src(%dma_wait3A_121 : memref<10240x64xf32, #tpu.memory_space<hbm>>) dst(%dma_wait3A_118 : memref<128x64xf32, #tpu.memory_space<vmem>>)
        %dma_wait3A_122 = arith.constant 0 : i32
        %dma_wait3A_123 = arith.constant 0 : i32
        %dma_wait3A_124 = tpu.memref_slice %arg14[%select_n3A_80, %dma_wait3A_122, %dma_wait3A_123] : memref<2x128x64xf32, #tpu.memory_space<vmem>> -> memref<1x128x64xf32, #tpu.memory_space<vmem>>
        %dma_wait3A_125 = tpu.memref_squeeze %dma_wait3A_124 : memref<1x128x64xf32, #tpu.memory_space<vmem>> -> memref<128x64xf32, #tpu.memory_space<vmem>>
        %dma_wait3A_126 = arith.constant 0 : i32
        %dma_wait3A_127 = tpu.memref_slice %arg11[%rem3A_83, %dma_wait3A_126] : memref<3x128xi32, #tpu.memory_space<vmem>> -> memref<1x128xi32, #tpu.memory_space<vmem>>
        %dma_wait3A_128 = tpu.memref_squeeze %dma_wait3A_127 : memref<1x128xi32, #tpu.memory_space<vmem>> -> memref<128xi32, #tpu.memory_space<vmem>>
        %dma_wait3A_129 = arith.constant 0 : i32
        %dma_wait3A_130 = arith.constant 0 : i32
        %dma_wait3A_131 = tpu.memref_slice %arg5[%dma_wait3A_129, %dma_wait3A_130] : memref<10240x64xf32, #tpu.memory_space<hbm>> -> memref<10240x64xf32, #tpu.memory_space<hbm>>
        tpu.wait_indirect_dma semaphore(%arg20 : memref<!tpu.dma_semaphore, #tpu.memory_space<semaphore_mem>>) src(%dma_wait3A_131 : memref<10240x64xf32, #tpu.memory_space<hbm>>) dst(%dma_wait3A_125 : memref<128x64xf32, #tpu.memory_space<vmem>>)
      } else {
      }
    }
    %scan3A_42 = arith.constant 82 : i32
    %dma_wait3A = arith.constant 1 : i32
    %dma_wait3A_43 = arith.constant 1 : i32
    %dma_wait3A_44 = arith.constant 0 : i32
    %dma_wait3A_45 = arith.constant 0 : i32
    %dma_wait3A_46 = tpu.memref_slice %arg15[%dma_wait3A, %dma_wait3A_44, %dma_wait3A_45] : memref<2x128x80xf32, #tpu.memory_space<vmem>> -> memref<1x128x80xf32, #tpu.memory_space<vmem>>
    %dma_wait3A_47 = tpu.memref_squeeze %dma_wait3A_46 : memref<1x128x80xf32, #tpu.memory_space<vmem>> -> memref<128x80xf32, #tpu.memory_space<vmem>>
    %dma_wait3A_48 = arith.constant 0 : i32
    %dma_wait3A_49 = tpu.memref_slice %arg11[%dma_wait3A_43, %dma_wait3A_48] : memref<3x128xi32, #tpu.memory_space<vmem>> -> memref<1x128xi32, #tpu.memory_space<vmem>>
    %dma_wait3A_50 = tpu.memref_squeeze %dma_wait3A_49 : memref<1x128xi32, #tpu.memory_space<vmem>> -> memref<128xi32, #tpu.memory_space<vmem>>
    %dma_wait3A_51 = arith.constant 0 : i32
    %dma_wait3A_52 = arith.constant 0 : i32
    %dma_wait3A_53 = tpu.memref_slice %arg18[%dma_wait3A_51, %dma_wait3A_52] : memref<10240x80xf32, #tpu.memory_space<vmem_shared>> -> memref<10240x80xf32, #tpu.memory_space<vmem_shared>>
    tpu.wait_indirect_dma semaphore(%arg22 : memref<!tpu.dma_semaphore, #tpu.memory_space<semaphore_mem>>) src(%dma_wait3A_47 : memref<128x80xf32, #tpu.memory_space<vmem>>) dst(%dma_wait3A_53 : memref<10240x80xf32, #tpu.memory_space<vmem_shared>>)
    %dma_wait3A_54 = arith.constant 0 : i32
    %dma_wait3A_55 = arith.constant 2 : i32
    %dma_wait3A_56 = arith.constant 0 : i32
    %dma_wait3A_57 = arith.constant 0 : i32
    %dma_wait3A_58 = tpu.memref_slice %arg15[%dma_wait3A_54, %dma_wait3A_56, %dma_wait3A_57] : memref<2x128x80xf32, #tpu.memory_space<vmem>> -> memref<1x128x80xf32, #tpu.memory_space<vmem>>
    %dma_wait3A_59 = tpu.memref_squeeze %dma_wait3A_58 : memref<1x128x80xf32, #tpu.memory_space<vmem>> -> memref<128x80xf32, #tpu.memory_space<vmem>>
    %dma_wait3A_60 = arith.constant 0 : i32
    %dma_wait3A_61 = tpu.memref_slice %arg11[%dma_wait3A_55, %dma_wait3A_60] : memref<3x128xi32, #tpu.memory_space<vmem>> -> memref<1x128xi32, #tpu.memory_space<vmem>>
    %dma_wait3A_62 = tpu.memref_squeeze %dma_wait3A_61 : memref<1x128xi32, #tpu.memory_space<vmem>> -> memref<128xi32, #tpu.memory_space<vmem>>
    %dma_wait3A_63 = arith.constant 0 : i32
    %dma_wait3A_64 = arith.constant 0 : i32
    %dma_wait3A_65 = tpu.memref_slice %arg18[%dma_wait3A_63, %dma_wait3A_64] : memref<10240x80xf32, #tpu.memory_space<vmem_shared>> -> memref<10240x80xf32, #tpu.memory_space<vmem_shared>>
    tpu.wait_indirect_dma semaphore(%arg21 : memref<!tpu.dma_semaphore, #tpu.memory_space<semaphore_mem>>) src(%dma_wait3A_59 : memref<128x80xf32, #tpu.memory_space<vmem>>) dst(%dma_wait3A_65 : memref<10240x80xf32, #tpu.memory_space<vmem_shared>>)
    %barrier3A_66 = arith.constant 0 : index
    tpu.barrier barrier_id(%barrier3A_66)
    %mul3A_67 = arith.constant 640 : i32
    %mul3A_68 = arith.muli %arg1, %mul3A_67 : i32
    %mul3A_69 = arith.constant 640 : i32
    %mul3A_70 = arith.muli %arg1, %mul3A_69 : i32
    "tpu.region"() ({
      %run_scoped3A = tpu.sem_alloc : memref<!tpu.dma_semaphore, #tpu.memory_space<semaphore_mem>>
      %dma_start3A = arith.constant 0 : i32
      %dma_start3A_71 = tpu.memref_slice %arg9[%arg0, %mul3A_70, %dma_start3A] : memref<2x10240x80xf32, #tpu.memory_space<hbm>> -> memref<1x640x80xf32, #tpu.memory_space<hbm>>
      %dma_start3A_72 = tpu.memref_squeeze %dma_start3A_71 : memref<1x640x80xf32, #tpu.memory_space<hbm>> -> memref<640x80xf32, #tpu.memory_space<hbm>>
      %dma_start3A_73 = arith.constant 0 : i32
      %dma_start3A_74 = tpu.memref_slice %arg18[%mul3A_68, %dma_start3A_73] : memref<10240x80xf32, #tpu.memory_space<vmem_shared>> -> memref<640x80xf32, #tpu.memory_space<vmem_shared>>
      tpu.enqueue_dma source(%dma_start3A_74 : memref<640x80xf32, #tpu.memory_space<vmem_shared>>) target(%dma_start3A_72 : memref<640x80xf32, #tpu.memory_space<hbm>>) target_semaphore(%run_scoped3A : memref<!tpu.dma_semaphore, #tpu.memory_space<semaphore_mem>>)
      %dma_wait3A_75 = arith.constant 0 : i32
      %dma_wait3A_76 = tpu.memref_slice %arg9[%arg0, %mul3A_70, %dma_wait3A_75] : memref<2x10240x80xf32, #tpu.memory_space<hbm>> -> memref<1x640x80xf32, #tpu.memory_space<hbm>>
      %dma_wait3A_77 = tpu.memref_squeeze %dma_wait3A_76 : memref<1x640x80xf32, #tpu.memory_space<hbm>> -> memref<640x80xf32, #tpu.memory_space<hbm>>
      %dma_wait3A_78 = arith.constant 0 : i32
      %dma_wait3A_79 = tpu.memref_slice %arg18[%mul3A_68, %dma_wait3A_78] : memref<10240x80xf32, #tpu.memory_space<vmem_shared>> -> memref<640x80xf32, #tpu.memory_space<vmem_shared>>
      tpu.wait_dma2 semaphore(%run_scoped3A : memref<!tpu.dma_semaphore, #tpu.memory_space<semaphore_mem>>) src(%dma_wait3A_79 : memref<640x80xf32, #tpu.memory_space<vmem_shared>>) dst(%dma_wait3A_77 : memref<640x80xf32, #tpu.memory_space<hbm>>)
      tpu.yield
    }) : () -> ()
    return
  }
}

module attributes {stable_mosaic.version = 14 : i64} {
  func.func @body(%arg0: i32, %arg1: memref<1280x128xf32, #tpu.memory_space<vmem>>, %arg2: memref<128x128xf32, #tpu.memory_space<vmem>>, %arg3: memref<1x128xf32, #tpu.memory_space<vmem>>, %arg4: memref<2x1280x64xf32, #tpu.memory_space<vmem>>) attributes {dimension_semantics = [#tpu.dimension_semantics<arbitrary>], iteration_bounds = array<i64: 8>, scalar_prefetch = 0 : i64, scratch_operands = 0 : i64, tpu.core_type = #tpu.core_type<tc>, window_params = [{transform_indices = @transform_0, window_bounds = array<i64: 1280, 128>}, {pipeline_mode = #tpu.pipeline_mode<synchronous>, transform_indices = @transform_1, window_bounds = array<i64: 128, 128>}, {pipeline_mode = #tpu.pipeline_mode<synchronous>, transform_indices = @transform_2, window_bounds = array<i64: 1, 128>}, {transform_indices = @transform_3, window_bounds = array<i64: 2, 1280, 64>}]} {
    %get3A = arith.constant 0 : index
    %get3A_0 = arith.constant 0 : index
    %get3A_1 = vector.load %arg1[%get3A, %get3A_0] : memref<1280x128xf32, #tpu.memory_space<vmem>>, vector<1280x128xf32>
    %get3A_2 = arith.constant 0 : index
    %get3A_3 = arith.constant 0 : index
    %get3A_4 = vector.load %arg2[%get3A_2, %get3A_3] : memref<128x128xf32, #tpu.memory_space<vmem>>, vector<128x128xf32>
    %dot_general3A = arith.constant dense<0.000000e+00> : vector<1280x128xf32>
    %dot_general3A_5 = tpu.matmul %get3A_1, %get3A_4, %dot_general3A {dimension_numbers = #tpu.dot_dimension_numbers<[1], [0], [0], [1], [0, 0, 1, 1], [], []>, transpose_lhs_hint = false} : vector<1280x128xf32>, vector<128x128xf32>, vector<1280x128xf32> -> vector<1280x128xf32>
    %get3A_6 = arith.constant 0 : index
    %get3A_7 = arith.constant 0 : index
    %get3A_8 = vector.load %arg3[%get3A_6, %get3A_7] : memref<1x128xf32, #tpu.memory_space<vmem>>, vector<1x128xf32>
    %add3A = vector.broadcast %get3A_8 : vector<1x128xf32> to vector<1280x128xf32>
    %add3A_9 = arith.addf %dot_general3A_5, %add3A : vector<1280x128xf32>
    %slice3A = vector.extract_strided_slice %add3A_9 {offsets = [0, 0], sizes = [1280, 64], strides = [1, 1]} : vector<1280x128xf32> to vector<1280x64xf32>
    %swap3A = arith.constant 0 : index
    %swap3A_10 = arith.constant 0 : index
    %swap3A_11 = arith.constant 0 : index
    %swap3A_12 = vector.load %arg4[%swap3A, %swap3A_10, %swap3A_11] : memref<2x1280x64xf32, #tpu.memory_space<vmem>>, vector<1x1280x64xf32>
    %swap3A_13 = vector.shape_cast %swap3A_12 : vector<1x1280x64xf32> to vector<1280x64xf32>
    %swap3A_14 = vector.shape_cast %slice3A : vector<1280x64xf32> to vector<1x1280x64xf32>
    tpu.vector_store %arg4[%swap3A, %swap3A_10, %swap3A_11], %swap3A_14 {strides = array<i32>} : memref<2x1280x64xf32, #tpu.memory_space<vmem>>, vector<1x1280x64xf32>,
    %slice3A_15 = vector.extract_strided_slice %add3A_9 {offsets = [0, 64], sizes = [1280, 64], strides = [1, 1]} : vector<1280x128xf32> to vector<1280x64xf32>
    %swap3A_16 = arith.constant 1 : index
    %swap3A_17 = arith.constant 0 : index
    %swap3A_18 = arith.constant 0 : index
    %swap3A_19 = vector.load %arg4[%swap3A_16, %swap3A_17, %swap3A_18] : memref<2x1280x64xf32, #tpu.memory_space<vmem>>, vector<1x1280x64xf32>
    %swap3A_20 = vector.shape_cast %swap3A_19 : vector<1x1280x64xf32> to vector<1280x64xf32>
    %swap3A_21 = vector.shape_cast %slice3A_15 : vector<1280x64xf32> to vector<1x1280x64xf32>
    tpu.vector_store %arg4[%swap3A_16, %swap3A_17, %swap3A_18], %swap3A_21 {strides = array<i32>} : memref<2x1280x64xf32, #tpu.memory_space<vmem>>, vector<1x1280x64xf32>,
    return
  }
  func.func @transform_0(%arg0: i32) -> (i32, i32) {
    %c0_i32 = arith.constant 0 : i32
    %c0_i32_0 = arith.constant 0 : i32
    return %arg0, %c0_i32 : i32, i32
  }
  func.func @transform_1(%arg0: i32) -> (i32, i32) {
    %c0_i32 = arith.constant 0 : i32
    %c0_i32_0 = arith.constant 0 : i32
    %c0_i32_1 = arith.constant 0 : i32
    return %c0_i32, %c0_i32_0 : i32, i32
  }
  func.func @transform_2(%arg0: i32) -> (i32, i32) {
    %c0_i32 = arith.constant 0 : i32
    %c0_i32_0 = arith.constant 0 : i32
    %c0_i32_1 = arith.constant 0 : i32
    return %c0_i32, %c0_i32_0 : i32, i32
  }
  func.func @transform_3(%arg0: i32) -> (i32, i32, i32) {
    %c0_i32 = arith.constant 0 : i32
    %c0_i32_0 = arith.constant 0 : i32
    %c0_i32_1 = arith.constant 0 : i32
    return %c0_i32, %arg0, %c0_i32_0 : i32, i32, i32
  }
}

module attributes {stable_mosaic.version = 14 : i64} {
  func.func @body(%arg0: i32, %arg1: memref<2x1280x80xf32, #tpu.memory_space<vmem>>, %arg2: memref<1x128xf32, #tpu.memory_space<vmem>>, %arg3: memref<8x128xf32, #tpu.memory_space<vmem>>, %arg4: memref<128x64xf32, #tpu.memory_space<vmem>>, %arg5: memref<1x64xf32, #tpu.memory_space<vmem>>, %arg6: memref<1280x64xf32, #tpu.memory_space<vmem>>) attributes {dimension_semantics = [#tpu.dimension_semantics<arbitrary>], iteration_bounds = array<i64: 8>, scalar_prefetch = 0 : i64, scratch_operands = 0 : i64, tpu.core_type = #tpu.core_type<tc>, window_params = [{transform_indices = @transform_0, window_bounds = array<i64: 2, 1280, 80>}, {pipeline_mode = #tpu.pipeline_mode<synchronous>, transform_indices = @transform_1, window_bounds = array<i64: 1, 128>}, {pipeline_mode = #tpu.pipeline_mode<synchronous>, transform_indices = @transform_2, window_bounds = array<i64: 8, 128>}, {pipeline_mode = #tpu.pipeline_mode<synchronous>, transform_indices = @transform_3, window_bounds = array<i64: 128, 64>}, {pipeline_mode = #tpu.pipeline_mode<synchronous>, transform_indices = @transform_4, window_bounds = array<i64: 1, 64>}, {transform_indices = @transform_5, window_bounds = array<i64: 1280, 64>}]} {
    %get3A = arith.constant 0 : index
    %get3A_0 = arith.constant 0 : index
    %get3A_1 = arith.constant 0 : index
    %get3A_2 = vector.load %arg1[%get3A, %get3A_0, %get3A_1] : memref<2x1280x80xf32, #tpu.memory_space<vmem>>, vector<1x1280x64xf32>
    %get3A_3 = vector.shape_cast %get3A_2 : vector<1x1280x64xf32> to vector<1280x64xf32>
    %get3A_4 = arith.constant 1 : index
    %get3A_5 = arith.constant 0 : index
    %get3A_6 = arith.constant 0 : index
    %get3A_7 = vector.load %arg1[%get3A_4, %get3A_5, %get3A_6] : memref<2x1280x80xf32, #tpu.memory_space<vmem>>, vector<1x1280x64xf32>
    %get3A_8 = vector.shape_cast %get3A_7 : vector<1x1280x64xf32> to vector<1280x64xf32>
    %concatenate3A = tpu.concatenate %get3A_3, %get3A_8 in 1 : vector<1280x64xf32>, vector<1280x64xf32> -> vector<1280x128xf32>
    %get3A_9 = arith.constant 0 : index
    %get3A_10 = arith.constant 0 : index
    %get3A_11 = arith.constant 64 : index
    %get3A_12 = vector.load %arg1[%get3A_9, %get3A_10, %get3A_11] : memref<2x1280x80xf32, #tpu.memory_space<vmem>>, vector<1x1280x4xf32>
    %get3A_13 = vector.shape_cast %get3A_12 : vector<1x1280x4xf32> to vector<1280x4xf32>
    %get3A_14 = arith.constant 1 : index
    %get3A_15 = arith.constant 0 : index
    %get3A_16 = arith.constant 64 : index
    %get3A_17 = vector.load %arg1[%get3A_14, %get3A_15, %get3A_16] : memref<2x1280x80xf32, #tpu.memory_space<vmem>>, vector<1x1280x4xf32>
    %get3A_18 = vector.shape_cast %get3A_17 : vector<1x1280x4xf32> to vector<1280x4xf32>
    %concatenate3A_19 = tpu.concatenate %get3A_13, %get3A_18 in 1 : vector<1280x4xf32>, vector<1280x4xf32> -> vector<1280x8xf32>
    %get3A_20 = arith.constant 0 : index
    %get3A_21 = arith.constant 0 : index
    %get3A_22 = vector.load %arg3[%get3A_20, %get3A_21] : memref<8x128xf32, #tpu.memory_space<vmem>>, vector<8x128xf32>
    %dot_general3A = arith.constant dense<0.000000e+00> : vector<1280x128xf32>
    %dot_general3A_23 = tpu.matmul %concatenate3A_19, %get3A_22, %dot_general3A {dimension_numbers = #tpu.dot_dimension_numbers<[1], [0], [0], [1], [0, 0, 1, 1], [], []>, transpose_lhs_hint = false} : vector<1280x8xf32>, vector<8x128xf32>, vector<1280x128xf32> -> vector<1280x128xf32>
    %add3A = arith.constant 1.000000e-16 : f32
    %add3A_24 = vector.broadcast %add3A : f32 to vector<1280x128xf32>
    %add3A_25 = arith.addf %dot_general3A_23, %add3A_24 : vector<1280x128xf32>
    %div3A = arith.divf %concatenate3A, %add3A_25 : vector<1280x128xf32>
    %get3A_26 = arith.constant 0 : index
    %get3A_27 = arith.constant 0 : index
    %get3A_28 = vector.load %arg2[%get3A_26, %get3A_27] : memref<1x128xf32, #tpu.memory_space<vmem>>, vector<1x128xf32>
    %add3A_29 = vector.broadcast %get3A_28 : vector<1x128xf32> to vector<1280x128xf32>
    %add3A_30 = arith.addf %div3A, %add3A_29 : vector<1280x128xf32>
    %max3A = arith.constant 0.000000e+00 : f32
    %max3A_31 = vector.broadcast %max3A : f32 to vector<1280x128xf32>
    %max3A_32 = arith.maximumf %add3A_30, %max3A_31 : vector<1280x128xf32>
    %get3A_33 = arith.constant 0 : index
    %get3A_34 = arith.constant 0 : index
    %get3A_35 = vector.load %arg4[%get3A_33, %get3A_34] : memref<128x64xf32, #tpu.memory_space<vmem>>, vector<128x64xf32>
    %dot_general3A_36 = arith.constant dense<0.000000e+00> : vector<1280x64xf32>
    %dot_general3A_37 = tpu.matmul %max3A_32, %get3A_35, %dot_general3A_36 {dimension_numbers = #tpu.dot_dimension_numbers<[1], [0], [0], [1], [0, 0, 1, 1], [], []>, transpose_lhs_hint = false} : vector<1280x128xf32>, vector<128x64xf32>, vector<1280x64xf32> -> vector<1280x64xf32>
    %get3A_38 = arith.constant 0 : index
    %get3A_39 = arith.constant 0 : index
    %get3A_40 = vector.load %arg5[%get3A_38, %get3A_39] : memref<1x64xf32, #tpu.memory_space<vmem>>, vector<1x64xf32>
    %add3A_41 = vector.broadcast %get3A_40 : vector<1x64xf32> to vector<1280x64xf32>
    %add3A_42 = arith.addf %dot_general3A_37, %add3A_41 : vector<1280x64xf32>
    %swap3A = arith.constant 0 : index
    %swap3A_43 = arith.constant 0 : index
    %swap3A_44 = vector.load %arg6[%swap3A, %swap3A_43] : memref<1280x64xf32, #tpu.memory_space<vmem>>, vector<1280x64xf32>
    tpu.vector_store %arg6[%swap3A, %swap3A_43], %add3A_42 {strides = array<i32>} : memref<1280x64xf32, #tpu.memory_space<vmem>>, vector<1280x64xf32>,
    return
  }
  func.func @transform_0(%arg0: i32) -> (i32, i32, i32) {
    %c0_i32 = arith.constant 0 : i32
    %c0_i32_0 = arith.constant 0 : i32
    %c0_i32_1 = arith.constant 0 : i32
    return %c0_i32, %arg0, %c0_i32_0 : i32, i32, i32
  }
  func.func @transform_1(%arg0: i32) -> (i32, i32) {
    %c0_i32 = arith.constant 0 : i32
    %c0_i32_0 = arith.constant 0 : i32
    %c0_i32_1 = arith.constant 0 : i32
    return %c0_i32, %c0_i32_0 : i32, i32
  }
  func.func @transform_2(%arg0: i32) -> (i32, i32) {
    %c0_i32 = arith.constant 0 : i32
    %c0_i32_0 = arith.constant 0 : i32
    %c0_i32_1 = arith.constant 0 : i32
    return %c0_i32, %c0_i32_0 : i32, i32
  }
  func.func @transform_3(%arg0: i32) -> (i32, i32) {
    %c0_i32 = arith.constant 0 : i32
    %c0_i32_0 = arith.constant 0 : i32
    %c0_i32_1 = arith.constant 0 : i32
    return %c0_i32, %c0_i32_0 : i32, i32
  }
  func.func @transform_4(%arg0: i32) -> (i32, i32) {
    %c0_i32 = arith.constant 0 : i32
    %c0_i32_0 = arith.constant 0 : i32
    %c0_i32_1 = arith.constant 0 : i32
    return %c0_i32, %c0_i32_0 : i32, i32
  }
  func.func @transform_5(%arg0: i32) -> (i32, i32) {
    %c0_i32 = arith.constant 0 : i32
    %c0_i32_0 = arith.constant 0 : i32
    return %arg0, %c0_i32 : i32, i32
  }
}

module attributes {stable_mosaic.version = 14 : i64} {
  func.func @body(%arg0: i32, %arg1: memref<2x1280x80xf32, #tpu.memory_space<vmem>>, %arg2: memref<1x64xf32, #tpu.memory_space<vmem>>, %arg3: memref<1280x64xf32, #tpu.memory_space<vmem>>) attributes {dimension_semantics = [#tpu.dimension_semantics<arbitrary>], iteration_bounds = array<i64: 8>, scalar_prefetch = 0 : i64, scratch_operands = 0 : i64, tpu.core_type = #tpu.core_type<tc>, window_params = [{transform_indices = @transform_0, window_bounds = array<i64: 2, 1280, 80>}, {pipeline_mode = #tpu.pipeline_mode<synchronous>, transform_indices = @transform_1, window_bounds = array<i64: 1, 64>}, {transform_indices = @transform_2, window_bounds = array<i64: 1280, 64>}]} {
    %get3A = arith.constant 0 : index
    %get3A_0 = arith.constant 0 : index
    %get3A_1 = arith.constant 0 : index
    %get3A_2 = vector.load %arg1[%get3A, %get3A_0, %get3A_1] : memref<2x1280x80xf32, #tpu.memory_space<vmem>>, vector<1x1280x80xf32>
    %get3A_3 = vector.shape_cast %get3A_2 : vector<1x1280x80xf32> to vector<1280x80xf32>
    %get3A_4 = arith.constant 1 : index
    %get3A_5 = arith.constant 0 : index
    %get3A_6 = arith.constant 0 : index
    %get3A_7 = vector.load %arg1[%get3A_4, %get3A_5, %get3A_6] : memref<2x1280x80xf32, #tpu.memory_space<vmem>>, vector<1x1280x80xf32>
    %get3A_8 = vector.shape_cast %get3A_7 : vector<1x1280x80xf32> to vector<1280x80xf32>
    %add3A = arith.addf %get3A_3, %get3A_8 : vector<1280x80xf32>
    %slice3A = vector.extract_strided_slice %add3A {offsets = [0, 0], sizes = [1280, 64], strides = [1, 1]} : vector<1280x80xf32> to vector<1280x64xf32>
    %slice3A_9 = vector.extract_strided_slice %add3A {offsets = [0, 64], sizes = [1280, 1], strides = [1, 1]} : vector<1280x80xf32> to vector<1280x1xf32>
    %add3A_10 = arith.constant 1.000000e-16 : f32
    %add3A_11 = vector.broadcast %add3A_10 : f32 to vector<1280x1xf32>
    %add3A_12 = arith.addf %slice3A_9, %add3A_11 : vector<1280x1xf32>
    %div3A = vector.broadcast %add3A_12 : vector<1280x1xf32> to vector<1280x64xf32>
    %div3A_13 = arith.divf %slice3A, %div3A : vector<1280x64xf32>
    %get3A_14 = arith.constant 0 : index
    %get3A_15 = arith.constant 0 : index
    %get3A_16 = vector.load %arg2[%get3A_14, %get3A_15] : memref<1x64xf32, #tpu.memory_space<vmem>>, vector<1x64xf32>
    %add3A_17 = vector.broadcast %get3A_16 : vector<1x64xf32> to vector<1280x64xf32>
    %add3A_18 = arith.addf %div3A_13, %add3A_17 : vector<1280x64xf32>
    %reduce_max3A = arith.constant dense<0xFF800000> : vector<1280xf32>
    %reduce_max3A_19 = vector.multi_reduction <maximumf>, %add3A_18, %reduce_max3A [1] : vector<1280x64xf32> to vector<1280xf32>
    %broadcast_in_dim3A = vector.shape_cast %reduce_max3A_19 : vector<1280xf32> to vector<1280x1xf32>
    %sub3A = vector.broadcast %broadcast_in_dim3A : vector<1280x1xf32> to vector<1280x64xf32>
    %sub3A_20 = arith.subf %add3A_18, %sub3A : vector<1280x64xf32>
    %exp3A = math.exp %sub3A_20 : vector<1280x64xf32>
    %reduce_sum3A = arith.constant dense<0.000000e+00> : vector<1280xf32>
    %reduce_sum3A_21 = vector.multi_reduction <add>, %exp3A, %reduce_sum3A [1] : vector<1280x64xf32> to vector<1280xf32>
    %broadcast_in_dim3A_22 = vector.shape_cast %reduce_sum3A_21 : vector<1280xf32> to vector<1280x1xf32>
    %log3A = math.log %broadcast_in_dim3A_22 : vector<1280x1xf32>
    %add3A_23 = arith.addf %broadcast_in_dim3A, %log3A : vector<1280x1xf32>
    %sub3A_24 = vector.broadcast %add3A_23 : vector<1280x1xf32> to vector<1280x64xf32>
    %sub3A_25 = arith.subf %add3A_18, %sub3A_24 : vector<1280x64xf32>
    %swap3A = arith.constant 0 : index
    %swap3A_26 = arith.constant 0 : index
    %swap3A_27 = vector.load %arg3[%swap3A, %swap3A_26] : memref<1280x64xf32, #tpu.memory_space<vmem>>, vector<1280x64xf32>
    tpu.vector_store %arg3[%swap3A, %swap3A_26], %sub3A_25 {strides = array<i32>} : memref<1280x64xf32, #tpu.memory_space<vmem>>, vector<1280x64xf32>,
    return
  }
  func.func @transform_0(%arg0: i32) -> (i32, i32, i32) {
    %c0_i32 = arith.constant 0 : i32
    %c0_i32_0 = arith.constant 0 : i32
    %c0_i32_1 = arith.constant 0 : i32
    return %c0_i32, %arg0, %c0_i32_0 : i32, i32, i32
  }
  func.func @transform_1(%arg0: i32) -> (i32, i32) {
    %c0_i32 = arith.constant 0 : i32
    %c0_i32_0 = arith.constant 0 : i32
    %c0_i32_1 = arith.constant 0 : i32
    return %c0_i32, %c0_i32_0 : i32, i32
  }
  func.func @transform_2(%arg0: i32) -> (i32, i32) {
    %c0_i32 = arith.constant 0 : i32
    %c0_i32_0 = arith.constant 0 : i32
    return %arg0, %c0_i32 : i32, i32
  }
}

</mosaic_0001>

<sc_bundles>
// kernel: kernel.10.cloned.1.call-start
scs
__scs_entry_jumppad:
0x0: {  	(pc) =	sbr.rel $0x88, $3  }
0x1: {  	(tag) =	ssettag $0x0;
	lr =	simm.s32 $0x1  }
0x2: {  	[smem:$0x3F94] =	sst lr;
	_ =	strace $0xD0000000  }
0x3: {  	_ = 	snop  }
0x4: {  	_ = 	snop  }
0x5: {  	_ = 	snop  }
0x6: {  	_ = 	snop  }
0x7: {  	_ = 	snop  }
__scs_overlays_trampoline_lowered:
0x8: {  	[smem:$0x3FA3] =	sst s0  }
0x9: {  	[smem:$0x3FA4] =	sst s1  }
0xa: {  	[smem:$0x3FA5] =	sst s2  }
0xb: {  	[smem:$0x3FA6] =	sst s3  }
0xc: {  	[smem:$0x3FA7] =	sst s4  }
0xd: {  	[smem:$0x3FA8] =	sst s5  }
0xe: {  	[smem:$0x3FA9] =	sst s6  }
0xf: {  	[smem:$0x3FAA] =	sst s7  }
0x10: {  	[smem:$0x3FAB] =	sst s8  }
0x11: {  	[smem:$0x3FAC] =	sst s9;
	s0 =	simm.s32 @!p0 $0x0  }
0x12: {  	s1 =	sld [smem:$0x3F92];
	s0 =	simm.s32 @p0 $0x1  }
0x13: {  	[smem:$0x3FAD] =	sst s0;
	s0 =	simm.s32 @!p1 $0x0  }
0x14: {  	s2 =	sld [smem:$0x3F91];
	s0 =	simm.s32 @p1 $0x1  }
0x15: {  	[smem:$0x3FAE] =	sst s0;
	s0 =	simm.s32 @!p2 $0x0  }
0x16: {  	s3 =	sld [smem:$0x3FDB];
	s0 =	simm.s32 @p2 $0x1  }
0x17: {  	s4 =	simm.s32 $0x1BF5;
	[smem:$0x3FB0] =	sst s0  }
0x18: {  	s0 =	sld [smem:$0x3F93];
	_ =	swait.ge [sflag:s4], $0x0  }
0x19: {  	s7 =	sld [smem:$0x3F94]  }
0x1a: {  	s8 =	sadd.s32 $0xFFFFE003, lr  }
0x1b: {  	s9 =	sadd.s32 $0xFFFFFEF7, lr;
	s5 =	simm.s32 $0xFFFFFFFF;
	p2 =	slt.u32 s8, $0xFFFFF086  }
0x1c: {  	p1 =	slt.u32 s9, $0xF7A;
	s5 =	simm.s32 @!p2 $0x0  }
0x1d: {  	s5 =	simm.s32 @p1 $0x1;
	p0 =	seq.s32 s7, s2  }
0x1e: {  	s7 =	smul.u32 @!p0 $0xF7A, s2;
	p2 =	seq.s32 @!p0 s5, $0x0  }
0x1f: {  	s9 =	smul.u32 $0xF7A, s1;
	s8 =	simm.s32 @!p0 $0x1BF5;
	p2 =	por !p2, p0  }
0x20: {  	[sflag:s8] =	ssyncset.s32 @!p0 $0xFFFFF086;
	s6 =	sadd.s32 @!p0 s3, s7;
	s7 =	simm.s32 @!p0 $0x108  }
0x21: {  	s3 =	sadd.s32 s3, s9;
	s6 =	sadd.s32 @!p0 $0x88, s6;
	s7 =	simm.s32 @p2 $0x1082  }
0x22: {  	[simem:s7], [sflag:s8] =	dma.local @!p0 [hbm:s6], $0xF7A  }
0x23: {  	s9 =	sor.u32 $0xD0000000, s2;
	s6 =	simm.s32 $0x108;
	_ =	swait.ge @!p0 [sflag:s8], $0x0  }
0x24: {  	s3 =	sadd.s32 $0x88, s3;
	s6 =	simm.s32 @!p1 $0x1082;
	[sflag:s4] =	ssyncset.s32 $0xFFFFF086  }
0x25: {  	[simem:s6], [sflag:s4] =	dma.local [hbm:s3], $0xF7A  }
0x26: {  	[smem:$0x3F94] =	sst s1;
	(tag) =	ssettag s2;
	_ =	strace s9  }
0x27: {  	s1 =	sld [smem:$0x3FA4]  }
0x28: {  	s2 =	sld [smem:$0x3FA5]  }
0x29: {  	s4 =	sld [smem:$0x3FA7]  }
0x2a: {  	p0 =	seq.s32 s5, $0x0;
	s5 =	sld [smem:$0x3FA8]  }
0x2b: {  	s6 =	sld [smem:$0x3FA9]  }
0x2c: {  	s7 =	sld [smem:$0x3FAA]  }
0x2d: {  	s3 =	simm.s32 $0x108;
	s8 =	sld [smem:$0x3FAB]  }
0x2e: {  	s3 =	simm.s32 @!p0 $0x1082;
	s9 =	sld [smem:$0x3FAC]  }
0x2f: {  	lr =	sadd.s32 s0, s3;
	s0 =	sld [smem:$0x3FA3]  }
0x30: {  	s3 =	sld [smem:$0x3FA6]  }
0x31: {  	[smem:$0x3FAF] =	sst s10  }
0x32: {  	s10 =	sld [smem:$0x3FAD];
	_ =	sdelay $0x3  }
0x33: {  	p0 =	seq.s32 s10, $0x1;
	s10 =	sld [smem:$0x3FAF];
	_ =	sdelay $0x3  }
0x34: {  	[smem:$0x3FAF] =	sst s10  }
0x35: {  	s10 =	sld [smem:$0x3FAE];
	_ =	sdelay $0x3  }
0x36: {  	p1 =	seq.s32 s10, $0x1;
	s10 =	sld [smem:$0x3FAF];
	_ =	sdelay $0x3  }
0x37: {  	[smem:$0x3FAF] =	sst s10  }
0x38: {  	s10 =	sld [smem:$0x3FB0]  }
0x39: {  	_ = 	snop;
	(pc) =	sbr.ind lr, $3  }
0x3a: {  	_ = 	snop  }
0x3b: {  	_ = 	snop  }
0x3c: {  	p2 =	seq.s32 s10, $0x1;
	s10 =	sld [smem:$0x3FAF]  }
0x3d: {  	_ =	shalt  }
0x3e: {  	_ =	shalt  }
0x3f: {  	_ =	shalt  }
0x40: {  	_ =	shalt  }
0x41: {  	_ =	shalt  }
0x42: {  	_ =	shalt  }
0x43: {  	_ =	shalt  }
0x44: {  	_ =	shalt  }
0x45: {  	_ =	shalt  }
0x46: {  	_ =	shalt  }
0x47: {  	_ =	shalt  }
0x48: {  	_ =	shalt  }
0x49: {  	_ =	shalt  }
0x4a: {  	_ =	shalt  }
0x4b: {  	_ =	shalt  }
0x4c: {  	_ =	shalt  }
0x4d: {  	_ =	shalt  }
0x4e: {  	_ =	shalt  }
0x4f: {  	_ =	shalt  }
0x50: {  	_ =	shalt  }
0x51: {  	_ =	shalt  }
0x52: {  	_ =	shalt  }
0x53: {  	_ =	shalt  }
0x54: {  	_ =	shalt  }
0x55: {  	_ =	shalt  }
0x56: {  	_ =	shalt  }
0x57: {  	_ =	shalt  }
0x58: {  	_ =	shalt  }
0x59: {  	_ =	shalt  }
0x5a: {  	_ =	shalt  }
0x5b: {  	_ =	shalt  }
0x5c: {  	_ =	shalt  }
0x5d: {  	_ =	shalt  }
0x5e: {  	_ =	shalt  }
0x5f: {  	_ =	shalt  }
0x60: {  	_ =	shalt  }
0x61: {  	_ =	shalt  }
0x62: {  	_ =	shalt  }
0x63: {  	_ =	shalt  }
0x64: {  	_ =	shalt  }
0x65: {  	_ =	shalt  }
0x66: {  	_ =	shalt  }
0x67: {  	_ =	shalt  }
0x68: {  	_ =	shalt  }
0x69: {  	_ =	shalt  }
0x6a: {  	_ =	shalt  }
0x6b: {  	_ =	shalt  }
0x6c: {  	_ =	shalt  }
0x6d: {  	_ =	shalt  }
0x6e: {  	_ =	shalt  }
0x6f: {  	_ =	shalt  }
0x70: {  	_ =	shalt  }
0x71: {  	_ =	shalt  }
0x72: {  	_ =	shalt  }
0x73: {  	_ =	shalt  }
0x74: {  	_ =	shalt  }
0x75: {  	_ =	shalt  }
0x76: {  	_ =	shalt  }
0x77: {  	_ =	shalt  }
0x78: {  	_ =	shalt  }
0x79: {  	_ =	shalt  }
0x7a: {  	_ =	shalt  }
0x7b: {  	_ =	shalt  }
0x7c: {  	_ =	shalt  }
0x7d: {  	_ =	shalt  }
0x7e: {  	_ =	shalt  }
0x7f: {  	_ =	shalt  }
0x80: {  	_ =	shalt  }
0x81: {  	_ =	shalt  }
0x82: {  	_ =	shalt  }
0x83: {  	_ =	shalt  }
0x84: {  	_ =	shalt  }
0x85: {  	_ =	shalt  }
0x86: {  	_ =	shalt  }
0x87: {  	_ =	shalt  }
.Lfunc_end0:
.L_simem_size_0:
called_computation.1_lowered:
.L_overlay_start_0:
0x88: {  	s2 =	sld [smem:$0x3FD9]  }
0x89: {  	s3 =	sld [smem:$0x3FFE];
	_ =	sdelay $0x1  }
0x8a: {  	s1 =	srdreg.scid  }
0x8b: {  	s0 =	sand.u32 $0x1, s1  }
0x8c: {  	s17 =	sshll.u32 s0, $0xA;
	s2 =	sadd.s32 s3, s2  }
0x8d: {  	s2 =	sadd.s32 s2, s17  }
0x8e: {  	[smem:$0x3FBB] =	sst s2  }
0x8f: {  	_ = 	snop  }
0x90: {  	s2 =	sld [smem:$0x3FBF]  }
0x91: {  	s18 =	sld [smem:$0x3FBE]  }
0x92: {  	s4 =	sld [smem:$0x3FD0];
	(tm) =	ssettm $0x1  }
0x93: {  	s5 =	sld [smem:$0x3FFB];
	_ =	sdelay $0x3  }
0x94: {  	_ =	strace s5  }
0x95: {  	s5 =	sld [smem:$0x3FFC];
	_ =	sdelay $0x3  }
0x96: {  	_ =	strace s5  }
0x97: {  	s5 =	sld [smem:$0x3FFD];
	_ =	sdelay $0x3  }
0x98: {  	_ =	strace s5  }
0x99: {  	_ =	strace $0x8FFFFFFF  }
0x9a: {  	s19 =	sld [smem:$0x3FDB];
	_ =	sdelay $0x1  }
0x9b: {  	s6 =	simm.s32 $_scs_section_size  }
0x9c: {  	s7 =	simm.s32 $_size__tile_overlayer_lowered;
	s8 =	simm.s32 $_tile_overlayer_lowered  }
0x9d: {  	s22 =	simm.s32 $0x1BFF;
	s21 =	sshll.u32 s8, $0x1;
	s5 =	sadd.s32 s6, s19  }
0x9e: {  	s9 =	simm.s32 $0x0;
	s20 =	sshll.u32 s7, $0x1;
	s7 =	sadd.s32 s21, s5  }
0x9f: {  	[timem:s9], [sflag:s22] =	dma.local [hbm:s7], s20  }
0xa0: {  	_ =	swait.ge [sflag:s22], s20  }
0xa1: {  	s6 =	ssub.s32 $0x0, s20;
	[sflag:s22] =	ssyncset.done $0x0  }
0xa2: {  	[sflag:s22] =	ssyncadd.s32 s6;
	_ =	sdelay $0x1  }
0xa3: {  	s23 =	simm.s32 $0x1B8B  }
0xa4: {  	_ =	swait.ge [sflag:s23], $0x1  }
0xa5: {  	[sflag:s23] =	ssyncset.done $0x0  }
0xa6: {  	s25 =	simm.s32 $0x1B8E;
	s24 =	sld [smem:$0x3FFE];
	[sflag:s23] =	ssyncadd.s32 $0xFFFFFFFF  }
0xa7: {  	s26 =	simm.s32 $execute0_lowered;
	[smem:$0x3FD2] =	sst s25  }
0xa8: {  	s7 =	sshll.u32 s26, $0x1;
	_ =	strace $0x80000049;
	[dreg:$0x1] =	wrdreg $0xFFFFFFFF  }
0xa9: {  	s28 =	simm.s32 $_size_execute0_lowered;
	s5 =	sadd.s32 s5, s7;
	[dreg:$0x0] =	wrdreg $0x0  }
0xaa: {  	s7 =	sshll.u32 s28, $0x1;
	[dreg:$0x2] =	wrdreg s5  }
0xab: {  	[dreg:$0x3] =	wrdreg s7  }
0xac: {  	[dreg:$0x4] =	wrdreg $0xC0  }
0xad: {  	_ =	task [dreg:s9], $0x5FFFF  }
0xae: {  	[dreg:$0x1] =	wrdreg $0xFFFFFFFF  }
0xaf: {  	[dreg:$0x0] =	wrdreg $0x60  }
0xb0: {  	[dreg:$0x2] =	wrdreg s4  }
0xb1: {  	[dreg:$0x3] =	wrdreg s24  }
0xb2: {  	[dreg:$0x4] =	wrdreg s2  }
0xb3: {  	[dreg:$0x5] =	wrdreg s18  }
0xb4: {  	[dreg:$0x6] =	wrdreg $0xD3A00  }
0xb5: {  	[dreg:$0x7] =	wrdreg $0x9  }
0xb6: {  	_ =	task.clear_ibuf [dreg:s9], $0x8FFFF;
	_ =	strace $0x90000049  }
0xb7: {  	s29 =	simm.s32 $0x9;
	_ =	strace $0x8000004B  }
0xb8: {  	_ =	swait.ge [sflag:s29], $0x1  }
0xb9: {  	[sflag:s29] =	ssyncadd.s32 $0xFFFFFFFF  }
0xba: {  	_ =	strace $0x9000004B  }
0xbb: {  	_ =	sfence  }
0xbc: {  	s30 =	sld [smem:$0x0];
	_ =	sdelay $0x2  }
0xbd: {  	s31 =	sshll.u32 s1, $0xD;
	s1 =	sshrl.u32 s1, $0x2  }
0xbe: {  	s3 =	sand.u32 $0x4000, s31;
	s1 =	sadd.s32 s1, s30  }
0xbf: {  	s0 =	sor.u32 s3, s0;
	s1 =	sshll.u32 s1, $0x11  }
0xc0: {  	s0 =	sor.u32 s1, s0  }
0xc1: {  	s0 =	sadd.s32 $0x8F2B, s0  }
0xc2: {  	[sflag:s0] =	ssyncadd.remote.s32 $0x1  }
0xc3: {  	_ =	sfence.sel $0xFFFF  }
0xc4: {  	[dreg:$0x0] =	wrdreg $0xFFFFFFFF;
	(pc) =	sbr.abs _section_cstart, $3  }
0xc5: {  	[dreg:$0x1] =	wrdreg $0xFFFFFFFF  }
0xc6: {  	_ =	task.clear_ibuf [dreg:s9], $0x2FFFF;
	_ =	strace $0x9FFFFFFF  }
0xc7: {  	(tm) =	ssettm $0x7FFFFFFF  }
tec
execute0_lowered:
.L_overlay_start_1:
0x0: {  	(tag) =	ssettag $0x1  }
0x1: {  	s1 =	rddreg [dreg:$0x0]  }
0x2: {  	s0 =	rddreg [dreg:$0x1]  }
0x3: {  	s5 =	rddreg [dreg:$0x4];
	s4 =	stileid.u32  }
0x4: {  	s2 =	srdreg.scid;
	s6 =	simm.s32 $0x0;
	s15 =	simm.s32 $0x5  }
0x5: {  	s19 =	simm.s32 $0x1;
	s20 =	simm.s32 $0x2;
	s21 =	simm.s32 $0x4  }
0x6: {  	s22 =	simm.s32 $0x3;
	s23 =	simm.s32 $0x0;
	s3 =	smul.u32 $0xC800, s4  }
0x7: {  	s2 =	sand.u32 $0x1, s2;
	[smem:$0x7FF] =	sst s6;
	s7 =	sadd.s32 $0x1400, s0  }
0x8: {  	s8 =	sadd.s32 $0xB600, s0;
	s9 =	sadd.s32 $0x15800, s0;
	s31 =	sshll.u32 s4, $0x6  }
0x9: {  	s10 =	smul.u32 $0xC8000, s2;
	_ =	strace $0x8000004A;
	s12 =	ssub.s32 $0x2, s2  }
0xa: {  	s2 =	sshll.u32 s2, $0x4;
	s17 =	sor.u32 $0x1C05, s31;
	s11 =	sshrl.u32 s3, $0x3  }
.Ltmp0:
0xb: {  	s29 =	sshrl.u32 s12, $0x1;
	s2 =	sor.u32 s4, s2;
	(pc) =	sbr.rel .LBB2_1-.Ltmp0, $4  }
0xc: {  	s10 =	sadd.s32 s3, s10;
	s11 =	sadd.s32 s11, s0;
	s13 =	ssub.s32 s12, s29  }
0xd: {  	s3 =	sadd.s32 s3, s5;
	s10 =	sshrl.u32 s10, $0x3;
	s30 =	sadd.s32 $0x3DA00, s11  }
0xe: {  	s11 =	smul.u32 $0x2880, s2;
	s13 =	smax.u32 s13, $0x1;
	s0 =	sadd.s32 s10, s0  }
0xf: {  	vm0 =	vmmov $0x1;
	s18 =	sshrl.u32 s3, $0x3;
	[dreg:$0x6] =	wrdreg s30;
	s12 =	sadd.s32 $0x56A00, s0  }
.LBB2_7:
0x10: {  	_ =	swait.ge [sflag:s21], $0x2800  }
0x11: {  	[sflag:s21] =	ssyncset.done $0x0  }
0x12: {  	[sflag:s21] =	ssyncadd.s32 $0xFFFFD800  }
0x13: {  	_ =	swait.ge [sflag:s22], $0x2800  }
0x14: {  	s23 =	sadd.s32 $0x1, s23;
	[sflag:s22] =	ssyncset.done $0x0  }
0x15: {  	p0 =	sne.s32 s23, s13;
	[sflag:s22] =	ssyncadd.s32 $0xFFFFD800  }
.Ltmp1:
0x16: {  	[bflag:$0x0] =	sbarrier.arrive $0xFFFF;
	(pc) =	sbr.rel @!p0 .LBB2_8-.Ltmp1, $4  }
0x17: {  	[hbm:s12], [sflag:s17] =	dma.local [spmem:s18], $0x1900  }
0x18: {  	_ =	swait.ge [sflag:s15], $0x1900  }
0x19: {  	[sflag:s15] =	ssyncset.done $0x0  }
0x1a: {  	[sflag:s15] =	ssyncadd.s32 $0xFFFFE700  }
.LBB2_1:
0x1b: {  	s0 =	rddreg [dreg:$0x2];
	s2 =	simm.s32 $0x0;
	s3 =	simm.s32 $0xD320  }
0x1c: {  	[tilespmem:s3], [sflag:$0x5] =	stream.linear.gather [hbm4b:s0+s2], $0x40, $0x38;
	[tilespmem:$0x19BA0] =	vst v63  }
0x1d: {  	_ =	swait.ge [sflag:s15], $0x40  }
0x1e: {  	[sflag:s15] =	ssyncset.done $0x0  }
0x1f: {  	[sflag:s15] =	ssyncadd.s32 $0xFFFFFFC0  }
0x20: {  	s30 =	simm.s32 $0xD360;
	s29 =	rddreg [dreg:$0x3]  }
0x21: {  	[tilespmem:s30], [sflag:$0x5] =	stream.linear.gather [hbm4b:s29+s2], $0x40, $0x38;
	[tilespmem:$0x19BA0] =	vst v63  }
0x22: {  	_ =	swait.ge [sflag:s15], $0x40  }
0x23: {  	[sflag:s15] =	ssyncset.done $0x0  }
0x24: {  	s31 =	rddreg [dreg:$0x6];
	[sflag:s15] =	ssyncadd.s32 $0xFFFFFFC0  }
0x25: {  	[spmem:s18], [sflag:s17] =	dma.local [hbm:s31], $0x1900  }
0x26: {  	_ =	swait.ge [sflag:s15], $0x1900  }
0x27: {  	[sflag:s15] =	ssyncset.done $0x0  }
0x28: {  	[sflag:s15] =	ssyncadd.s32 $0xFFFFE700  }
0x29: {  	v0 =	vld [tilespmem:$0xD320]  }
0x2a: {  	v1 =	vld [tilespmem:$0xD330]  }
0x2b: {  	v2 =	vld [tilespmem:$0xD340]  }
0x2c: {  	v3 =	vld [tilespmem:$0xD350]  }
.Ltmp2:
0x2d: {  	v4 =	vld [tilespmem:$0xD360];
	(pc) =	sbr.rel .LBB2_2-.Ltmp2, $4  }
0x2e: {  	v5 =	vld [tilespmem:$0xD370]  }
0x2f: {  	v6 =	vld [tilespmem:$0xD380]  }
0x30: {  	v7 =	vld [tilespmem:$0xD390];
	[bflag:$0x0] =	sbarrier.arrive $0xFFFF  }
0x31: {  	p0 =	por $0x1, $0x1;
	s24 =	simm.s32 $0x0  }
.LBB2_6:
0x32: {  	s24 =	sadd.s32 $0x1, s24  }
0x33: {  	_ =	swait.ge [sflag:s19], $0x2000;
	p1 =	sne.s32 s24, $0x52  }
.Ltmp3:
0x34: {  	[sflag:s19] =	ssyncset.done $0x0;
	(pc) =	sbr.rel @!p1 .LBB2_7-.Ltmp3, $4  }
0x35: {  	[sflag:s19] =	ssyncadd.s32 $0xFFFFE000  }
0x36: {  	_ =	swait.ge [sflag:s20], $0x2000  }
0x37: {  	[sflag:s20] =	ssyncset.done $0x0  }
0x38: {  	p0 =	por !p0, !p0;
	[sflag:s20] =	ssyncadd.s32 $0xFFFFE000  }
.LBB2_2:
0x39: {  	s25 =	sand.u32 $0x1, s24  }
0x3a: {  	p2 =	slt.u32 s24, $0x3;
	p1 =	seq.s32 s25, $0x1  }
0x3b: {  	p3 =	por !p1, p2  }
0x3c: {  	s0 =	simm.s32 @!p3 $0x3  }
0x3d: {  	_ =	swait.ge @!p3 [sflag:s0], $0x2800  }
0x3e: {  	s2 =	smul.u32 $0xAB, s24;
	p4 =	sne.s32 @!p2 s25, $0x0;
	[sflag:s0] =	ssyncset.done @!p3 $0x0  }
0x3f: {  	[sflag:s0] =	ssyncadd.s32 @!p3 $0xFFFFD800;
	p3 =	por p4, p2;
	p2 =	seq.s32 s24, $0x51  }
0x40: {  	s31 =	sshrl.u32 s2, $0x9;
	s2 =	simm.s32 @!p3 $0x4;
	s3 =	sshll.u32 @!p2 s24, $0x7  }
0x41: {  	s0 =	sand.u32 $0x7F, s31;
	_ =	swait.ge @!p3 [sflag:s2], $0x2800;
	s3 =	sadd.s32 @!p2 s11, s3  }
0x42: {  	s0 =	smul.u32 $0x3, s0;
	[sflag:s2] =	ssyncset.done @!p3 $0x0;
	s3 =	sshrl.u32 @!p2 s3, $0x3  }
0x43: {  	s26 =	simm.s32 @!p2 $0x0;
	[sflag:s2] =	ssyncadd.s32 @!p3 $0xFFFFD800;
	s2 =	sadd.s32 @!p2 s1, s3  }
0x44: {  	[tilespmem:s26], [sflag:$0x5] =	stream.linear.gather @!p2 [hbm4b:s2+s26], $0x80, $0x38;
	[tilespmem:$0x19BA0] =	vst v63  }
0x45: {  	s0 =	ssub.s32 s24, s0;
	s2 =	simm.s32 @!p2 $0x5  }
0x46: {  	s0 =	sand.u32 $0xFF, s0;
	_ =	swait.ge @!p2 [sflag:s2], $0x80  }
0x47: {  	s0 =	sshll.u32 @!p2 s0, $0x7;
	[sflag:s2] =	ssyncset.done @!p2 $0x0  }
0x48: {  	s28 =	sadd.s32 @!p2 s7, s3;
	s0 =	sadd.s32 @!p2 $0x80, s0;
	[sflag:s2] =	ssyncadd.s32 @!p2 $0xFFFFFF80  }
0x49: {  	[tilespmem:s0], [sflag:$0x5] =	stream.linear.gather @!p2 [hbm4b:s28+s26], $0x80, $0x38;
	[tilespmem:$0x19BA0] =	vst v63  }
0x4a: {  	s28 =	smul.u32 @!p2 $0x240, s25  }
0x4b: {  	_ =	swait.ge @!p2 [sflag:s2], $0x80  }
0x4c: {  	s3 =	sadd.s32 @!p2 s8, s3;
	[sflag:s2] =	ssyncset.done @!p2 $0x0;
	s28 =	sshrl.u32 @!p2 s28, $0x2  }
0x4d: {  	p3 =	seq.s32 @!p2 s24, $0x0;
	[sflag:s2] =	ssyncadd.s32 @!p2 $0xFFFFFF80;
	s28 =	sor.u32 @!p2 $0x200, s28  }
0x4e: {  	[tilespmem:s28], [sflag:$0x5] =	stream.linear.gather @!p2 [hbm4b:s3+s26], $0x80, $0x38;
	[tilespmem:$0x19BA0] =	vst v63  }
0x4f: {  	p3 =	por p2, !p3;
	_ =	swait.ge @!p2 [sflag:s2], $0x80  }
.Ltmp4:
0x50: {  	s3 =	sshll.u32 @!p2 s25, $0xD;
	[sflag:s2] =	ssyncset.done @!p2 $0x0;
	(pc) =	sbr.rel @!p3 .LBB2_6-.Ltmp4, $4  }
0x51: {  	s28 =	simm.s32 @!p2 $0x80;
	[sflag:s2] =	ssyncadd.s32 @!p2 $0xFFFFFF80;
	s2 =	sor.u32 @!p2 $0x320, s3  }
0x52: {  	[tilespmem:s2], [sflag:$0x1] =	stream.indirect.gather @!p2 [hbm4b:s9+s28], $0x40, s26, s28, $0xb8;
	[tilespmem:$0x19BA0] =	vst v63  }
0x53: {  	s2 =	sor.u32 @!p2 $0x4320, s3  }
0x54: {  	[tilespmem:s2], [sflag:$0x2] =	stream.indirect.gather @!p2 [hbm4b:s9+s28], $0x40, s0, s28, $0xb8;
	[tilespmem:$0x19BA0] =	vst v63  }
0x55: {  	s29 =	simm.s32 $0x1  }
0x56: {  	s29 =	simm.s32 @!p0 $0x0  }
0x57: {  	s0 =	sshll.u32 s29, $0xD  }
0x58: {  	s2 =	sor.u32 $0x43A0, s0  }
0x59: {  	v18 =	vld [tilespmem:s2+$0xFFFFFF90]  }
0x5a: {  	v20 =	vld [tilespmem:s2+$0xFFFFFF80]  }
0x5b: {  	s0 =	sor.u32 $0x3A0, s0;
	v10 =	vld [tilespmem:s2+$0xFFFFFFA0]  }
0x5c: {  	v8 =	vld [tilespmem:s0+$0xFFFFFFA0]  }
0x5d: {  	v11 =	vld [tilespmem:s2+$0xFFFFFFB0]  }
0x5e: {  	v9 =	vld [tilespmem:s0+$0xFFFFFFB0]  }
0x5f: {  	v12 =	vld [tilespmem:s0+$0x20]  }
0x60: {  	v15 =	vld [tilespmem:s2+$0x20]  }
0x61: {  	v22 =	vld [tilespmem:s2+$0xFFFFFFF0]  }
0x62: {  	s3 =	sxor.u32 $0x1, s25;
	v19 =	vld [tilespmem:s2+$0x30]  }
0x63: {  	s3 =	smul.u32 $0x240, s3;
	v24 =	vld [tilespmem:s2+$0x0]  }
0x64: {  	v14 =	vld [tilespmem:s0+$0x30]  }
0x65: {  	s26 =	simm.s32 $0x0;
	s3 =	sshrl.u32 s3, $0x2;
	v25 =	vld [tilespmem:s2+$0x10]  }
0x66: {  	s30 =	simm.s32 $0x1;
	s14 =	sand.u32 $0x78, s26;
	s28 =	sor.u32 $0x200, s3;
	v16 =	vld [tilespmem:s0+$0x10]  }
0x67: {  	s30 =	sand.u32 $0x5, s30;
	v17 =	vld [tilespmem:s0+$0x0];
	s3 =	sadd.s32 s14, s28  }
0x68: {  	v13 =	vld [tilespmem:s0+$0xFFFFFFF0];
	s30 =	sadd.s32 s30, s3  }
0x69: {  	v21 =	vld.msk [tilespmem:s30+$0x0 ss:$0x0], $0xffff;
	s30 =	sand.u32 $0x4, s26  }
0x6a: {  	v28 =	vld [tilespmem:s2+$0xFFFFFFE0];
	s30 =	sadd.s32 s30, s3  }
0x6b: {  	v23 =	vld.msk [tilespmem:s30+$0x0 ss:$0x0], $0xffff  }
0x6c: {  	s30 =	simm.s32 $0x2;
	v27 =	vadd.f32 v15, v12;
	v15 =	vld [tilespmem:s0+$0xFFFFFFE0]  }
0x6d: {  	v29 =	vadd.f32 v10, v8;
	v30 =	vadd.f32 v11, v9;
	v11 =	vld [tilespmem:s0+$0xFFFFFF90];
	s30 =	sand.u32 $0x6, s30  }
0x6e: {  	v32 =	vadd.f32 v19, v14;
	v25 =	vadd.f32 v25, v16;
	v10 =	vld [tilespmem:s0+$0xFFFFFF80];
	s30 =	sadd.s32 s30, s3  }
0x6f: {  	v24 =	vadd.f32 v24, v17;
	v26 =	vld.msk [tilespmem:s30+$0x0 ss:$0x0], $0xffff;
	v59 =	vmul.f32 v21, v7;
	v61 =	vmul.f32 v21, v4  }
0x70: {  	v22 =	vadd.f32 v22, v13;
	v42 =	vmul.f32 v21, v5;
	v21 =	vmul.f32 v21, v6  }
0x71: {  	v31 =	vmul.f32 v23, v7;
	v19 =	vmul.f32 v23, v6;
	v28 =	vadd.f32 v28, v15  }
0x72: {  	v60 =	vmul.f32 v23, v5;
	v18 =	vadd.f32 v18, v11;
	v22 =	vadd.f32 v22, v59  }
0x73: {  	s30 =	simm.s32 $0xFFFFFFFB;
	v20 =	vadd.f32 v20, v10;
	v23 =	vmul.f32 v23, v4;
	v30 =	vadd.f32 v30, v31  }
0x74: {  	v33 =	vld [tilespmem:s2+$0xFFFFFFC0];
	s30 =	sand.u32 $0x7, s30;
	v29 =	vadd.f32 v29, v19;
	v39 =	vmul.f32 $2.000000030e-01, v22;
	v34 =	vmul.f32 v26, v4  }
0x75: {  	v63 =	vld [tilespmem:s2+$0xFFFFFFD0];
	s3 =	sadd.s32 s30, s3;
	v23 =	vadd.f32 v20, v23;
	v35 =	vmul.f32 v26, v6;
	v37 =	vmul.f32 v26, v5  }
0x76: {  	v49 =	vld.msk [tilespmem:s3+$0x0 ss:$0x0], $0xffff;
	v18 =	vadd.f32 v18, v60;
	v26 =	vmul.f32 v26, v7;
	v36 =	vmul.f32 $2.000000030e-01, v30  }
0x77: {  	v19 =	vld [tilespmem:s0+$0xFFFFFFC0];
	v21 =	vadd.f32 v28, v21;
	v38 =	vmul.f32 $2.000000030e-01, v29;
	v43 =	vmul.f32 $2.000000030e-01, v23  }
0x78: {  	v20 =	vld [tilespmem:s0+$0xFFFFFFD0];
	v44 =	vmax.f32 v22, v39;
	v24 =	vadd.f32 v24, v34;
	v27 =	vadd.f32 v27, v35  }
0x79: {  	v22 =	vmul.f32 $2.000000030e-01, v18;
	v25 =	vadd.f32 v25, v37;
	v26 =	vadd.f32 v32, v26  }
0x7a: {  	v30 =	vmax.f32 v30, v36;
	v29 =	vmax.f32 v29, v38;
	v23 =	vmax.f32 v23, v43  }
0x7b: {  	v18 =	vmax.f32 v18, v22;
	v22 =	vmul.f32 $2.000000030e-01, v21;
	v57 =	vmul.f32 v49, v4  }
0x7c: {  	v62 =	vmul.f32 $2.000000030e-01, v24;
	v33 =	vadd.f32 v33, v19;
	v45 =	vmul.f32 $2.000000030e-01, v25  }
0x7d: {  	v47 =	vmul.f32 $2.000000030e-01, v27;
	v29 =	vmul.f32 v29, v2;
	v48 =	vadd.f32 v63, v20  }
0x7e: {  	v23 =	vmul.f32 v23, v0;
	v50 =	vmul.f32 v18, v1;
	v24 =	vmax.f32 v24, v62  }
0x7f: {  	v52 =	vmax.f32 v21, v22;
	v46 =	vadd.f32 v33, v61;
	v24 =	vmul.f32 v24, v0  }
0x80: {  	v51 =	vld [tilespmem:s2+$0x40];
	v25 =	vmax.f32 v25, v45;
	v27 =	vmax.f32 v27, v47;
	v28 =	vadd.f32 v48, v42  }
0x81: {  	v22 =	vld [tilespmem:s0+$0x40];
	v25 =	vmul.f32 v25, v1;
	v35 =	vmul.f32 $2.000000030e-01, v46;
	v24 =	vadd.f32 $0.0e+00, v24  }
0x82: {  	v54 =	vld [tilespmem:s2+$0x50];
	v23 =	vadd.f32 $0.0e+00, v23;
	v21 =	vmul.f32 v27, v2;
	v27 =	vmul.f32 $2.000000030e-01, v26  }
0x83: {  	v56 =	vld [tilespmem:s2+$0x70];
	v53 =	vmul.f32 $2.000000030e-01, v28;
	v24 =	vadd.f32 v25, v24;
	v25 =	vmax.f32 v46, v35  }
0x84: {  	v18 =	vld [tilespmem:s0+$0x50];
	v55 =	vadd.f32 v50, v23;
	v26 =	vmax.f32 v26, v27;
	v25 =	vmul.f32 v25, v0  }
0x85: {  	v27 =	vld [tilespmem:s2+$0x60];
	v28 =	vmax.f32 v28, v53;
	v26 =	vmul.f32 v26, v3;
	v24 =	vadd.f32 v21, v24  }
0x86: {  	v34 =	vadd.f32 v51, v22;
	v28 =	vmul.f32 v28, v1;
	v21 =	vld [tilespmem:s0+$0x60];
	v25 =	vadd.f32 $0.0e+00, v25  }
0x87: {  	v30 =	vmul.f32 v30, v3;
	v23 =	vld [tilespmem:s0+$0x70];
	v29 =	vadd.f32 v29, v55;
	v24 =	vadd.f32 v26, v24  }
0x88: {  	v34 =	vadd.f32 v34, v57;
	v26 =	vmul.f32 v52, v2;
	v25 =	vadd.f32 v28, v25  }
0x89: {  	v58 =	vmul.f32 v44, v3;
	v59 =	vadd.f32 v54, v18;
	(xrf2) =	vadd.scan.msk.f32 $0xffff, v24;
	v24 =	vmul.f32 v49, v5  }
0x8a: {  	v29 =	vadd.f32 v30, v29;
	v60 =	vmul.f32 $2.000000030e-01, v34;
	v25 =	vadd.f32 v26, v25  }
0x8b: {  	v26 =	vadd.f32 v27, v21;
	v27 =	vmul.f32 v49, v6;
	v24 =	vadd.f32 v59, v24  }
0x8c: {  	v62 =	vmul.f32 v49, v7;
	v61 =	vadd.f32 v56, v23;
	v25 =	vadd.f32 v58, v25  }
0x8d: {  	v30 =	vmax.f32 v34, v60;
	(xrf2) =	vadd.scan.msk.f32 $0xffff, v29;
	v26 =	vadd.f32 v26, v27;
	v27 =	vmul.f32 $2.000000030e-01, v24  }
0x8e: {  	(xrf2) =	vadd.scan.msk.f32 $0xffff, v25;
	v25 =	vmul.f32 v30, v0  }
0x8f: {  	v28 =	vadd.f32 v61, v62;
	v63 =	vmul.f32 $2.000000030e-01, v26;
	v24 =	vmax.f32 v24, v27  }
0x90: {  	v25 =	vadd.f32 $0.0e+00, v25;
	v24 =	vmul.f32 v24, v1  }
0x91: {  	v27 =	vmul.f32 $2.000000030e-01, v28;
	v26 =	vmax.f32 v26, v63  }
0x92: {  	v24 =	vadd.f32 v24, v25;
	v25 =	vmul.f32 v26, v2  }
0x93: {  	v27 =	vmax.f32 v28, v27  }
0x94: {  	v24 =	vadd.f32 v25, v24;
	v25 =	vmul.f32 v27, v3;
	_ =	sdelay $0x1  }
0x95: {  	s16 =	sadd.s32 $0x2, s24;
	v24 =	vadd.f32 v25, v24  }
0x96: {  	s30 =	sand.u32 $0xFF, s16;
	v26, _, _ =	vpop (xrf2)  }
0x97: {  	s30 =	smul.u32 $0xAB, s30;
	v26 =	vmul.f32 $1.442695020e+00, v26;
	(xrf2) =	vadd.scan.msk.f32 $0xffff, v24;
	_ =	sdelay $0x1  }
0x98: {  	s29 =	smul.u32 $0xA000, s29;
	s30 =	sshrl.u32 s30, $0x9;
	v26 =	vbroadcast v26, $0xF  }
0x99: {  	s30 =	smul.u32 $0x3, s30  }
0x9a: {  	v27, _, _ =	vpop (xrf2)  }
0x9b: {  	s29 =	sshrl.u32 s29, $0x2;
	s3 =	ssub.s32 s16, s30;
	v25 =	vmul.f32 $1.442695020e+00, v27  }
0x9c: {  	s30 =	sor.u32 $0x83C0, s29;
	s29 =	sand.u32 $0xFF, s3;
	(erf) = vpow2.f32 v26;
	v26, _, _ =	vpop (xrf2)  }
0x9d: {  	s31 =	sadd.s32 $0x140, s30;
	s2 =	sadd.s32 $0x100, s2;
	s0 =	sadd.s32 $0x100, s0;
	v25 =	vbroadcast v25, $0xF;
	v24 =	vmul.f32 $1.442695020e+00, v26  }
.LBB2_4:
0x9e: {  	s3 =	sadd.s32 $0x6, s26  }
0x9f: {  	s4 =	sadd.s32 $0xFFFFFFFF, s26;
	v28 =	vld [tilespmem:s0+$0x50];
	s14 =	smov.u32 s26;
	s26 =	sadd.s32 $0x4, s26  }
0xa0: {  	s16 =	sand.u32 $0x78, s26;
	v27 =	vld [tilespmem:s2+$0xFFFFFF90];
	s14 =	sadd.s32 $0x5, s14;
	s4 =	sand.u32 $0x7, s4;
	v24 =	vbroadcast v24, $0xF;
	v26, _, _ =	vpop (xrf2)  }
0xa1: {  	s6 =	sand.u32 $0x4, s26;
	s16 =	sadd.s32 s16, s28;
	v29 =	vld [tilespmem:s2+$0xFFFFFF80];
	s14 =	sand.u32 $0x5, s14  }
0xa2: {  	s3 =	sand.u32 $0x6, s3;
	v31 =	vmul.f32 $1.442695020e+00, v26;
	s6 =	sadd.s32 s6, s16;
	v30 =	vld [tilespmem:s2+$0xFFFFFFA0];
	s14 =	sadd.s32 s14, s16;
	(erf) = vpow2.f32 v24  }
0xa3: {  	p3 =	slt.u32 s26, $0x7C;
	s10 =	sadd.s32 s3, s16;
	s3 =	sadd.s32 s4, s16;
	v24 =	vld [tilespmem:s0+$0xFFFFFFA0]  }
0xa4: {  	v32 =	vld [tilespmem:s2+$0xFFFFFFB0]  }
0xa5: {  	v31 =	vbroadcast v31, $0xF;
	v26 =	vld [tilespmem:s0+$0xFFFFFFB0];
	v33 =	vpop (erf)  }
0xa6: {  	v34 =	vld [tilespmem:s0+$0x20];
	v17 =	vmul.f32 v33, v17;
	v16 =	vmul.f32 v33, v16;
	v35 =	vnsel vm0, $0x0, v33  }
0xa7: {  	v12 =	vmul.f32 v33, v12;
	v14 =	vmul.f32 v33, v14;
	v36 =	vld [tilespmem:s2+$0xFFFFFFC0];
	v33 =	vadd.f32 $0.0e+00, v35  }
0xa8: {  	v35 =	vld.msk [tilespmem:s14+$0x0 ss:$0x0], $0xffff;
	(erf) = vpow2.f32 v31  }
0xa9: {  	v31 =	vld [tilespmem:s2+$0x20]  }
0xaa: {  	v37 =	vld [tilespmem:s2+$0xFFFFFFF0];
	[tilespmem:s30+$0x40] =	vst v33  }
0xab: {  	v33 =	vld [tilespmem:s2+$0x30];
	[tilespmem:s30+$0x20] =	vst v12;
	v38 =	vpop (erf);
	v12 =	vmov v34  }
0xac: {  	v34 =	vld.msk [tilespmem:s6+$0x0 ss:$0x0], $0xffff;
	v19 =	vmul.f32 v38, v19;
	v20 =	vmul.f32 v38, v20;
	v39 =	vnsel vm0, $0x0, v38;
	[tilespmem:s30+$0x30] =	vst v14  }
0xad: {  	v15 =	vmul.f32 v38, v15;
	v13 =	vmul.f32 v38, v13;
	v40 =	vld [tilespmem:s2+$0x0];
	v38 =	vadd.f32 $0.0e+00, v39;
	[tilespmem:s30+$0x0] =	vst v17  }
0xae: {  	v14 =	vld [tilespmem:s0+$0x30];
	[tilespmem:s30+$0x10] =	vst v16  }
0xaf: {  	v39 =	vld [tilespmem:s2+$0x10];
	[tilespmem:s30+$0xFFFFFFF0] =	vst v38  }
0xb0: {  	v16 =	vld [tilespmem:s0+$0x10];
	[tilespmem:s30+$0xFFFFFFB0] =	vst v19  }
0xb1: {  	v31 =	vadd.f32 v31, v12;
	v17 =	vld [tilespmem:s0+$0x0];
	[tilespmem:s30+$0xFFFFFFE0] =	vst v13;
	v19 =	vpop (erf)  }
0xb2: {  	v38 =	vld.msk [tilespmem:s10+$0x0 ss:$0x0], $0xffff;
	[tilespmem:s30+$0xFFFFFFC0] =	vst v20;
	v20 =	vmul.f32 v19, v22;
	v22 =	vmul.f32 v19, v18;
	v41 =	vnsel vm0, $0x0, v19;
	v18 =	vmovc v28  }
0xb3: {  	v21 =	vmul.f32 v19, v21;
	v19 =	vmul.f32 v19, v23;
	v13 =	vld [tilespmem:s0+$0xFFFFFFF0];
	[tilespmem:s30+$0xFFFFFFD0] =	vst v15;
	v23 =	vadd.f32 $0.0e+00, v41  }
0xb4: {  	v28 =	vadd.f32 v30, v24;
	v33 =	vadd.f32 v33, v14;
	v30 =	vld [tilespmem:s2+$0xFFFFFFE0];
	[tilespmem:s30+$0x50] =	vst v20  }
0xb5: {  	v20 =	vadd.f32 v32, v26;
	v32 =	vmul.f32 v34, v7;
	v15 =	vld [tilespmem:s0+$0xFFFFFFE0];
	v39 =	vadd.f32 v39, v16;
	[tilespmem:s30+$0x80] =	vst v19  }
0xb6: {  	v19 =	vmul.f32 v34, v6;
	v41 =	vld [tilespmem:s0+$0xFFFFFF90];
	v40 =	vadd.f32 v40, v17;
	[tilespmem:s30+$0x70] =	vst v21  }
0xb7: {  	v21 =	vadd.f32 v20, v32;
	v32 =	vmul.f32 v35, v7;
	v42 =	vld [tilespmem:s0+$0xFFFFFF80];
	[tilespmem:s30+$0x90] =	vst v23  }
0xb8: {  	v23 =	vadd.f32 v28, v19;
	v20 =	vmul.f32 v38, v4;
	v28 =	vmul.f32 v38, v6;
	v19 =	vld [tilespmem:s0+$0xFFFFFFC0]  }
0xb9: {  	v44 =	vmul.f32 v38, v5;
	v43 =	vmul.f32 $2.000000030e-01, v21;
	v37 =	vadd.f32 v37, v13;
	v45 =	vld.msk [tilespmem:s3+$0x0 ss:$0x0], $0xffff;
	[tilespmem:s30+$0x60] =	vst v22  }
0xba: {  	v22 =	vmul.f32 $2.000000030e-01, v23;
	v40 =	vadd.f32 v40, v20;
	(erf) = vpow2.f32 v25  }
0xbb: {  	v28 =	vadd.f32 v31, v28;
	v25 =	vmul.f32 v34, v5;
	v30 =	vadd.f32 v30, v15;
	v46 =	vld [tilespmem:s2+$0xFFFFFFD0]  }
0xbc: {  	v31 =	vmul.f32 v34, v4;
	v27 =	vadd.f32 v27, v41;
	v29 =	vadd.f32 v29, v42;
	v20 =	vld [tilespmem:s0+$0xFFFFFFD0]  }
0xbd: {  	v34 =	vmul.f32 v35, v4;
	v32 =	vadd.f32 v37, v32;
	v37 =	vmul.f32 $2.000000030e-01, v40  }
0xbe: {  	v25 =	vadd.f32 v27, v25;
	v27 =	vadd.f32 v36, v19;
	v36 =	vmul.f32 v38, v7  }
0xbf: {  	v38 =	vadd.f32 v39, v44;
	v29 =	vadd.f32 v29, v31;
	v31 =	vmul.f32 $2.000000030e-01, v32  }
0xc0: {  	v21 =	vmax.f32 v21, v43;
	v39 =	vmul.f32 v35, v5;
	v33 =	vadd.f32 v33, v36  }
0xc1: {  	v35 =	vmul.f32 v35, v6;
	v43 =	vmul.f32 $2.000000030e-01, v29;
	v31 =	vmax.f32 v32, v31  }
0xc2: {  	v22 =	vmax.f32 v23, v22;
	v23 =	vmul.f32 $2.000000030e-01, v38;
	v32 =	vmul.f32 $2.000000030e-01, v25  }
0xc3: {  	v27 =	vadd.f32 v27, v34;
	v34 =	vmul.f32 $2.000000030e-01, v28;
	v29 =	vmax.f32 v29, v43;
	v36 =	vpop (erf)  }
0xc4: {  	v37 =	vmax.f32 v40, v37;
	v23 =	vmax.f32 v38, v23;
	v38 =	vnsel vm0, $0x0, v36  }
0xc5: {  	v40 =	vmul.f32 v22, v2;
	v22 =	vadd.f32 v30, v35;
	v30 =	vmul.f32 v36, v9;
	v9 =	vmovc v26  }
0xc6: {  	v28 =	vmax.f32 v28, v34;
	v26 =	vmul.f32 v37, v0;
	v34 =	vmul.f32 v36, v11;
	v11 =	vmovc v41  }
0xc7: {  	v35 =	vmul.f32 v21, v3;
	v21 =	vadd.f32 v46, v20;
	v41 =	vmul.f32 v36, v8;
	v37 =	vld [tilespmem:s2+$0x70];
	[tilespmem:s30+$0xFFFFFF90] =	vst v30  }
0xc8: {  	v25 =	vmax.f32 v25, v32;
	v23 =	vmul.f32 v23, v1;
	v8 =	vmovc v24;
	v32 =	vadd.f32 $0.0e+00, v38;
	v30 =	vld [tilespmem:s2+$0x60];
	[tilespmem:s30+$0xFFFFFF70] =	vst v34  }
0xc9: {  	v24 =	vadd.f32 v21, v39;
	v36 =	vmul.f32 v36, v10;
	v10 =	vmovc v42;
	v34 =	vmul.f32 $2.000000030e-01, v22;
	v21 =	vld [tilespmem:s0+$0x60];
	[tilespmem:s30+$0xFFFFFF80] =	vst v41  }
0xca: {  	v29 =	vmul.f32 v29, v0;
	v25 =	vmul.f32 v25, v1;
	v26 =	vadd.f32 $0.0e+00, v26;
	v38 =	vld [tilespmem:s2+$0x40];
	[tilespmem:s30+$0xFFFFFFA0] =	vst v32  }
0xcb: {  	v28 =	vmul.f32 v28, v2;
	v32 =	vmul.f32 $2.000000030e-01, v27;
	v34 =	vmax.f32 v22, v34;
	v22 =	vld [tilespmem:s0+$0x40];
	[tilespmem:s30+$0xFFFFFF60] =	vst v36;
	s30 =	smov.u32 s31  }
0xcc: {  	v26 =	vadd.f32 v23, v26;
	v34 =	vmul.f32 v34, v2;
	v36 =	vmul.f32 $2.000000030e-01, v33;
	v39 =	vld [tilespmem:s2+$0x50]  }
0xcd: {  	v31 =	vmul.f32 v31, v3;
	v29 =	vadd.f32 $0.0e+00, v29;
	v27 =	vmax.f32 v27, v32;
	v23 =	vld [tilespmem:s0+$0x70]  }
0xce: {  	v26 =	vadd.f32 v28, v26;
	v32 =	vmul.f32 $2.000000030e-01, v24;
	v27 =	vmul.f32 v27, v0  }
0xcf: {  	v28 =	vmax.f32 v33, v36;
	v33 =	vmul.f32 v45, v5;
	v30 =	vadd.f32 v30, v21  }
0xd0: {  	v27 =	vadd.f32 $0.0e+00, v27;
	v36 =	vadd.f32 v38, v22;
	v38 =	vmul.f32 v45, v4  }
0xd1: {  	v24 =	vmax.f32 v24, v32;
	v32 =	vadd.f32 v39, v18;
	v39 =	vmul.f32 v45, v6  }
0xd2: {  	v36 =	vadd.f32 v36, v38;
	v37 =	vadd.f32 v37, v23;
	v38 =	vmul.f32 v45, v7  }
0xd3: {  	v28 =	vmul.f32 v28, v3;
	v32 =	vadd.f32 v32, v33;
	v30 =	vadd.f32 v30, v39  }
0xd4: {  	v24 =	vmul.f32 v24, v1;
	v33 =	vmul.f32 $2.000000030e-01, v36;
	v37 =	vadd.f32 v37, v38  }
0xd5: {  	v26 =	vadd.f32 v28, v26;
	v28 =	vmul.f32 $2.000000030e-01, v32;
	v38 =	vmul.f32 $2.000000030e-01, v30  }
0xd6: {  	v25 =	vadd.f32 v25, v29;
	v29 =	vmax.f32 v36, v33;
	v33 =	vmul.f32 $2.000000030e-01, v37  }
0xd7: {  	v29 =	vmul.f32 v29, v0;
	v28 =	vmax.f32 v32, v28;
	v30 =	vmax.f32 v30, v38  }
0xd8: {  	v25 =	vadd.f32 v40, v25;
	v24 =	vadd.f32 v24, v27;
	v27 =	vmax.f32 v37, v33  }
0xd9: {  	v28 =	vmul.f32 v28, v1;
	v29 =	vadd.f32 $0.0e+00, v29;
	(xrf2) =	vadd.scan.msk.f32 $0xffff, v26  }
0xda: {  	v25 =	vadd.f32 v35, v25;
	v24 =	vadd.f32 v34, v24  }
0xdb: {  	v26 =	vadd.f32 v28, v29;
	v28 =	vmul.f32 v30, v2  }
0xdc: {  	v24 =	vadd.f32 v31, v24;
	(xrf2) =	vadd.scan.msk.f32 $0xffff, v25  }
0xdd: {  	v25 =	vadd.f32 v28, v26;
	v26 =	vmul.f32 v27, v3;
	_ =	sdelay $0x1  }
0xde: {  	v25 =	vadd.f32 v26, v25;
	(xrf2) =	vadd.scan.msk.f32 $0xffff, v24;
	_ =	sdelay $0x2  }
0xdf: {  	(xrf2) =	vadd.scan.msk.f32 $0xffff, v25  }
0xe0: {  	v24, _, _ =	vpop (xrf2)  }
0xe1: {  	v24 =	vmul.f32 $1.442695020e+00, v24;
	_ =	sdelay $0x1  }
.Ltmp5:
0xe2: {  	v26 =	vbroadcast v24, $0xF;
	v25, _, _ =	vpop (xrf2);
	(pc) =	sbr.rel @p3 .LBB2_4-.Ltmp5, $4  }
0xe3: {  	v25 =	vmul.f32 $1.442695020e+00, v25  }
0xe4: {  	(erf) = vpow2.f32 v26  }
0xe5: {  	v25 =	vbroadcast v25, $0xF;
	v24, _, _ =	vpop (xrf2)  }
0xe6: {  	s31 =	sadd.s32 $0x140, s31;
	s2 =	sadd.s32 $0x100, s2;
	s0 =	sadd.s32 $0x100, s0;
	v24 =	vmul.f32 $1.442695020e+00, v24  }
0xe7: {  	_ = 	snop  }
0xe8: {  	v24 =	vbroadcast v24, $0xF;
	_ =	sdelay $0x1  }
0xe9: {  	v48, _, _ =	vpop (xrf2);
	(erf) = vpow2.f32 v24  }
0xea: {  	v24 =	vmul.f32 $1.442695020e+00, v48;
	_ =	sdelay $0x1  }
0xeb: {  	v24 =	vbroadcast v24, $0xF  }
0xec: {  	v26 =	vpop (erf)  }
0xed: {  	(erf) = vpow2.f32 v24;
	v12 =	vmul.f32 v26, v12  }
0xee: {  	v14 =	vmul.f32 v26, v14  }
0xef: {  	v17 =	vmul.f32 v26, v17;
	[tilespmem:s30+$0x20] =	vst v12  }
0xf0: {  	v27 =	vnsel vm0, $0x0, v26;
	v16 =	vmul.f32 v26, v16;
	[tilespmem:s30+$0x30] =	vst v14  }
0xf1: {  	v27 =	vadd.f32 $0.0e+00, v27;
	[tilespmem:s30+$0x0] =	vst v17;
	v49 =	vpop (erf)  }
0xf2: {  	[tilespmem:s30+$0x10] =	vst v16;
	(erf) = vpow2.f32 v25;
	v52 =	vmul.f32 v49, v19  }
0xf3: {  	[tilespmem:s30+$0x40] =	vst v27;
	v13 =	vmul.f32 v49, v13  }
0xf4: {  	v53 =	vmul.f32 v49, v20;
	[tilespmem:s30+$0xFFFFFFB0] =	vst v52  }
0xf5: {  	v50 =	vnsel vm0, $0x0, v49;
	v12 =	vmul.f32 v49, v15;
	[tilespmem:s30+$0xFFFFFFE0] =	vst v13  }
0xf6: {  	v51 =	vadd.f32 $0.0e+00, v50;
	[tilespmem:s30+$0xFFFFFFC0] =	vst v53;
	v54 =	vpop (erf)  }
0xf7: {  	[tilespmem:s30+$0xFFFFFFD0] =	vst v12;
	v55 =	vmul.f32 v54, v22  }
0xf8: {  	[tilespmem:s30+$0xFFFFFFF0] =	vst v51;
	v56 =	vmul.f32 v54, v23  }
0xf9: {  	v58 =	vmul.f32 v54, v21;
	[tilespmem:s30+$0x50] =	vst v55  }
0xfa: {  	v57 =	vnsel vm0, $0x0, v54;
	v60 =	vmul.f32 v54, v18;
	[tilespmem:s30+$0x80] =	vst v56  }
0xfb: {  	v59 =	vadd.f32 $0.0e+00, v57;
	[tilespmem:s30+$0x70] =	vst v58;
	v61 =	vpop (erf)  }
0xfc: {  	[tilespmem:s30+$0x60] =	vst v60;
	v9 =	vmul.f32 v61, v9  }
0xfd: {  	[tilespmem:s30+$0x90] =	vst v59;
	v11 =	vmul.f32 v61, v11  }
0xfe: {  	v8 =	vmul.f32 v61, v8;
	[tilespmem:s30+$0xFFFFFF90] =	vst v9  }
0xff: {  	v62 =	vnsel vm0, $0x0, v61;
	v10 =	vmul.f32 v61, v10;
	[tilespmem:s30+$0xFFFFFF70] =	vst v11  }
0x100: {  	v63 =	vadd.f32 $0.0e+00, v62;
	[tilespmem:s30+$0xFFFFFF80] =	vst v8  }
0x101: {  	s0 =	sshll.u32 @p1 s29, $0x7;
	[tilespmem:s30+$0xFFFFFF60] =	vst v10  }
0x102: {  	s2 =	simm.s32 @p1 $0x80;
	s3 =	simm.s32 @p1 $0x8320;
	s0 =	sadd.s32 @p1 $0x80, s0;
	[tilespmem:s30+$0xFFFFFFA0] =	vst v63  }
0x103: {  	[spmem:s5] =	stream.indirect.scatter.add.f32 @p1 [tilespmem:s3], [sflag:$0x3], $0x50, s0, s2, $0xb8;
	[tilespmem:$0x19BA0] =	vst v63  }
.Ltmp6:
0x104: {  	_ = 	snop;
	(pc) =	sbr.rel @!p2 .LBB2_6-.Ltmp6, $4  }
.Ltmp7:
0x105: {  	p1 =	sne.s32 s25, $0x0;
	(pc) =	sbr.rel @p2 .LBB2_7-.Ltmp7, $4  }
0x106: {  	s0 =	sshll.u32 @!p1 s29, $0x7  }
0x107: {  	s2 =	simm.s32 @!p1 $0x80;
	s3 =	simm.s32 @!p1 $0xAB20;
	s0 =	sadd.s32 @!p1 $0x80, s0  }
0x108: {  	[spmem:s5] =	stream.indirect.scatter.add.f32 @!p1 [tilespmem:s3], [sflag:$0x4], $0x50, s0, s2, $0xb8;
	[tilespmem:$0x19BA0] =	vst v63  }
0x109: {  	_ = 	snop  }
.LBB2_8:
0x10a: {  	_ =	sfence.sel $0x180000  }
0x10b: {  	[bflag:$0x0] =	sbarrier.arrive $0xFFFF  }
0x10c: {  	_ =	strace $0x9000004A  }
0x10d: {  	s0 =	stileid.u32;
	[bflag:$0x2] =	sbarrier.arrive $0xFFFF  }
0x10e: {  	p0 =	sne.s32 s0, $0x0;
	s0 =	rddreg [dreg:$0x5]  }
0x10f: {  	s0 =	sadd.s32 @!p0 $0x100000, s0  }
0x110: {  	[sflag:s0] =	ssyncadd.tile.s32 @!p0 $0x1;
	_ =	shalt  }
.Lfunc_end2:
_tile_overlayer_lowered:
.L_overlay_start_2:
0x111: {  	(tag) =	ssettag $0x2  }
0x112: {  	s0 =	rddreg [dreg:$0x0];
	s2 =	stileid.u32  }
0x113: {  	s1 =	rddreg [dreg:$0x1];
	p0 =	sne.s32 s2, $0x0  }
0x114: {  	s3 =	rddreg [dreg:$0x2];
	[bflag:$0x3] =	sbarrier.arrive $0xFFFF;
	s2 =	simm.s32 @!p0 $0x1C05  }
0x115: {  	[timem:s3], [sflag:s2] =	dma.local @!p0 [hbm:s0], s1  }
0x116: {  	s0 =	simm.s32 @!p0 $0x5  }
0x117: {  	_ =	swait.ge @!p0 [sflag:s0], s1  }
0x118: {  	s1 =	ssub.s32 @!p0 $0x0, s1;
	[sflag:s0] =	ssyncset.done @!p0 $0x0  }
0x119: {  	[sflag:s0] =	ssyncadd.s32 @!p0 s1  }
0x11a: {  	[bflag:$0x3] =	sbarrier.arrive $0xFFFF  }
0x11b: {  	_ =	shalt  }

// kernel: kernel.7.cloned.1.call-start
scs
__scs_entry_jumppad:
0x0: {  	(pc) =	sbr.rel $0x88, $3  }
0x1: {  	(tag) =	ssettag $0x0;
	lr =	simm.s32 $0x1  }
0x2: {  	[smem:$0x3F94] =	sst lr;
	_ =	strace $0xD0000000  }
0x3: {  	_ = 	snop  }
0x4: {  	_ = 	snop  }
0x5: {  	_ = 	snop  }
0x6: {  	_ = 	snop  }
0x7: {  	_ = 	snop  }
__scs_overlays_trampoline_lowered:
0x8: {  	[smem:$0x3FA3] =	sst s0  }
0x9: {  	[smem:$0x3FA4] =	sst s1  }
0xa: {  	[smem:$0x3FA5] =	sst s2  }
0xb: {  	[smem:$0x3FA6] =	sst s3  }
0xc: {  	[smem:$0x3FA7] =	sst s4  }
0xd: {  	[smem:$0x3FA8] =	sst s5  }
0xe: {  	[smem:$0x3FA9] =	sst s6  }
0xf: {  	[smem:$0x3FAA] =	sst s7  }
0x10: {  	[smem:$0x3FAB] =	sst s8  }
0x11: {  	[smem:$0x3FAC] =	sst s9;
	s0 =	simm.s32 @!p0 $0x0  }
0x12: {  	s1 =	sld [smem:$0x3F92];
	s0 =	simm.s32 @p0 $0x1  }
0x13: {  	[smem:$0x3FAD] =	sst s0;
	s0 =	simm.s32 @!p1 $0x0  }
0x14: {  	s2 =	sld [smem:$0x3F91];
	s0 =	simm.s32 @p1 $0x1  }
0x15: {  	[smem:$0x3FAE] =	sst s0;
	s0 =	simm.s32 @!p2 $0x0  }
0x16: {  	s3 =	sld [smem:$0x3FDB];
	s0 =	simm.s32 @p2 $0x1  }
0x17: {  	s4 =	simm.s32 $0x1BF5;
	[smem:$0x3FB0] =	sst s0  }
0x18: {  	s0 =	sld [smem:$0x3F93];
	_ =	swait.ge [sflag:s4], $0x0  }
0x19: {  	s7 =	sld [smem:$0x3F94]  }
0x1a: {  	s8 =	sadd.s32 $0xFFFFE003, lr  }
0x1b: {  	s9 =	sadd.s32 $0xFFFFFEF7, lr;
	s5 =	simm.s32 $0xFFFFFFFF;
	p2 =	slt.u32 s8, $0xFFFFF086  }
0x1c: {  	p1 =	slt.u32 s9, $0xF7A;
	s5 =	simm.s32 @!p2 $0x0  }
0x1d: {  	s5 =	simm.s32 @p1 $0x1;
	p0 =	seq.s32 s7, s2  }
0x1e: {  	s7 =	smul.u32 @!p0 $0xF7A, s2;
	p2 =	seq.s32 @!p0 s5, $0x0  }
0x1f: {  	s9 =	smul.u32 $0xF7A, s1;
	s8 =	simm.s32 @!p0 $0x1BF5;
	p2 =	por !p2, p0  }
0x20: {  	[sflag:s8] =	ssyncset.s32 @!p0 $0xFFFFF086;
	s6 =	sadd.s32 @!p0 s3, s7;
	s7 =	simm.s32 @!p0 $0x108  }
0x21: {  	s3 =	sadd.s32 s3, s9;
	s6 =	sadd.s32 @!p0 $0x88, s6;
	s7 =	simm.s32 @p2 $0x1082  }
0x22: {  	[simem:s7], [sflag:s8] =	dma.local @!p0 [hbm:s6], $0xF7A  }
0x23: {  	s9 =	sor.u32 $0xD0000000, s2;
	s6 =	simm.s32 $0x108;
	_ =	swait.ge @!p0 [sflag:s8], $0x0  }
0x24: {  	s3 =	sadd.s32 $0x88, s3;
	s6 =	simm.s32 @!p1 $0x1082;
	[sflag:s4] =	ssyncset.s32 $0xFFFFF086  }
0x25: {  	[simem:s6], [sflag:s4] =	dma.local [hbm:s3], $0xF7A  }
0x26: {  	[smem:$0x3F94] =	sst s1;
	(tag) =	ssettag s2;
	_ =	strace s9  }
0x27: {  	s1 =	sld [smem:$0x3FA4]  }
0x28: {  	s2 =	sld [smem:$0x3FA5]  }
0x29: {  	s4 =	sld [smem:$0x3FA7]  }
0x2a: {  	p0 =	seq.s32 s5, $0x0;
	s5 =	sld [smem:$0x3FA8]  }
0x2b: {  	s6 =	sld [smem:$0x3FA9]  }
0x2c: {  	s7 =	sld [smem:$0x3FAA]  }
0x2d: {  	s3 =	simm.s32 $0x108;
	s8 =	sld [smem:$0x3FAB]  }
0x2e: {  	s3 =	simm.s32 @!p0 $0x1082;
	s9 =	sld [smem:$0x3FAC]  }
0x2f: {  	lr =	sadd.s32 s0, s3;
	s0 =	sld [smem:$0x3FA3]  }
0x30: {  	s3 =	sld [smem:$0x3FA6]  }
0x31: {  	[smem:$0x3FAF] =	sst s10  }
0x32: {  	s10 =	sld [smem:$0x3FAD];
	_ =	sdelay $0x3  }
0x33: {  	p0 =	seq.s32 s10, $0x1;
	s10 =	sld [smem:$0x3FAF];
	_ =	sdelay $0x3  }
0x34: {  	[smem:$0x3FAF] =	sst s10  }
0x35: {  	s10 =	sld [smem:$0x3FAE];
	_ =	sdelay $0x3  }
0x36: {  	p1 =	seq.s32 s10, $0x1;
	s10 =	sld [smem:$0x3FAF];
	_ =	sdelay $0x3  }
0x37: {  	[smem:$0x3FAF] =	sst s10  }
0x38: {  	s10 =	sld [smem:$0x3FB0]  }
0x39: {  	_ = 	snop;
	(pc) =	sbr.ind lr, $3  }
0x3a: {  	_ = 	snop  }
0x3b: {  	_ = 	snop  }
0x3c: {  	p2 =	seq.s32 s10, $0x1;
	s10 =	sld [smem:$0x3FAF]  }
0x3d: {  	_ =	shalt  }
0x3e: {  	_ =	shalt  }
0x3f: {  	_ =	shalt  }
0x40: {  	_ =	shalt  }
0x41: {  	_ =	shalt  }
0x42: {  	_ =	shalt  }
0x43: {  	_ =	shalt  }
0x44: {  	_ =	shalt  }
0x45: {  	_ =	shalt  }
0x46: {  	_ =	shalt  }
0x47: {  	_ =	shalt  }
0x48: {  	_ =	shalt  }
0x49: {  	_ =	shalt  }
0x4a: {  	_ =	shalt  }
0x4b: {  	_ =	shalt  }
0x4c: {  	_ =	shalt  }
0x4d: {  	_ =	shalt  }
0x4e: {  	_ =	shalt  }
0x4f: {  	_ =	shalt  }
0x50: {  	_ =	shalt  }
0x51: {  	_ =	shalt  }
0x52: {  	_ =	shalt  }
0x53: {  	_ =	shalt  }
0x54: {  	_ =	shalt  }
0x55: {  	_ =	shalt  }
0x56: {  	_ =	shalt  }
0x57: {  	_ =	shalt  }
0x58: {  	_ =	shalt  }
0x59: {  	_ =	shalt  }
0x5a: {  	_ =	shalt  }
0x5b: {  	_ =	shalt  }
0x5c: {  	_ =	shalt  }
0x5d: {  	_ =	shalt  }
0x5e: {  	_ =	shalt  }
0x5f: {  	_ =	shalt  }
0x60: {  	_ =	shalt  }
0x61: {  	_ =	shalt  }
0x62: {  	_ =	shalt  }
0x63: {  	_ =	shalt  }
0x64: {  	_ =	shalt  }
0x65: {  	_ =	shalt  }
0x66: {  	_ =	shalt  }
0x67: {  	_ =	shalt  }
0x68: {  	_ =	shalt  }
0x69: {  	_ =	shalt  }
0x6a: {  	_ =	shalt  }
0x6b: {  	_ =	shalt  }
0x6c: {  	_ =	shalt  }
0x6d: {  	_ =	shalt  }
0x6e: {  	_ =	shalt  }
0x6f: {  	_ =	shalt  }
0x70: {  	_ =	shalt  }
0x71: {  	_ =	shalt  }
0x72: {  	_ =	shalt  }
0x73: {  	_ =	shalt  }
0x74: {  	_ =	shalt  }
0x75: {  	_ =	shalt  }
0x76: {  	_ =	shalt  }
0x77: {  	_ =	shalt  }
0x78: {  	_ =	shalt  }
0x79: {  	_ =	shalt  }
0x7a: {  	_ =	shalt  }
0x7b: {  	_ =	shalt  }
0x7c: {  	_ =	shalt  }
0x7d: {  	_ =	shalt  }
0x7e: {  	_ =	shalt  }
0x7f: {  	_ =	shalt  }
0x80: {  	_ =	shalt  }
0x81: {  	_ =	shalt  }
0x82: {  	_ =	shalt  }
0x83: {  	_ =	shalt  }
0x84: {  	_ =	shalt  }
0x85: {  	_ =	shalt  }
0x86: {  	_ =	shalt  }
0x87: {  	_ =	shalt  }
.Lfunc_end0:
.L_simem_size_0:
called_computation_lowered:
.L_overlay_start_0:
0x88: {  	s2 =	sld [smem:$0x3FD9]  }
0x89: {  	s3 =	sld [smem:$0x3FFE];
	_ =	sdelay $0x1  }
0x8a: {  	s1 =	srdreg.scid  }
0x8b: {  	s0 =	sand.u32 $0x1, s1  }
0x8c: {  	s17 =	sshll.u32 s0, $0xA;
	s2 =	sadd.s32 s3, s2  }
0x8d: {  	s2 =	sadd.s32 s2, s17  }
0x8e: {  	[smem:$0x3FBB] =	sst s2  }
0x8f: {  	_ = 	snop  }
0x90: {  	s2 =	sld [smem:$0x3FC3]  }
0x91: {  	s18 =	sld [smem:$0x3FD0];
	(tm) =	ssettm $0x1  }
0x92: {  	s4 =	sld [smem:$0x3FFB];
	_ =	sdelay $0x3  }
0x93: {  	_ =	strace s4  }
0x94: {  	s4 =	sld [smem:$0x3FFC];
	_ =	sdelay $0x3  }
0x95: {  	_ =	strace s4  }
0x96: {  	s4 =	sld [smem:$0x3FFD];
	_ =	sdelay $0x3  }
0x97: {  	_ =	strace s4  }
0x98: {  	_ =	strace $0x8FFFFFFF  }
0x99: {  	s19 =	sld [smem:$0x3FDB];
	_ =	sdelay $0x1  }
0x9a: {  	s5 =	simm.s32 $_scs_section_size  }
0x9b: {  	s6 =	simm.s32 $_size__tile_overlayer_lowered;
	s7 =	simm.s32 $_tile_overlayer_lowered  }
0x9c: {  	s22 =	simm.s32 $0x1BFF;
	s21 =	sshll.u32 s7, $0x1;
	s4 =	sadd.s32 s5, s19  }
0x9d: {  	s8 =	simm.s32 $0x0;
	s20 =	sshll.u32 s6, $0x1;
	s6 =	sadd.s32 s21, s4  }
0x9e: {  	[timem:s8], [sflag:s22] =	dma.local [hbm:s6], s20  }
0x9f: {  	_ =	swait.ge [sflag:s22], s20  }
0xa0: {  	s5 =	ssub.s32 $0x0, s20;
	[sflag:s22] =	ssyncset.done $0x0  }
0xa1: {  	[sflag:s22] =	ssyncadd.s32 s5;
	_ =	sdelay $0x1  }
0xa2: {  	s23 =	simm.s32 $0x1B8B  }
0xa3: {  	_ =	swait.ge [sflag:s23], $0x1  }
0xa4: {  	[sflag:s23] =	ssyncset.done $0x0  }
0xa5: {  	s25 =	simm.s32 $0x1B8E;
	s24 =	sld [smem:$0x3FFE];
	[sflag:s23] =	ssyncadd.s32 $0xFFFFFFFF  }
0xa6: {  	s26 =	simm.s32 $execute0_lowered;
	[smem:$0x3FD2] =	sst s25  }
0xa7: {  	s6 =	sshll.u32 s26, $0x1;
	_ =	strace $0x80000046;
	[dreg:$0x1] =	wrdreg $0xFFFFFFFF  }
0xa8: {  	s28 =	simm.s32 $_size_execute0_lowered;
	s4 =	sadd.s32 s4, s6;
	[dreg:$0x0] =	wrdreg $0x0  }
0xa9: {  	s6 =	sshll.u32 s28, $0x1;
	[dreg:$0x2] =	wrdreg s4  }
0xaa: {  	[dreg:$0x3] =	wrdreg s6  }
0xab: {  	[dreg:$0x4] =	wrdreg $0xC0  }
0xac: {  	_ =	task [dreg:s8], $0x5FFFF  }
0xad: {  	[dreg:$0x1] =	wrdreg $0xFFFFFFFF  }
0xae: {  	[dreg:$0x0] =	wrdreg $0x60  }
0xaf: {  	[dreg:$0x2] =	wrdreg s18  }
0xb0: {  	[dreg:$0x3] =	wrdreg s24  }
0xb1: {  	[dreg:$0x4] =	wrdreg s2  }
0xb2: {  	[dreg:$0x5] =	wrdreg $0xD3A00  }
0xb3: {  	[dreg:$0x6] =	wrdreg $0x9  }
0xb4: {  	_ =	task.clear_ibuf [dreg:s8], $0x7FFFF;
	_ =	strace $0x90000046  }
0xb5: {  	s29 =	simm.s32 $0x9;
	_ =	strace $0x80000048  }
0xb6: {  	_ =	swait.ge [sflag:s29], $0x1  }
0xb7: {  	[sflag:s29] =	ssyncadd.s32 $0xFFFFFFFF  }
0xb8: {  	_ =	strace $0x90000048  }
0xb9: {  	_ =	sfence  }
0xba: {  	s30 =	sld [smem:$0x0];
	_ =	sdelay $0x2  }
0xbb: {  	s31 =	sshll.u32 s1, $0xD;
	s1 =	sshrl.u32 s1, $0x2  }
0xbc: {  	s3 =	sand.u32 $0x4000, s31;
	s1 =	sadd.s32 s1, s30  }
0xbd: {  	s0 =	sor.u32 s3, s0;
	s1 =	sshll.u32 s1, $0x11  }
0xbe: {  	s0 =	sor.u32 s1, s0  }
0xbf: {  	s0 =	sadd.s32 $0x8F2B, s0  }
0xc0: {  	[sflag:s0] =	ssyncadd.remote.s32 $0x1  }
0xc1: {  	_ =	sfence.sel $0xFFFF  }
0xc2: {  	[dreg:$0x0] =	wrdreg $0xFFFFFFFF;
	(pc) =	sbr.abs _section_cstart, $3  }
0xc3: {  	[dreg:$0x1] =	wrdreg $0xFFFFFFFF  }
0xc4: {  	_ =	task.clear_ibuf [dreg:s8], $0x2FFFF;
	_ =	strace $0x9FFFFFFF  }
0xc5: {  	(tm) =	ssettm $0x7FFFFFFF  }
tec
execute0_lowered:
.L_overlay_start_1:
0x0: {  	(tag) =	ssettag $0x1  }
0x1: {  	s1 =	rddreg [dreg:$0x0]  }
0x2: {  	s0 =	rddreg [dreg:$0x1]  }
0x3: {  	s3 =	rddreg [dreg:$0x2]  }
0x4: {  	s2 =	rddreg [dreg:$0x3];
	s5 =	simm.s32 $0x0  }
0x5: {  	s4 =	srdreg.scid;
	s14 =	stileid.u32;
	s15 =	simm.s32 $0x5  }
0x6: {  	s19 =	simm.s32 $0x1;
	s20 =	simm.s32 $0x2;
	s23 =	simm.s32 $0x0  }
0x7: {  	[smem:$0x7FF] =	sst s5;
	s4 =	sand.u32 $0x1, s4;
	s8 =	smul.u32 $0xC800, s14  }
0x8: {  	s5 =	sadd.s32 $0x1400, s0;
	s6 =	sadd.s32 $0xB600, s0;
	s31 =	sshll.u32 s14, $0x6  }
0x9: {  	s7 =	smul.u32 $0x14000, s4;
	_ =	strace $0x80000047;
	s9 =	sshll.u32 s4, $0x3  }
0xa: {  	s10 =	smul.u32 $0xC8000, s4;
	s4 =	ssub.s32 $0x2, s4;
	s17 =	sor.u32 $0x1C05, s31  }
0xb: {  	s11 =	sadd.s32 s9, s0;
	s12 =	sshrl.u32 s8, $0x3;
	s13 =	sshrl.u32 s4, $0x1  }
0xc: {  	s3 =	sadd.s32 s3, s9;
	s28 =	sadd.s32 s8, s2;
	s7 =	sadd.s32 s7, s0  }
0xd: {  	s10 =	sadd.s32 s8, s10;
	s12 =	sadd.s32 s12, s0;
	s4 =	ssub.s32 s4, s13  }
.Ltmp0:
0xe: {  	s26 =	sadd.s32 $0x3D800, s11;
	[dreg:$0x6] =	wrdreg s3;
	(pc) =	sbr.rel .LBB2_1-.Ltmp0, $4  }
0xf: {  	s10 =	sshrl.u32 s10, $0x3;
	[dreg:$0x5] =	wrdreg s26;
	s29 =	sadd.s32 $0x3DA00, s12  }
0x10: {  	s30 =	smax.u32 s4, $0x1;
	s0 =	sadd.s32 s10, s0;
	[dreg:$0x7] =	wrdreg s29  }
0x11: {  	vm0 =	vmmov $0x1;
	s18 =	sshrl.u32 s28, $0x3;
	[dreg:$0x9] =	wrdreg s30;
	s0 =	sadd.s32 $0x56A00, s0  }
0x12: {  	vm1 =	vcmask $0x308;
	vm2 =	vcmask $0x70C;
	vm3 =	vcmask $0xB10;
	s11 =	sadd.s32 $0x15800, s7;
	s10 =	smul.u32 $0x5100, s14;
	[dreg:$0x8] =	wrdreg s0  }
.LBB2_7:
0x13: {  	s0 =	simm.s32 $0x3  }
0x14: {  	_ =	swait.ge [sflag:s0], $0x2800  }
0x15: {  	[sflag:s0] =	ssyncset.done $0x0  }
0x16: {  	s29 =	simm.s32 $0x4;
	[sflag:s0] =	ssyncadd.s32 $0xFFFFD800  }
0x17: {  	_ =	swait.ge [sflag:s29], $0x2800  }
0x18: {  	[sflag:s29] =	ssyncset.done $0x0  }
0x19: {  	[sflag:s29] =	ssyncadd.s32 $0xFFFFD800  }
0x1a: {  	[bflag:$0x0] =	sbarrier.arrive $0xFFFF  }
0x1b: {  	s30 =	rddreg [dreg:$0x8]  }
0x1c: {  	[hbm:s30], [sflag:s17] =	dma.local [spmem:s18], $0x1900  }
0x1d: {  	_ =	swait.ge [sflag:s15], $0x1900  }
0x1e: {  	s23 =	sadd.s32 $0x1, s23;
	s31 =	rddreg [dreg:$0x9]  }
0x1f: {  	p0 =	sne.s32 s23, s31  }
.Ltmp1:
0x20: {  	_ = 	snop;
	(pc) =	sbr.rel @!p0 .LBB2_8-.Ltmp1, $3  }
0x21: {  	_ =	sdelay $0x1  }
0x22: {  	[sflag:s15] =	ssyncset.done $0x0  }
0x23: {  	[sflag:s15] =	ssyncadd.s32 $0xFFFFE700  }
.LBB2_1:
0x24: {  	s0 =	simm.s32 $0x0;
	s3 =	rddreg [dreg:$0x5];
	s4 =	simm.s32 $0xD320  }
0x25: {  	[tilespmem:s4], [sflag:$0x5] =	stream.linear.gather [hbm4b:s3+s0], $0x40, $0x38;
	[tilespmem:$0x19BA0] =	vst v63  }
0x26: {  	_ =	swait.ge [sflag:s15], $0x40  }
0x27: {  	[sflag:s15] =	ssyncset.done $0x0  }
0x28: {  	s30 =	simm.s32 $0xD360;
	s29 =	rddreg [dreg:$0x6];
	[sflag:s15] =	ssyncadd.s32 $0xFFFFFFC0  }
0x29: {  	[tilespmem:s30], [sflag:$0x5] =	stream.linear.gather [hbm4b:s29+s0], $0x40, $0x38;
	[tilespmem:$0x19BA0] =	vst v63  }
0x2a: {  	_ =	swait.ge [sflag:s15], $0x40  }
0x2b: {  	[sflag:s15] =	ssyncset.done $0x0  }
0x2c: {  	s31 =	rddreg [dreg:$0x7];
	[sflag:s15] =	ssyncadd.s32 $0xFFFFFFC0  }
0x2d: {  	[spmem:s18], [sflag:s17] =	dma.local [hbm:s31], $0x1900  }
0x2e: {  	_ =	swait.ge [sflag:s15], $0x1900  }
0x2f: {  	[sflag:s15] =	ssyncset.done $0x0  }
0x30: {  	[sflag:s15] =	ssyncadd.s32 $0xFFFFE700  }
0x31: {  	v0 =	vld [tilespmem:$0xD320]  }
0x32: {  	v1 =	vld [tilespmem:$0xD330]  }
0x33: {  	v2 =	vld [tilespmem:$0xD340]  }
0x34: {  	v3 =	vld [tilespmem:$0xD350]  }
.Ltmp2:
0x35: {  	v4 =	vld [tilespmem:$0xD360];
	(pc) =	sbr.rel .LBB2_2-.Ltmp2, $4  }
0x36: {  	v5 =	vld [tilespmem:$0xD370]  }
0x37: {  	v6 =	vld [tilespmem:$0xD380]  }
0x38: {  	v7 =	vld [tilespmem:$0xD390];
	[bflag:$0x0] =	sbarrier.arrive $0xFFFF  }
0x39: {  	p0 =	por $0x1, $0x1;
	s24 =	simm.s32 $0x0  }
.LBB2_6:
0x3a: {  	s24 =	sadd.s32 $0x1, s24  }
0x3b: {  	_ =	swait.ge [sflag:s19], $0x2000;
	p1 =	sne.s32 s24, $0xA3  }
.Ltmp3:
0x3c: {  	[sflag:s19] =	ssyncset.done $0x0;
	(pc) =	sbr.rel @!p1 .LBB2_7-.Ltmp3, $4  }
0x3d: {  	[sflag:s19] =	ssyncadd.s32 $0xFFFFE000  }
0x3e: {  	_ =	swait.ge [sflag:s20], $0x2000  }
0x3f: {  	[sflag:s20] =	ssyncset.done $0x0  }
0x40: {  	p0 =	por !p0, !p0;
	[sflag:s20] =	ssyncadd.s32 $0xFFFFE000  }
.LBB2_2:
0x41: {  	s25 =	sand.u32 $0x1, s24  }
0x42: {  	p2 =	slt.u32 s24, $0x3;
	p1 =	seq.s32 s25, $0x1  }
0x43: {  	p3 =	por !p1, p2  }
0x44: {  	s0 =	simm.s32 @!p3 $0x3  }
0x45: {  	_ =	swait.ge @!p3 [sflag:s0], $0x2800  }
0x46: {  	s3 =	smul.u32 $0xAB, s24;
	p4 =	sne.s32 @!p2 s25, $0x0;
	[sflag:s0] =	ssyncset.done @!p3 $0x0  }
0x47: {  	[sflag:s0] =	ssyncadd.s32 @!p3 $0xFFFFD800;
	p3 =	por p4, p2;
	p2 =	seq.s32 s24, $0xA2  }
0x48: {  	s31 =	sshrl.u32 s3, $0x9;
	s3 =	simm.s32 @!p3 $0x4;
	s4 =	sshll.u32 @!p2 s24, $0x7  }
0x49: {  	s0 =	sand.u32 $0x7F, s31;
	_ =	swait.ge @!p3 [sflag:s3], $0x2800;
	s4 =	sadd.s32 @!p2 s10, s4  }
0x4a: {  	s0 =	smul.u32 $0x3, s0;
	[sflag:s3] =	ssyncset.done @!p3 $0x0;
	s4 =	sshrl.u32 @!p2 s4, $0x3  }
0x4b: {  	s7 =	simm.s32 @!p2 $0x0;
	[sflag:s3] =	ssyncadd.s32 @!p3 $0xFFFFD800;
	s3 =	sadd.s32 @!p2 s1, s4  }
0x4c: {  	[tilespmem:s7], [sflag:$0x5] =	stream.linear.gather @!p2 [hbm4b:s3+s7], $0x80, $0x38;
	[tilespmem:$0x19BA0] =	vst v63  }
0x4d: {  	s0 =	ssub.s32 s24, s0;
	s3 =	simm.s32 @!p2 $0x5  }
0x4e: {  	s0 =	sand.u32 $0xFF, s0;
	_ =	swait.ge @!p2 [sflag:s3], $0x80  }
0x4f: {  	s0 =	sshll.u32 @!p2 s0, $0x7;
	[sflag:s3] =	ssyncset.done @!p2 $0x0  }
0x50: {  	s8 =	sadd.s32 @!p2 s5, s4;
	s0 =	sadd.s32 @!p2 $0x80, s0;
	[sflag:s3] =	ssyncadd.s32 @!p2 $0xFFFFFF80  }
0x51: {  	[tilespmem:s0], [sflag:$0x5] =	stream.linear.gather @!p2 [hbm4b:s8+s7], $0x80, $0x38;
	[tilespmem:$0x19BA0] =	vst v63  }
0x52: {  	s8 =	smul.u32 @!p2 $0x240, s25  }
0x53: {  	_ =	swait.ge @!p2 [sflag:s3], $0x80  }
0x54: {  	s4 =	sadd.s32 @!p2 s6, s4;
	[sflag:s3] =	ssyncset.done @!p2 $0x0;
	s8 =	sshrl.u32 @!p2 s8, $0x2  }
0x55: {  	p3 =	seq.s32 @!p2 s24, $0x0;
	[sflag:s3] =	ssyncadd.s32 @!p2 $0xFFFFFF80;
	s8 =	sor.u32 @!p2 $0x200, s8  }
0x56: {  	[tilespmem:s8], [sflag:$0x5] =	stream.linear.gather @!p2 [hbm4b:s4+s7], $0x80, $0x38;
	[tilespmem:$0x19BA0] =	vst v63  }
0x57: {  	p3 =	por p2, !p3;
	_ =	swait.ge @!p2 [sflag:s3], $0x80  }
.Ltmp4:
0x58: {  	s4 =	sshll.u32 @!p2 s25, $0xD;
	[sflag:s3] =	ssyncset.done @!p2 $0x0;
	(pc) =	sbr.rel @!p3 .LBB2_6-.Ltmp4, $4  }
0x59: {  	s8 =	simm.s32 @!p2 $0x80;
	[sflag:s3] =	ssyncadd.s32 @!p2 $0xFFFFFF80;
	s3 =	sor.u32 @!p2 $0x320, s4  }
0x5a: {  	[tilespmem:s3], [sflag:$0x1] =	stream.indirect.gather @!p2 [hbm4b:s11+s8], $0x40, s7, s8, $0xb8;
	[tilespmem:$0x19BA0] =	vst v63  }
0x5b: {  	s3 =	sor.u32 @!p2 $0x4320, s4  }
0x5c: {  	[tilespmem:s3], [sflag:$0x2] =	stream.indirect.gather @!p2 [hbm4b:s11+s8], $0x40, s0, s8, $0xb8;
	[tilespmem:$0x19BA0] =	vst v63  }
0x5d: {  	s3 =	sxor.u32 $0x1, s25  }
0x5e: {  	s0 =	simm.s32 $0x1;
	s3 =	smul.u32 $0x240, s3  }
0x5f: {  	s0 =	simm.s32 @!p0 $0x0  }
0x60: {  	s7 =	simm.s32 $0x0;
	s4 =	sshll.u32 s0, $0xD;
	s3 =	sshrl.u32 s3, $0x2  }
0x61: {  	s26 =	sand.u32 $0x78, s7;
	s14 =	sor.u32 $0x43A0, s4;
	s29 =	sor.u32 $0x200, s3  }
0x62: {  	s8 =	sand.u32 $0x4, s7;
	s16 =	sor.u32 $0x3A0, s4;
	v8 =	vld [tilespmem:s14+$0xFFFFFF80];
	s3 =	sadd.s32 s26, s29  }
0x63: {  	v9 =	vld [tilespmem:s16+$0xFFFFFF80];
	s4 =	sadd.s32 s8, s3  }
0x64: {  	v26 =	vld.msk [tilespmem:s4+$0x0 ss:$0x0], $0xffff  }
0x65: {  	s9 =	simm.s32 $0xFFFFFFFB  }
0x66: {  	v11 =	vld [tilespmem:s16+$0x40];
	s4 =	sand.u32 $0x7, s9  }
0x67: {  	v10 =	vld [tilespmem:s14+$0x40];
	s4 =	sadd.s32 s4, s3  }
0x68: {  	v19 =	vld.msk [tilespmem:s4+$0x0 ss:$0x0], $0xffff  }
0x69: {  	v8 =	vadd.f32 v8, v9;
	v12 =	vmul.f32 v26, v4;
	_ =	sdelay $0x1  }
0x6a: {  	v8 =	vadd.f32 v8, v12;
	_ =	sdelay $0x1  }
0x6b: {  	v10 =	vadd.f32 v10, v11;
	v12 =	vmul.f32 v19, v4;
	v13 =	vmul.f32 $2.000000030e-01, v8;
	_ =	sdelay $0x1  }
0x6c: {  	s12 =	simm.s32 $0x1;
	v10 =	vadd.f32 v10, v12;
	v8 =	vmax.f32 v8, v13  }
0x6d: {  	s4 =	sand.u32 $0x5, s12;
	v8 =	vmul.f32 v8, v0  }
0x6e: {  	v15 =	vld [tilespmem:s16+$0xFFFFFFC0];
	s4 =	sadd.s32 s4, s3;
	v12 =	vmul.f32 $2.000000030e-01, v10  }
0x6f: {  	v25 =	vld.msk [tilespmem:s4+$0x0 ss:$0x0], $0xffff;
	v8 =	vadd.f32 $0.0e+00, v8  }
0x70: {  	v13 =	vld [tilespmem:s14+$0xFFFFFFC0];
	v10 =	vmax.f32 v10, v12  }
0x71: {  	v10 =	vmul.f32 v10, v0;
	(xrf2) =	vadd.scan.msk.f32 $0xffff, v8;
	_ =	sdelay $0x1  }
0x72: {  	s13 =	simm.s32 $0x2;
	v8 =	vadd.f32 $0.0e+00, v10  }
0x73: {  	s4 =	sand.u32 $0x6, s13  }
0x74: {  	v16 =	vld [tilespmem:s16+$0x0];
	s3 =	sadd.s32 s4, s3;
	v12 =	vmul.f32 v25, v4;
	(xrf2) =	vadd.scan.msk.f32 $0xffff, v8;
	v8 =	vadd.f32 v13, v15  }
0x75: {  	v24 =	vld.msk [tilespmem:s3+$0x0 ss:$0x0], $0xffff  }
0x76: {  	v10 =	vld [tilespmem:s14+$0x0];
	v8 =	vadd.f32 v8, v12;
	_ =	sdelay $0x1  }
0x77: {  	v12 =	vmul.f32 $2.000000030e-01, v8;
	_ =	sdelay $0x1  }
0x78: {  	v13 =	vmul.f32 v24, v4;
	v8 =	vmax.f32 v8, v12;
	v14, _, _ =	vpop (xrf2)  }
0x79: {  	v10 =	vadd.f32 v10, v16;
	v8 =	vmul.f32 v8, v0;
	v12 =	vmul.f32 $1.442695020e+00, v14;
	_ =	sdelay $0x1  }
0x7a: {  	v10 =	vadd.f32 v10, v13;
	v8 =	vadd.f32 $0.0e+00, v8;
	v12 =	vbroadcast v12, $0xF;
	_ =	sdelay $0x1  }
0x7b: {  	v13 =	vmul.f32 $2.000000030e-01, v10;
	v14, _, _ =	vpop (xrf2);
	(xrf2) =	vadd.scan.msk.f32 $0xffff, v8;
	(erf) = vpow2.f32 v12  }
0x7c: {  	v14 =	vmul.f32 $1.442695020e+00, v14  }
0x7d: {  	v10 =	vmax.f32 v10, v13  }
0x7e: {  	v8 =	vmul.f32 v10, v0;
	v10 =	vbroadcast v14, $0xF;
	_ =	sdelay $0x1  }
0x7f: {  	v8 =	vadd.f32 $0.0e+00, v8;
	(erf) = vpow2.f32 v10;
	_ =	sdelay $0x1  }
0x80: {  	(xrf2) =	vadd.scan.msk.f32 $0xffff, v8;
	_ =	sdelay $0x1  }
0x81: {  	s0 =	smul.u32 $0xA000, s0;
	v10 =	vpop (erf)  }
0x82: {  	v8 =	vmul.f32 v10, v9;
	v9, _, _ =	vpop (xrf2)  }
0x83: {  	s0 =	sshrl.u32 s0, $0x2;
	v9 =	vmul.f32 $1.442695020e+00, v9  }
0x84: {  	s26 =	sor.u32 $0x83C0, s0  }
0x85: {  	[tilespmem:s26+$0xFFFFFF60] =	vst v8;
	v8 =	vbroadcast v9, $0xF  }
0x86: {  	v12 =	vpop (erf);
	v17 =	vld [tilespmem:s16+$0xFFFFFF90]  }
0x87: {  	v9 =	vmul.f32 v12, v11;
	v11 =	vld [tilespmem:s14+$0xFFFFFF90];
	_ =	sdelay $0x1  }
0x88: {  	(erf) = vpow2.f32 v8;
	[tilespmem:s26+$0x50] =	vst v9;
	v8, _, _ =	vpop (xrf2)  }
0x89: {  	v9 =	vld [tilespmem:s14+$0x50];
	v8 =	vmul.f32 $1.442695020e+00, v8  }
0x8a: {  	v21 =	vld [tilespmem:s16+$0x50]  }
0x8b: {  	v13 =	vmul.f32 v26, v5;
	v11 =	vadd.f32 v11, v17;
	v8 =	vbroadcast v8, $0xF;
	_ =	sdelay $0x1  }
0x8c: {  	(erf) = vpow2.f32 v8;
	v8 =	vadd.f32 v11, v13;
	_ =	sdelay $0x1  }
0x8d: {  	v9 =	vadd.f32 v9, v21;
	v11 =	vmul.f32 v19, v5;
	v13 =	vmul.f32 $2.000000030e-01, v8;
	_ =	sdelay $0x1  }
0x8e: {  	v14 =	vpop (erf);
	v9 =	vadd.f32 v9, v11;
	v8 =	vmax.f32 v8, v13  }
0x8f: {  	v11 =	vmul.f32 v14, v15;
	v8 =	vmul.f32 v8, v1  }
0x90: {  	v13 =	vmul.f32 $2.000000030e-01, v9  }
0x91: {  	[tilespmem:s26+$0xFFFFFFB0] =	vst v11;
	v8 =	vadd.f32 $0.0e+00, v8  }
0x92: {  	v23 =	vld [tilespmem:s16+$0xFFFFFFD0];
	v9 =	vmax.f32 v9, v13  }
0x93: {  	v11 =	vld [tilespmem:s14+$0xFFFFFFD0];
	v9 =	vmul.f32 v9, v1;
	v15 =	vpop (erf);
	(xrf2) =	vadd.scan.msk.f32 $0xffff, v8  }
0x94: {  	v8 =	vmul.f32 v15, v16  }
0x95: {  	v9 =	vadd.f32 $0.0e+00, v9  }
0x96: {  	[tilespmem:s26+$0x0] =	vst v8  }
0x97: {  	s21 =	simm.s32 $0x4;
	(xrf2) =	vadd.scan.msk.f32 $0xffff, v9;
	v13 =	vld [tilespmem:s14+$0x10]  }
0x98: {  	s22 =	sand.u32 $0x78, s21;
	s31 =	sadd.s32 $0x100, s16;
	v9 =	vadd.f32 v11, v23;
	v8 =	vmul.f32 v25, v5;
	v27 =	vld [tilespmem:s16+$0x10]  }
0x99: {  	s30 =	sadd.s32 $0x100, s14;
	s0 =	sand.u32 $0x4, s21;
	v29 =	vld [tilespmem:s31+$0xFFFFFF80];
	s3 =	sadd.s32 s22, s29  }
0x9a: {  	s0 =	sadd.s32 s0, s3;
	v11 =	vld [tilespmem:s30+$0xFFFFFF80];
	v9 =	vadd.f32 v9, v8  }
0x9b: {  	v8 =	vld.msk [tilespmem:s0+$0x0 ss:$0x0], $0xffff  }
0x9c: {  	v16 =	vmul.f32 $2.000000030e-01, v9  }
0x9d: {  	s4 =	simm.s32 $0xFFFFFFFF;
	v20 =	vmul.f32 v24, v5;
	v13 =	vadd.f32 v13, v27;
	v22, _, _ =	vpop (xrf2)  }
0x9e: {  	s0 =	sand.u32 $0x7, s4;
	v9 =	vmax.f32 v9, v16;
	v16 =	vmul.f32 $1.442695020e+00, v22  }
0x9f: {  	v18 =	vld [tilespmem:s31+$0x40];
	s0 =	sadd.s32 s0, s3;
	v9 =	vmul.f32 v9, v1;
	v13 =	vadd.f32 v13, v20  }
0xa0: {  	v37 =	vld.msk [tilespmem:s0+$0x0 ss:$0x0], $0xffff;
	v11 =	vadd.f32 v11, v29;
	v22 =	vmul.f32 v8, v4;
	v16 =	vbroadcast v16, $0xF  }
0xa1: {  	v20 =	vld [tilespmem:s30+$0x40];
	v9 =	vadd.f32 $0.0e+00, v9;
	v28, _, _ =	vpop (xrf2);
	v30 =	vmul.f32 $2.000000030e-01, v13  }
0xa2: {  	s7 =	simm.s32 $0x5;
	v31 =	vmul.f32 $1.442695020e+00, v28;
	(erf) = vpow2.f32 v16;
	v16 =	vadd.f32 v11, v22  }
0xa3: {  	s0 =	sand.u32 $0x5, s7;
	v28 =	vld [tilespmem:s31+$0xFFFFFFC0]  }
0xa4: {  	s0 =	sadd.s32 s0, s3;
	(xrf2) =	vadd.scan.msk.f32 $0xffff, v9;
	v22 =	vld [tilespmem:s30+$0xFFFFFFC0];
	v9 =	vmax.f32 v13, v30;
	v13 =	vbroadcast v31, $0xF;
	v30 =	vmul.f32 $2.000000030e-01, v16  }
0xa5: {  	v11 =	vld.msk [tilespmem:s0+$0x0 ss:$0x0], $0xffff;
	v31 =	vmul.f32 v37, v4  }
0xa6: {  	v20 =	vadd.f32 v20, v18;
	(erf) = vpow2.f32 v13;
	v13 =	vmax.f32 v16, v30  }
0xa7: {  	v9 =	vmul.f32 v9, v1;
	v16 =	vmul.f32 v13, v0  }
0xa8: {  	s8 =	simm.s32 $0x6;
	v20 =	vadd.f32 v20, v31  }
0xa9: {  	s0 =	sand.u32 $0x6, s8;
	v9 =	vadd.f32 $0.0e+00, v9  }
0xaa: {  	s0 =	sadd.s32 s0, s3;
	v30 =	vld [tilespmem:s30+$0x0];
	v31 =	vmul.f32 $2.000000030e-01, v20;
	v22 =	vadd.f32 v22, v28;
	v33 =	vmul.f32 v11, v4  }
0xab: {  	(xrf2) =	vadd.scan.msk.f32 $0xffff, v9;
	v9 =	vld.msk [tilespmem:s0+$0x0 ss:$0x0], $0xffff;
	v32 =	vadd.f32 $0.0e+00, v16;
	v16 =	vpop (erf)  }
0xac: {  	v13 =	vld [tilespmem:s31+$0x0];
	v20 =	vmax.f32 v20, v31;
	v22 =	vadd.f32 v22, v33;
	v17 =	vmul.f32 v16, v17  }
0xad: {  	v20 =	vmul.f32 v20, v0;
	(xrf2) =	vadd.scan.msk.f32 $0xffff, v32  }
0xae: {  	v53 =	vmul.f32 $2.000000030e-01, v22;
	[tilespmem:s26+$0xFFFFFF70] =	vst v17  }
0xaf: {  	v31, _, _ =	vpop (xrf2);
	v54 =	vadd.f32 $0.0e+00, v20;
	v20 =	vld [tilespmem:s16+$0xFFFFFFA0]  }
0xb0: {  	v31 =	vmul.f32 $1.442695020e+00, v31;
	v34 =	vmul.f32 v9, v4;
	v22 =	vmax.f32 v22, v53;
	v55 =	vld [tilespmem:s14+$0xFFFFFFA0];
	v17 =	vpop (erf)  }
0xb1: {  	v30 =	vadd.f32 v30, v13;
	v22 =	vmul.f32 v22, v0;
	v21 =	vmul.f32 v17, v21  }
0xb2: {  	v31 =	vbroadcast v31, $0xF;
	(xrf2) =	vadd.scan.msk.f32 $0xffff, v54  }
0xb3: {  	v30 =	vadd.f32 v30, v34;
	v22 =	vadd.f32 $0.0e+00, v22;
	[tilespmem:s26+$0x60] =	vst v21  }
0xb4: {  	(erf) = vpow2.f32 v31;
	v56 =	vld [tilespmem:s16+$0x60]  }
0xb5: {  	v35 =	vmul.f32 v26, v6;
	v31 =	vmul.f32 $2.000000030e-01, v30;
	v48 =	vld [tilespmem:s14+$0x60];
	v32 =	vadd.f32 v55, v20;
	v21, _, _ =	vpop (xrf2)  }
0xb6: {  	v21 =	vmul.f32 $1.442695020e+00, v21  }
0xb7: {  	v49 =	vmul.f32 v19, v6;
	v30 =	vmax.f32 v30, v31;
	(xrf2) =	vadd.scan.msk.f32 $0xffff, v22;
	v22, _, _ =	vpop (xrf2);
	v31 =	vadd.f32 v32, v35  }
0xb8: {  	v22 =	vmul.f32 $1.442695020e+00, v22;
	v21 =	vbroadcast v21, $0xF  }
0xb9: {  	v30 =	vmul.f32 v30, v0;
	v35 =	vmul.f32 $2.000000030e-01, v31  }
0xba: {  	v33 =	vadd.f32 v48, v56;
	(erf) = vpow2.f32 v21;
	v21 =	vbroadcast v22, $0xF  }
0xbb: {  	v30 =	vadd.f32 $0.0e+00, v30  }
0xbc: {  	v36, _, _ =	vpop (xrf2);
	(erf) = vpow2.f32 v21;
	v21 =	vmax.f32 v31, v35;
	v31 =	vadd.f32 v33, v49  }
0xbd: {  	v50 =	vmul.f32 $1.442695020e+00, v36;
	v22 =	vpop (erf)  }
0xbe: {  	(xrf2) =	vadd.scan.msk.f32 $0xffff, v30;
	v23 =	vmul.f32 v22, v23;
	v30 =	vmul.f32 $2.000000030e-01, v31  }
0xbf: {  	v32 =	vbroadcast v50, $0xF  }
0xc0: {  	[tilespmem:s26+$0xFFFFFFC0] =	vst v23;
	v23 =	vmax.f32 v31, v30  }
0xc1: {  	(erf) = vpow2.f32 v32  }
0xc2: {  	v51 =	vmul.f32 v21, v2;
	v30, _, _ =	vpop (xrf2)  }
0xc3: {  	v21 =	vld [tilespmem:s16+$0xFFFFFFE0];
	v52 =	vmul.f32 v23, v2;
	v30 =	vmul.f32 $1.442695020e+00, v30;
	v23 =	vpop (erf)  }
0xc4: {  	v31 =	vld [tilespmem:s14+$0xFFFFFFE0];
	v27 =	vmul.f32 v23, v27  }
0xc5: {  	v30 =	vbroadcast v30, $0xF;
	v53 =	vpop (erf)  }
0xc6: {  	v33 =	vadd.f32 $0.0e+00, v51;
	[tilespmem:s26+$0x10] =	vst v27;
	v27 =	vmul.f32 v53, v29  }
0xc7: {  	v32 =	vadd.f32 $0.0e+00, v52;
	v29 =	vmul.f32 v25, v6;
	(erf) = vpow2.f32 v30  }
0xc8: {  	(xrf2) =	vadd.scan.msk.f32 $0xffff, v33;
	v30 =	vld [tilespmem:s16+$0x20]  }
0xc9: {  	(xrf2) =	vadd.scan.msk.f32 $0xffff, v32;
	v31 =	vadd.f32 v31, v21;
	v57 =	vld [tilespmem:s14+$0x20]  }
0xca: {  	s28 =	sadd.s32 $0x140, s26;
	v58 =	vpop (erf)  }
0xcb: {  	[tilespmem:s28+$0xFFFFFF60] =	vst v27;
	v27 =	vadd.f32 v31, v29;
	v29, _, _ =	vpop (xrf2)  }
0xcc: {  	v18 =	vmul.f32 v58, v18;
	v33 =	vld [tilespmem:s31+$0xFFFFFF90];
	v29 =	vmul.f32 $1.442695020e+00, v29  }
0xcd: {  	v31 =	vld [tilespmem:s30+$0xFFFFFF90];
	v38 =	vmul.f32 $2.000000030e-01, v27  }
0xce: {  	v39 =	vmul.f32 v24, v6;
	[tilespmem:s28+$0x50] =	vst v18;
	v18 =	vadd.f32 v57, v30;
	v29 =	vbroadcast v29, $0xF  }
0xcf: {  	v27 =	vmax.f32 v27, v38  }
0xd0: {  	v32 =	vld [tilespmem:s31+$0x50];
	v27 =	vmul.f32 v27, v2;
	v18 =	vadd.f32 v18, v39;
	(erf) = vpow2.f32 v29;
	v43 =	vpop (erf)  }
0xd1: {  	v40 =	vmul.f32 v8, v5;
	v29 =	vld [tilespmem:s30+$0x50];
	v28 =	vmul.f32 v43, v28  }
0xd2: {  	v59, _, _ =	vpop (xrf2);
	v31 =	vadd.f32 v31, v33;
	v27 =	vadd.f32 $0.0e+00, v27;
	v41 =	vmul.f32 $2.000000030e-01, v18  }
0xd3: {  	v62 =	vmul.f32 v37, v5;
	v38 =	vmul.f32 $1.442695020e+00, v59;
	v60, _, _ =	vpop (xrf2);
	[tilespmem:s28+$0xFFFFFFB0] =	vst v28  }
0xd4: {  	v39 =	vmul.f32 $1.442695020e+00, v60;
	v40 =	vadd.f32 v31, v40;
	(xrf2) =	vadd.scan.msk.f32 $0xffff, v27;
	v18 =	vmax.f32 v18, v41;
	v31 =	vld [tilespmem:s31+$0xFFFFFFD0]  }
0xd5: {  	v38 =	vbroadcast v38, $0xF;
	v18 =	vmul.f32 v18, v2;
	v61 =	vld [tilespmem:s30+$0xFFFFFFD0]  }
0xd6: {  	v27 =	vbroadcast v39, $0xF;
	v28 =	vmul.f32 $2.000000030e-01, v40;
	v29 =	vadd.f32 v29, v32  }
0xd7: {  	(erf) = vpow2.f32 v38;
	v18 =	vadd.f32 $0.0e+00, v18  }
0xd8: {  	(erf) = vpow2.f32 v27;
	v27 =	vmax.f32 v40, v28;
	v28 =	vadd.f32 v29, v62  }
0xd9: {  	v27 =	vmul.f32 v27, v1;
	(xrf2) =	vadd.scan.msk.f32 $0xffff, v18;
	v18 =	vmul.f32 v11, v5;
	v63 =	vpop (erf)  }
0xda: {  	v29 =	vmul.f32 $2.000000030e-01, v28;
	v13 =	vmul.f32 v63, v13;
	v38 =	vadd.f32 v61, v31  }
0xdb: {  	v27 =	vadd.f32 $0.0e+00, v27  }
0xdc: {  	[tilespmem:s28+$0x0] =	vst v13;
	v13 =	vmax.f32 v28, v29;
	v18 =	vadd.f32 v38, v18  }
0xdd: {  	(xrf2) =	vadd.scan.msk.f32 $0xffff, v27;
	v13 =	vmul.f32 v13, v1  }
0xde: {  	v28, _, _ =	vpop (xrf2);
	v27 =	vld [tilespmem:s30+$0x10];
	v38 =	vmul.f32 $2.000000030e-01, v18  }
0xdf: {  	v29 =	vld [tilespmem:s31+$0x10];
	v28 =	vmul.f32 $1.442695020e+00, v28;
	v13 =	vadd.f32 $0.0e+00, v13  }
0xe0: {  	v18 =	vmax.f32 v18, v38  }
0xe1: {  	(xrf2) =	vadd.scan.msk.f32 $0xffff, v13;
	v13 =	vbroadcast v28, $0xF;
	v18 =	vmul.f32 v18, v1;
	_ =	sdelay $0x1  }
0xe2: {  	(erf) = vpow2.f32 v13;
	v13 =	vadd.f32 $0.0e+00, v18  }
0xe3: {  	v45 =	vpop (erf);
	v28 =	vmul.f32 v9, v5;
	v27 =	vadd.f32 v27, v29  }
0xe4: {  	v46 =	vpop (erf)  }
0xe5: {  	s3 =	simm.s32 $0x8;
	s0 =	sadd.s32 $0x100, s30;
	v34 =	vmul.f32 v46, v56;
	v54 =	vadd.f32 v27, v28;
	v18, _, _ =	vpop (xrf2)  }
0xe6: {  	v12 =	vnsel vm0, $0x0, v12;
	s4 =	sadd.s32 $0x100, s31;
	s9 =	sand.u32 $0x78, s3;
	v48 =	vld [tilespmem:s0+$0xFFFFFF80];
	v38 =	vnsel vm0, $0x0, v15;
	(xrf2) =	vadd.scan.msk.f32 $0xffff, v13;
	v18 =	vmul.f32 $1.442695020e+00, v18;
	v13, _, _ =	vpop (xrf2)  }
0xe7: {  	[tilespmem:s26+$0x70] =	vst v34;
	v34 =	vld [tilespmem:s4+$0x40];
	v27 =	vnsel vm0, $0x0, v14;
	v55 =	vmul.f32 $2.000000030e-01, v54;
	v42 =	vmul.f32 $1.442695020e+00, v13  }
0xe8: {  	s8 =	sand.u32 $0x4, s3;
	s7 =	sadd.s32 s9, s29;
	v28 =	vld [tilespmem:s4+$0xFFFFFF80];
	v14 =	vsel vm1, $0x0, v17;
	v13 =	vadd.f32 $0.0e+00, v12;
	v12 =	vbroadcast v18, $0xF  }
0xe9: {  	s9 =	simm.s32 $0x3;
	s8 =	sadd.s32 s8, s7;
	v17 =	vnsel vm0, $0x0, v58;
	v58 =	vld [tilespmem:s0+$0x40];
	v15 =	vmax.f32 v54, v55;
	v56 =	vbroadcast v42, $0xF  }
0xea: {  	s9 =	sand.u32 $0x7, s9;
	v18 =	vld.msk [tilespmem:s8+$0x0 ss:$0x0], $0xffff;
	(erf) = vpow2.f32 v12;
	v12 =	vmul.f32 v15, v1;
	v15 =	vsel vm1, $0x0, v16;
	v16, _, _ =	vpop (xrf2)  }
0xeb: {  	s12 =	simm.s32 $0x9;
	s9 =	sadd.s32 s9, s7;
	v49 =	vld [tilespmem:s0+$0xFFFFFFC0];
	v44 =	vsel vm1, $0x0, v23;
	v41 =	vsel vm1, $0x0, v22;
	(erf) = vpow2.f32 v56;
	v51 =	vpop (erf)  }
0xec: {  	v23 =	vld.msk [tilespmem:s9+$0x0 ss:$0x0], $0xffff;
	s8 =	sand.u32 $0x5, s12;
	v57 =	vadd.f32 $0.0e+00, v12;
	v50 =	vmul.f32 $1.442695020e+00, v16;
	v59 =	vmul.f32 v51, v21  }
0xed: {  	v39 =	vmul.f32 v24, v7;
	v40 =	vnsel vm0, $0x0, v10;
	s8 =	sadd.s32 s8, s7;
	v48 =	vadd.f32 v48, v28;
	v42 =	vld [tilespmem:s4+$0xFFFFFFC0]  }
0xee: {  	v35 =	vadd.f32 v58, v34;
	v22 =	vld.msk [tilespmem:s8+$0x0 ss:$0x0], $0xffff;
	(xrf2) =	vadd.scan.msk.f32 $0xffff, v57;
	v60 =	vbroadcast v50, $0xF;
	[tilespmem:s26+$0xFFFFFFD0] =	vst v59  }
0xef: {  	v16 =	vnsel vm0, $0x0, v53;
	v53 =	vmul.f32 v45, v20;
	v52 =	vmul.f32 v18, v4;
	v61 =	vld [tilespmem:s14+$0xFFFFFFF0]  }
0xf0: {  	s13 =	simm.s32 $0xA;
	v50 =	vmul.f32 v19, v7;
	v19 =	vsel vm2, $0x0, v46;
	v20, _, _ =	vpop (xrf2);
	(erf) = vpow2.f32 v60;
	v46 =	vld [tilespmem:s16+$0xFFFFFFF0]  }
0xf1: {  	v47 =	vld [tilespmem:s14+$0x70];
	s8 =	sand.u32 $0x6, s13;
	v12 =	vadd.f32 $0.0e+00, v17;
	v17 =	vnsel vm0, $0x0, v43;
	v62 =	vmul.f32 $1.442695020e+00, v20  }
0xf2: {  	v10 =	vld [tilespmem:s16+$0x70];
	s7 =	sadd.s32 s8, s7;
	v21 =	vsel vm2, $0x0, v45;
	v57 =	vmul.f32 v23, v4;
	v48 =	vadd.f32 v48, v52  }
0xf3: {  	v24 =	vld.msk [tilespmem:s7+$0x0 ss:$0x0], $0xffff;
	v56 =	vmul.f32 v22, v4;
	v20 =	vnsel vm0, $0x0, v63;
	v43 =	vbroadcast v62, $0xF  }
0xf4: {  	v54 =	vld [tilespmem:s0+$0x0];
	v63 =	vadd.f32 v49, v42;
	v35 =	vadd.f32 v35, v57;
	v55 =	vmul.f32 $2.000000030e-01, v48;
	v49 =	vpop (erf)  }
0xf5: {  	v45 =	vld [tilespmem:s4+$0x0];
	v30 =	vmul.f32 v49, v30;
	v58 =	vpop (erf);
	(erf) = vpow2.f32 v43;
	v36 =	vadd.f32 v61, v46  }
0xf6: {  	v60 =	vmul.f32 $2.000000030e-01, v35;
	v59 =	vmax.f32 v48, v55;
	v33 =	vmul.f32 v58, v33  }
0xf7: {  	v25 =	vmul.f32 v25, v7;
	v48 =	vadd.f32 v63, v56;
	v43 =	vmul.f32 v59, v0;
	[tilespmem:s26+$0x20] =	vst v30  }
0xf8: {  	v52 =	vadd.f32 v47, v10;
	v62 =	vmul.f32 v24, v4;
	v35 =	vmax.f32 v35, v60;
	v30 =	vld [tilespmem:s16+$0x30];
	[tilespmem:s28+$0xFFFFFF70] =	vst v33;
	v61, _, _ =	vpop (xrf2)  }
0xf9: {  	v63 =	vmul.f32 $2.000000030e-01, v48;
	v43 =	vadd.f32 $0.0e+00, v43;
	v25 =	vadd.f32 v36, v25;
	v47 =	vld [tilespmem:s31+$0xFFFFFFA0];
	v36 =	vpop (erf)  }
0xfa: {  	v33 =	vadd.f32 v54, v45;
	v59 =	vld [tilespmem:s30+$0xFFFFFFA0];
	v55 =	vmul.f32 $1.442695020e+00, v61;
	v32 =	vmul.f32 v36, v32  }
0xfb: {  	v35 =	vmul.f32 v35, v0;
	v48 =	vmax.f32 v48, v63;
	v54 =	vld [tilespmem:s14+$0x30];
	(xrf2) =	vadd.scan.msk.f32 $0xffff, v43;
	v60 =	vmul.f32 $2.000000030e-01, v25  }
0xfc: {  	v33 =	vadd.f32 v33, v62;
	v62 =	vmul.f32 v48, v0;
	v61 =	vbroadcast v55, $0xF;
	[tilespmem:s28+$0x60] =	vst v32  }
0xfd: {  	v35 =	vadd.f32 $0.0e+00, v35;
	v63 =	vmul.f32 v8, v6;
	v43 =	vadd.f32 v52, v50;
	v50 =	vld [tilespmem:s31+$0x60]  }
0xfe: {  	v25 =	vmax.f32 v25, v60;
	v32 =	vadd.f32 $0.0e+00, v62;
	(erf) = vpow2.f32 v61;
	v52 =	vld [tilespmem:s30+$0x60];
	v48 =	vpop (erf)  }
0xff: {  	v62 =	vmul.f32 v25, v3;
	v55 =	vadd.f32 v59, v47;
	v31 =	vmul.f32 v48, v31  }
0x100: {  	[tilespmem:s26+$0xFFFFFF80] =	vst v53;
	(xrf2) =	vadd.scan.msk.f32 $0xffff, v35;
	v60 =	vmul.f32 $2.000000030e-01, v33;
	v61 =	vadd.f32 v54, v30  }
0x101: {  	v25 =	vld [tilespmem:s16+$0xFFFFFFB0];
	v63 =	vadd.f32 v55, v63;
	[tilespmem:s28+$0xFFFFFFC0] =	vst v31;
	v31 =	vadd.f32 $0.0e+00, v62  }
0x102: {  	v26 =	vmul.f32 v26, v7;
	v33 =	vmax.f32 v33, v60;
	(xrf2) =	vadd.scan.msk.f32 $0xffff, v32;
	v59 =	vld [tilespmem:s14+$0xFFFFFFB0];
	v39 =	vadd.f32 v61, v39  }
0x103: {  	v61 =	vmul.f32 v37, v6;
	v35 =	vld [tilespmem:s31+$0xFFFFFFE0];
	v60 =	vmul.f32 $2.000000030e-01, v63;
	v52 =	vadd.f32 v52, v50  }
0x104: {  	v57 =	vmul.f32 v11, v6;
	v33 =	vmul.f32 v33, v0;
	v53 =	vld [tilespmem:s30+$0xFFFFFFE0]  }
0x105: {  	v56 =	vmul.f32 $2.000000030e-01, v39;
	(xrf2) =	vadd.scan.msk.f32 $0xffff, v31;
	v32 =	vmax.f32 v63, v60;
	v52 =	vadd.f32 v52, v61;
	v31, _, _ =	vpop (xrf2)  }
0x106: {  	v33 =	vadd.f32 $0.0e+00, v33;
	v63 =	vmul.f32 v32, v2;
	v62 =	vmul.f32 $1.442695020e+00, v31  }
0x107: {  	v56 =	vmax.f32 v39, v56;
	v31 =	vsel vm2, $0x0, v49;
	v55 =	vpop (erf);
	v60 =	vmul.f32 $2.000000030e-01, v52  }
0x108: {  	(xrf2) =	vadd.scan.msk.f32 $0xffff, v33;
	v29 =	vmul.f32 v55, v29;
	v49 =	vadd.f32 $0.0e+00, v63;
	v63 =	vadd.f32 v59, v25  }
0x109: {  	v53 =	vadd.f32 v53, v35;
	v61 =	vbroadcast v62, $0xF;
	v33 =	vmax.f32 v52, v60  }
0x10a: {  	v60 =	vmul.f32 v56, v3;
	v33 =	vmul.f32 v33, v2;
	[tilespmem:s28+$0x10] =	vst v29;
	v26 =	vadd.f32 v63, v26;
	v62, _, _ =	vpop (xrf2)  }
0x10b: {  	v32 =	vsel vm1, $0x0, v36;
	(erf) = vpow2.f32 v61;
	v36 =	vld [tilespmem:s31+$0x20];
	v59 =	vmul.f32 $1.442695020e+00, v62  }
0x10c: {  	v52 =	vadd.f32 v53, v57;
	(xrf2) =	vadd.scan.msk.f32 $0xffff, v49;
	v56 =	vld [tilespmem:s30+$0x20];
	v29, _, _ =	vpop (xrf2);
	v61 =	vadd.f32 $0.0e+00, v33;
	v63 =	vmul.f32 $2.000000030e-01, v26  }
0x10d: {  	v27 =	vadd.f32 $0.0e+00, v27;
	v29 =	vmul.f32 $1.442695020e+00, v29;
	v39 =	vbroadcast v59, $0xF  }
0x10e: {  	v49 =	vadd.f32 $0.0e+00, v60;
	v62 =	vmul.f32 $2.000000030e-01, v52;
	(xrf2) =	vadd.scan.msk.f32 $0xffff, v61;
	v61 =	vmul.f32 v9, v6  }
0x10f: {  	v60, _, _ =	vpop (xrf2);
	v26 =	vmax.f32 v26, v63;
	v29 =	vbroadcast v29, $0xF;
	(erf) = vpow2.f32 v39  }
0x110: {  	v52 =	vmax.f32 v52, v62;
	v62 =	vmul.f32 $2.000000030e-01, v43;
	v39 =	vmul.f32 $1.442695020e+00, v60  }
0x111: {  	v52 =	vmul.f32 v52, v2;
	v56 =	vadd.f32 v56, v36;
	(erf) = vpow2.f32 v29  }
0x112: {  	v33 =	vsel vm1, $0x0, v58;
	v63, _, _ =	vpop (xrf2);
	(xrf2) =	vadd.scan.msk.f32 $0xffff, v49;
	v29 =	vmul.f32 v26, v3;
	v39 =	vbroadcast v39, $0xF  }
0x113: {  	v43 =	vmax.f32 v43, v62;
	v59 =	vmul.f32 $1.442695020e+00, v63;
	v53 =	vadd.f32 v56, v61  }
0x114: {  	v43 =	vmul.f32 v43, v3;
	v29 =	vadd.f32 $0.0e+00, v29;
	v58 =	vpop (erf);
	(erf) = vpow2.f32 v39  }
0x115: {  	v51 =	vsel vm2, $0x0, v51;
	v62 =	vmul.f32 $2.000000030e-01, v53;
	v28 =	vmul.f32 v58, v28  }
0x116: {  	s14 =	sadd.s32 $0x140, s28;
	v26 =	vsel vm1, $0x0, v48;
	v48 =	vbroadcast v59, $0xF;
	v43 =	vadd.f32 $0.0e+00, v43;
	v60, _, _ =	vpop (xrf2);
	(xrf2) =	vadd.scan.msk.f32 $0xffff, v29  }
0x117: {  	v57 =	vmul.f32 v18, v5;
	v52 =	vadd.f32 $0.0e+00, v52;
	v61 =	vmul.f32 $1.442695020e+00, v60;
	[tilespmem:s14+$0xFFFFFF60] =	vst v28  }
0x118: {  	v29 =	vsel vm1, $0x0, v55;
	(erf) = vpow2.f32 v48;
	(xrf2) =	vadd.scan.msk.f32 $0xffff, v43;
	v28 =	vnsel vm0, $0x0, v58;
	v39 =	vld [tilespmem:s4+$0xFFFFFF90];
	v63 =	vpop (erf)  }
0x119: {  	v49 =	vbroadcast v61, $0xF;
	v54 =	vld [tilespmem:s0+$0xFFFFFF90];
	v61 =	vmax.f32 v53, v62;
	v62, _, _ =	vpop (xrf2);
	v56 =	vmul.f32 v63, v34  }
0x11a: {  	(xrf2) =	vadd.scan.msk.f32 $0xffff, v52;
	v48 =	vmul.f32 $1.442695020e+00, v62;
	v55 =	vmul.f32 v61, v2;
	v60 =	vnsel vm0, $0x0, v63;
	v63 =	vpop (erf)  }
0x11b: {  	(erf) = vpow2.f32 v49;
	v34 =	vadd.f32 $0.0e+00, v60;
	v60 =	vmul.f32 v63, v42;
	[tilespmem:s14+$0x50] =	vst v56  }
0x11c: {  	v61 =	vadd.f32 v41, v27;
	v62, _, _ =	vpop (xrf2);
	v49 =	vmul.f32 v37, v7;
	v48 =	vbroadcast v48, $0xF;
	v56 =	vld [tilespmem:s0+$0x50]  }
0x11d: {  	v27 =	vnsel vm0, $0x0, v63;
	v42 =	vadd.f32 $0.0e+00, v40;
	v40 =	vmul.f32 $1.442695020e+00, v62;
	[tilespmem:s14+$0xFFFFFFB0] =	vst v60;
	v43 =	vld [tilespmem:s4+$0x50]  }
0x11e: {  	v58 =	vadd.f32 $0.0e+00, v55;
	v63 =	vadd.f32 v54, v39;
	v59 =	vpop (erf);
	(erf) = vpow2.f32 v48;
	v41 =	vld [tilespmem:s4+$0xFFFFFFD0]  }
0x11f: {  	v60 =	vadd.f32 v51, v61;
	v46 =	vmul.f32 v59, v46;
	v51 =	vld [tilespmem:s0+$0xFFFFFFD0];
	v62 =	vsel vm3, $0x0, v59  }
0x120: {  	(xrf2) =	vadd.scan.msk.f32 $0xffff, v58;
	v61, _, _ =	vpop (xrf2);
	v53 =	vadd.f32 v63, v57;
	v63 =	vbroadcast v40, $0xF;
	v57 =	vmul.f32 v22, v5  }
0x121: {  	v38 =	vadd.f32 $0.0e+00, v38;
	v40 =	vpop (erf);
	v52 =	vmul.f32 $1.442695020e+00, v61;
	v61 =	vmul.f32 v23, v5  }
0x122: {  	v55 =	vadd.f32 v62, v60;
	v45 =	vmul.f32 v40, v45;
	v60 =	vmul.f32 $2.000000030e-01, v53;
	v62, _, _ =	vpop (xrf2)  }
0x123: {  	(erf) = vpow2.f32 v63;
	v56 =	vadd.f32 v56, v43;
	v58 =	vmul.f32 $1.442695020e+00, v62  }
0x124: {  	s21 =	sadd.s32 $0x2, s24;
	v52 =	vbroadcast v52, $0xF;
	v53 =	vmax.f32 v53, v60;
	v59 =	vpop (erf);
	v51 =	vadd.f32 v51, v41  }
0x125: {  	s22 =	sand.u32 $0xFF, s21;
	v63, _, _ =	vpop (xrf2);
	v47 =	vmul.f32 v59, v47;
	v56 =	vadd.f32 v56, v61;
	v60 =	vbroadcast v58, $0xF  }
0x126: {  	s8 =	smul.u32 $0xAB, s22;
	v48 =	vadd.f32 v44, v38;
	[tilespmem:s26+$0xFFFFFFE0] =	vst v46;
	v44 =	vmul.f32 v53, v1;
	v62 =	vmul.f32 $1.442695020e+00, v63  }
0x127: {  	[tilespmem:s14+$0x0] =	vst v45;
	v51 =	vadd.f32 v51, v57;
	v61 =	vmul.f32 $2.000000030e-01, v56;
	v58 =	vpop (erf);
	(erf) = vpow2.f32 v60  }
0x128: {  	s8 =	sshrl.u32 s8, $0x9;
	[tilespmem:s28+$0xFFFFFF80] =	vst v47;
	v47 =	vld [tilespmem:s0+$0x10];
	v60 =	vbroadcast v62, $0xF;
	v45 =	vmul.f32 v58, v50  }
0x129: {  	s8 =	smul.u32 $0x3, s8;
	[tilespmem:s26+$0xFFFFFFF0] =	vst v55;
	v37 =	vld [tilespmem:s31+$0xFFFFFFB0];
	v46 =	vmul.f32 $2.000000030e-01, v51;
	v63 =	vmax.f32 v56, v61;
	v61 =	vadd.f32 $0.0e+00, v44  }
0x12a: {  	v38 =	vsel vm2, $0x0, v59;
	(erf) = vpow2.f32 v52;
	v44 =	vld [tilespmem:s4+$0x10];
	v62, _, _ =	vpop (xrf2);
	v63 =	vmul.f32 v63, v1;
	[tilespmem:s28+$0x70] =	vst v45  }
0x12b: {  	s7 =	ssub.s32 s21, s8;
	(erf) = vpow2.f32 v60;
	v46 =	vmax.f32 v51, v46;
	v50 =	vmul.f32 $1.442695020e+00, v62;
	v55 =	vld [tilespmem:s30+$0x70];
	(xrf2) =	vadd.scan.msk.f32 $0xffff, v61  }
0x12c: {  	s8 =	sadd.s32 $0x100, s0;
	s16 =	sand.u32 $0xFF, s7;
	s7 =	sadd.s32 $0x100, s4;
	v45 =	vsel vm2, $0x0, v58;
	v51 =	vmul.f32 v46, v1;
	v46 =	vld [tilespmem:s31+$0x70];
	v52 =	vadd.f32 $0.0e+00, v63  }
.LBB2_4:
0x12d: {  	s9 =	sadd.s32 $0x6, s3  }
0x12e: {  	v53 =	vld [tilespmem:s8+$0xFFFFFF80];
	s12 =	sadd.s32 $0xFFFFFFFF, s3;
	v50 =	vbroadcast v50, $0xF;
	v54 =	vadd.f32 v15, v42;
	v31 =	vadd.f32 v31, v48;
	v15 =	vmovc v33;
	s13 =	smov.u32 s3;
	s3 =	sadd.s32 $0x4, s3  }
0x12f: {  	s21 =	sand.u32 $0x78, s3;
	s22 =	sand.u32 $0x4, s3;
	v48 =	vld [tilespmem:s7+$0xFFFFFF80];
	s13 =	sadd.s32 $0x5, s13;
	v33 =	vadd.f32 $0.0e+00, v51;
	v47 =	vadd.f32 v47, v44;
	v51 =	vmul.f32 v24, v5;
	(xrf2) =	vadd.scan.msk.f32 $0xffff, v52;
	v42 =	vpop (erf)  }
0x130: {  	v57 =	vadd.f32 v14, v13;
	v14 =	vmovc v32;
	v13 =	vmovc v12;
	s9 =	sand.u32 $0x6, s9;
	s21 =	sadd.s32 s21, s29;
	s13 =	sand.u32 $0x5, s13;
	v56 =	vld [tilespmem:s8+$0xFFFFFFC0];
	v30 =	vmul.f32 v42, v30;
	v52 =	vsel vm3, $0x0, v42  }
0x131: {  	v12 =	vmovc v34;
	s22 =	sadd.s32 s22, s21;
	s13 =	sadd.s32 s13, s21;
	v42 =	vld [tilespmem:s7+$0xFFFFFFC0];
	s9 =	sadd.s32 s9, s21;
	v32 =	vadd.f32 v47, v51;
	(erf) = vpow2.f32 v50;
	v31 =	vadd.f32 v52, v31  }
0x132: {  	s12 =	sand.u32 $0x7, s12;
	p3 =	slt.u32 s3, $0x7C;
	v50 =	vld [tilespmem:s8+$0x0];
	(xrf2) =	vadd.scan.msk.f32 $0xffff, v33;
	v55 =	vadd.f32 v55, v46;
	[tilespmem:s26+$0x30] =	vst v30;
	v30 =	vadd.f32 v19, v57;
	v19 =	vpop (erf)  }
0x133: {  	s12 =	sadd.s32 s12, s21;
	v47 =	vld [tilespmem:s7+$0x0];
	v51 =	vmul.f32 $2.000000030e-01, v32;
	[tilespmem:s26+$0x40] =	vst v31;
	v31 =	vmul.f32 v19, v10;
	v52 =	vsel vm3, $0x0, v19;
	v19 =	vmovc v45;
	v10 =	vmovc v46  }
0x134: {  	v45 =	vnsel vm0, $0x0, v40;
	v34 =	vld [tilespmem:s7+$0x40];
	v49 =	vadd.f32 v55, v49;
	v55 =	vadd.f32 v21, v54;
	v33 =	vpop (erf)  }
0x135: {  	v30 =	vadd.f32 v52, v30;
	v46 =	vld [tilespmem:s8+$0x40];
	v32 =	vmax.f32 v32, v51;
	v40, _, _ =	vpop (xrf2);
	v25 =	vmul.f32 v33, v25;
	[tilespmem:s26+$0x80] =	vst v31  }
0x136: {  	v33 =	vsel vm3, $0x0, v33;
	v51 =	vld.msk [tilespmem:s9+$0x0 ss:$0x0], $0xffff;
	v31 =	vmul.f32 $1.442695020e+00, v40;
	v57 =	vmul.f32 v32, v1;
	v40 =	vpop (erf)  }
0x137: {  	v21 =	vmovc v38;
	v54 =	vld.msk [tilespmem:s13+$0x0 ss:$0x0], $0xffff;
	v35 =	vmul.f32 v40, v35;
	v40 =	vsel vm2, $0x0, v40;
	[tilespmem:s26+$0xFFFFFF90] =	vst v25;
	v25 =	vadd.f32 v33, v55  }
0x138: {  	v33 =	vadd.f32 v56, v42;
	v55 =	vmul.f32 v9, v7;
	v9 =	vmovc v24;
	v52 =	vld.msk [tilespmem:s22+$0x0 ss:$0x0], $0xffff;
	v31 =	vbroadcast v31, $0xF;
	[tilespmem:s26+$0x90] =	vst v30  }
0x139: {  	v30 =	vadd.f32 v50, v47;
	v57 =	vadd.f32 $0.0e+00, v57;
	v38 =	vld.msk [tilespmem:s12+$0x0 ss:$0x0], $0xffff;
	v32, _, _ =	vpop (xrf2);
	[tilespmem:s28+$0xFFFFFFD0] =	vst v35;
	v35 =	vmul.f32 v11, v7  }
0x13a: {  	v50 =	vadd.f32 v46, v34;
	v32 =	vmul.f32 $1.442695020e+00, v32;
	(erf) = vpow2.f32 v31;
	v56 =	vld [tilespmem:s30+$0xFFFFFFF0];
	v11 =	vpop (erf);
	[tilespmem:s26+$0xFFFFFFA0] =	vst v25;
	s26 =	smov.u32 s28;
	s28 =	smov.u32 s14  }
0x13b: {  	v53 =	vadd.f32 v53, v48;
	(xrf2) =	vadd.scan.msk.f32 $0xffff, v57;
	v46 =	vld [tilespmem:s31+$0xFFFFFFF0];
	v58 =	vmul.f32 v11, v36;
	v31 =	vsel vm2, $0x0, v11;
	v11 =	vmovc v22  }
0x13c: {  	v36 =	vmul.f32 v51, v4;
	v24 =	vmov v51;
	v32 =	vbroadcast v32, $0xF;
	v22, _, _ =	vpop (xrf2)  }
0x13d: {  	v25 =	vmovc v37;
	v51 =	vmul.f32 v54, v4;
	v57 =	vmul.f32 $1.442695020e+00, v22;
	[tilespmem:s26+$0x20] =	vst v58;
	v22 =	vmov v54  }
0x13e: {  	v37 =	vmul.f32 v52, v4;
	v36 =	vadd.f32 v30, v36;
	(erf) = vpow2.f32 v32  }
0x13f: {  	v32 =	vadd.f32 v33, v51;
	v30 =	vmul.f32 v38, v4;
	v33 =	vbroadcast v57, $0xF  }
0x140: {  	v37 =	vadd.f32 v53, v37;
	v51 =	vmul.f32 $2.000000030e-01, v36;
	v57 =	vadd.f32 v56, v46;
	v54 =	vld [tilespmem:s30+$0x30]  }
0x141: {  	v56 =	vmul.f32 $2.000000030e-01, v32;
	v50 =	vadd.f32 v50, v30;
	(erf) = vpow2.f32 v33;
	v30 =	vld [tilespmem:s31+$0x30];
	s31 =	smov.u32 s4;
	s4 =	smov.u32 s7  }
0x142: {  	v33 =	vmul.f32 $2.000000030e-01, v37;
	v36 =	vmax.f32 v36, v51;
	v35 =	vadd.f32 v57, v35  }
0x143: {  	v32 =	vmax.f32 v32, v56;
	v36 =	vmul.f32 v36, v0;
	v51 =	vmul.f32 $2.000000030e-01, v50;
	v53 =	vpop (erf)  }
0x144: {  	v33 =	vmax.f32 v37, v33;
	v32 =	vmul.f32 v32, v0;
	v37 =	vmul.f32 v53, v39  }
0x145: {  	v33 =	vmul.f32 v33, v0;
	v39 =	vmax.f32 v50, v51;
	v51 =	vmul.f32 $2.000000030e-01, v35;
	v50, _, _ =	vpop (xrf2)  }
0x146: {  	v56 =	vadd.f32 $0.0e+00, v32;
	v32 =	vmul.f32 v39, v0;
	[tilespmem:s14+$0xFFFFFF70] =	vst v37;
	v39 =	vadd.f32 v54, v30  }
0x147: {  	v33 =	vadd.f32 $0.0e+00, v33;
	v50 =	vmul.f32 $1.442695020e+00, v50;
	v35 =	vmax.f32 v35, v51;
	v37 =	vld [tilespmem:s31+$0xFFFFFFA0];
	v54 =	vpop (erf)  }
0x148: {  	v57 =	vadd.f32 $0.0e+00, v32;
	v35 =	vmul.f32 v35, v3;
	v58 =	vld [tilespmem:s0+$0xFFFFFFA0];
	v51 =	vmul.f32 v54, v43  }
0x149: {  	v59 =	vbroadcast v50, $0xF;
	v32 =	vsel vm1, $0x0, v54;
	v39 =	vadd.f32 v39, v55;
	(xrf2) =	vadd.scan.msk.f32 $0xffff, v33  }
0x14a: {  	v33 =	vsel vm1, $0x0, v53;
	v53 =	vadd.f32 $0.0e+00, v35;
	[tilespmem:s14+$0x60] =	vst v51;
	v43 =	vpop (erf)  }
0x14b: {  	v35 =	vmul.f32 v43, v41;
	v51 =	vsel vm1, $0x0, v43;
	v50 =	vld [tilespmem:s31+$0x60];
	(erf) = vpow2.f32 v59  }
0x14c: {  	v43 =	vmul.f32 $2.000000030e-01, v39;
	(xrf2) =	vadd.scan.msk.f32 $0xffff, v57;
	v41 =	vld [tilespmem:s0+$0x60]  }
0x14d: {  	v55 =	vmul.f32 v18, v6;
	v54 =	vadd.f32 v58, v37;
	[tilespmem:s14+$0xFFFFFFC0] =	vst v35  }
0x14e: {  	v39 =	vmax.f32 v39, v43;
	v35 =	vld [tilespmem:s31+$0xFFFFFFE0]  }
0x14f: {  	v39 =	vmul.f32 v39, v3;
	(xrf2) =	vadd.scan.msk.f32 $0xffff, v56;
	v43 =	vadd.f32 v54, v55;
	v54 =	vld [tilespmem:s0+$0xFFFFFFE0]  }
0x150: {  	v55 =	vmul.f32 v23, v6  }
0x151: {  	v39 =	vadd.f32 $0.0e+00, v39;
	v56 =	vmul.f32 $2.000000030e-01, v43;
	v41 =	vadd.f32 v41, v50  }
0x152: {  	v59 =	vmul.f32 v8, v7;
	v8 =	vmovc v18;
	v18 =	vmov v52;
	v57 =	vmul.f32 v11, v6;
	v58 =	vld [tilespmem:s30+$0xFFFFFFB0];
	(xrf2) =	vadd.scan.msk.f32 $0xffff, v53;
	s30 =	smov.u32 s0;
	s0 =	smov.u32 s8  }
0x153: {  	v36 =	vadd.f32 $0.0e+00, v36;
	v52, _, _ =	vpop (xrf2);
	v43 =	vmax.f32 v43, v56;
	v41 =	vadd.f32 v41, v55  }
0x154: {  	v52 =	vmul.f32 $1.442695020e+00, v52;
	v43 =	vmul.f32 v43, v2;
	v53 =	vadd.f32 v54, v35;
	v54 =	vpop (erf)  }
0x155: {  	(xrf2) =	vadd.scan.msk.f32 $0xffff, v36;
	v36 =	vmul.f32 v54, v44;
	v44 =	vsel vm1, $0x0, v54;
	v54 =	vmul.f32 $2.000000030e-01, v41  }
0x156: {  	v56 =	vbroadcast v52, $0xF;
	v55, _, _ =	vpop (xrf2);
	v43 =	vadd.f32 $0.0e+00, v43;
	v53 =	vadd.f32 v53, v57  }
0x157: {  	v55 =	vmul.f32 $1.442695020e+00, v55;
	[tilespmem:s14+$0x10] =	vst v36;
	v41 =	vmax.f32 v41, v54;
	v54 =	vadd.f32 v58, v25  }
0x158: {  	(erf) = vpow2.f32 v56;
	v36 =	vld [tilespmem:s31+$0x20];
	v41 =	vmul.f32 v41, v2;
	(xrf2) =	vadd.scan.msk.f32 $0xffff, v43  }
0x159: {  	v58 =	vmul.f32 $2.000000030e-01, v53;
	v43 =	vbroadcast v55, $0xF;
	v52, _, _ =	vpop (xrf2);
	v54 =	vadd.f32 v54, v59  }
0x15a: {  	v57 =	vmul.f32 v9, v6;
	v52 =	vmul.f32 $1.442695020e+00, v52;
	v56 =	vld [tilespmem:s30+$0x20];
	v41 =	vadd.f32 $0.0e+00, v41  }
0x15b: {  	(erf) = vpow2.f32 v43;
	v43 =	vmul.f32 $2.000000030e-01, v54  }
0x15c: {  	v53 =	vmax.f32 v53, v58;
	v52 =	vbroadcast v52, $0xF;
	(xrf2) =	vadd.scan.msk.f32 $0xffff, v41;
	v41 =	vmul.f32 $2.000000030e-01, v49;
	v55, _, _ =	vpop (xrf2)  }
0x15d: {  	v53 =	vmul.f32 v53, v2;
	v43 =	vmax.f32 v54, v43;
	v54 =	vmul.f32 $1.442695020e+00, v55  }
0x15e: {  	s14 =	sadd.s32 $0x140, s14;
	(erf) = vpow2.f32 v52;
	v43 =	vmul.f32 v43, v3;
	v41 =	vmax.f32 v49, v41  }
0x15f: {  	v52 =	vadd.f32 $0.0e+00, v53;
	v49, _, _ =	vpop (xrf2);
	v53 =	vadd.f32 v56, v36;
	v54 =	vbroadcast v54, $0xF;
	(xrf2) =	vadd.scan.msk.f32 $0xffff, v39  }
0x160: {  	v39 =	vmul.f32 $1.442695020e+00, v49;
	v43 =	vadd.f32 $0.0e+00, v43  }
0x161: {  	v41 =	vmul.f32 v41, v3;
	v49 =	vpop (erf);
	v53 =	vadd.f32 v53, v57;
	(erf) = vpow2.f32 v54  }
0x162: {  	v55 =	vmul.f32 v49, v48;
	v54 =	vnsel vm0, $0x0, v49;
	v39 =	vbroadcast v39, $0xF;
	v49, _, _ =	vpop (xrf2);
	(xrf2) =	vadd.scan.msk.f32 $0xffff, v43  }
0x163: {  	v41 =	vadd.f32 $0.0e+00, v41;
	v43 =	vmul.f32 $1.442695020e+00, v49  }
0x164: {  	v49 =	vmul.f32 $2.000000030e-01, v53;
	[tilespmem:s14+$0xFFFFFF60] =	vst v55;
	(erf) = vpow2.f32 v39;
	v48 =	vpop (erf)  }
0x165: {  	v39 =	vld [tilespmem:s7+$0xFFFFFF90];
	v56 =	vmul.f32 v48, v34;
	v34 =	vnsel vm0, $0x0, v48;
	v43 =	vbroadcast v43, $0xF;
	(xrf2) =	vadd.scan.msk.f32 $0xffff, v41  }
0x166: {  	v41 =	vmax.f32 v53, v49;
	v49 =	vadd.f32 $0.0e+00, v17;
	v34 =	vadd.f32 $0.0e+00, v34;
	v48, _, _ =	vpop (xrf2)  }
0x167: {  	v17 =	vmov v27;
	v53 =	vld [tilespmem:s8+$0xFFFFFF90];
	[tilespmem:s14+$0x50] =	vst v56;
	v55 =	vpop (erf);
	v48 =	vmul.f32 $1.442695020e+00, v48;
	(erf) = vpow2.f32 v43  }
0x168: {  	v41 =	vmul.f32 v41, v2;
	v57 =	vadd.f32 v26, v49;
	v43 =	vmul.f32 v55, v42;
	v56 =	vld [tilespmem:s8+$0x50];
	(xrf2) =	vadd.scan.msk.f32 $0xffff, v52  }
0x169: {  	v27 =	vnsel vm0, $0x0, v55;
	v42 =	vadd.f32 $0.0e+00, v16;
	v48 =	vbroadcast v48, $0xF;
	v16, _, _ =	vpop (xrf2)  }
0x16a: {  	v55 =	vadd.f32 $0.0e+00, v41;
	v57 =	vadd.f32 v40, v57;
	[tilespmem:s14+$0xFFFFFFB0] =	vst v43;
	v43 =	vld [tilespmem:s7+$0x50];
	v52 =	vmul.f32 $1.442695020e+00, v16;
	v16 =	vpop (erf)  }
0x16b: {  	v26 =	vmovc v51;
	v41 =	vld [tilespmem:s7+$0xFFFFFFD0];
	(erf) = vpow2.f32 v48;
	v46 =	vmul.f32 v16, v46;
	v48 =	vsel vm3, $0x0, v16;
	v16 =	vmovc v28  }
0x16c: {  	v51 =	vmul.f32 v18, v5;
	v28 =	vadd.f32 v53, v39;
	v53 =	vld [tilespmem:s8+$0xFFFFFFD0];
	(xrf2) =	vadd.scan.msk.f32 $0xffff, v55;
	v48 =	vadd.f32 v48, v57;
	v49, _, _ =	vpop (xrf2)  }
0x16d: {  	v57 =	vadd.f32 $0.0e+00, v20;
	v40 =	vpop (erf);
	v55 =	vmul.f32 $1.442695020e+00, v49;
	[tilespmem:s26+$0xFFFFFFE0] =	vst v46;
	v46 =	vbroadcast v52, $0xF  }
0x16e: {  	v49 =	vmul.f32 v23, v7;
	v28 =	vadd.f32 v28, v51;
	v51 =	vmul.f32 v22, v5;
	[tilespmem:s26+$0xFFFFFFF0] =	vst v48  }
0x16f: {  	v23 =	vmul.f32 v38, v5;
	v48 =	vadd.f32 v29, v57;
	v52 =	vbroadcast v55, $0xF;
	v20, _, _ =	vpop (xrf2)  }
0x170: {  	v55 =	vadd.f32 v56, v43;
	v58 =	vmul.f32 $2.000000030e-01, v28;
	v56 =	vpop (erf);
	v57 =	vmul.f32 $1.442695020e+00, v20  }
0x171: {  	v47 =	vmul.f32 v40, v47;
	v20 =	vmovc v45;
	v53 =	vadd.f32 v53, v41;
	v37 =	vmul.f32 v56, v37  }
0x172: {  	v45 =	vadd.f32 v55, v23;
	v28 =	vmax.f32 v28, v58;
	v29, _, _ =	vpop (xrf2);
	(erf) = vpow2.f32 v46  }
0x173: {  	v23 =	vmovc v38;
	v58 =	vmul.f32 v28, v1;
	v46 =	vadd.f32 v53, v51;
	[tilespmem:s28+$0xFFFFFF80] =	vst v37;
	v51 =	vbroadcast v57, $0xF  }
0x174: {  	v38 =	vsel vm2, $0x0, v56;
	v53 =	vmul.f32 $2.000000030e-01, v45;
	v55 =	vmul.f32 $1.442695020e+00, v29;
	[tilespmem:s14+$0x0] =	vst v47;
	v37 =	vld [tilespmem:s31+$0xFFFFFFB0];
	v56 =	vpop (erf)  }
.Ltmp5:
0x175: {  	v29 =	vmovc v44;
	v57 =	vadd.f32 $0.0e+00, v58;
	v47 =	vld [tilespmem:s8+$0x10];
	v50 =	vmul.f32 v56, v50;
	(erf) = vpow2.f32 v51;
	v28 =	vmovc v54;
	(pc) =	sbr.rel @p3 .LBB2_4-.Ltmp5, $4  }
0x176: {  	v51 =	vmul.f32 $2.000000030e-01, v46;
	v45 =	vmax.f32 v45, v53;
	v53 =	vbroadcast v55, $0xF;
	v44 =	vld [tilespmem:s7+$0x10];
	v54, _, _ =	vpop (xrf2)  }
0x177: {  	v58 =	vmul.f32 v45, v1;
	(xrf2) =	vadd.scan.msk.f32 $0xffff, v57;
	[tilespmem:s28+$0x70] =	vst v50;
	(erf) = vpow2.f32 v52  }
0x178: {  	v45 =	vsel vm2, $0x0, v56;
	v46 =	vmax.f32 v46, v51;
	v50 =	vmul.f32 $1.442695020e+00, v54;
	v55 =	vld [tilespmem:s30+$0x70]  }
0x179: {  	s8 =	sadd.s32 $0x100, s8;
	s7 =	sadd.s32 $0x100, s7;
	v51 =	vmul.f32 v46, v1;
	v52 =	vadd.f32 $0.0e+00, v58;
	v46 =	vld [tilespmem:s31+$0x70];
	(erf) = vpow2.f32 v53  }
0x17a: {  	_ = 	snop  }
0x17b: {  	(xrf2) =	vadd.scan.msk.f32 $0xffff, v52;
	_ =	sdelay $0x1  }
0x17c: {  	v53 =	vmul.f32 v24, v5;
	v47 =	vadd.f32 v47, v44;
	_ =	sdelay $0x1  }
0x17d: {  	v47 =	vadd.f32 v47, v53  }
0x17e: {  	v51 =	vadd.f32 $0.0e+00, v51  }
0x17f: {  	v63 =	vmul.f32 $2.000000030e-01, v47;
	v56, _, _ =	vpop (xrf2)  }
0x180: {  	(xrf2) =	vadd.scan.msk.f32 $0xffff, v51;
	v51 =	vmul.f32 $1.442695020e+00, v56  }
0x181: {  	v50 =	vbroadcast v50, $0xF;
	v47 =	vmax.f32 v47, v63  }
0x182: {  	v47 =	vmul.f32 v47, v1;
	v57 =	vbroadcast v51, $0xF  }
0x183: {  	(erf) = vpow2.f32 v50;
	v58, _, _ =	vpop (xrf2)  }
0x184: {  	v47 =	vadd.f32 $0.0e+00, v47;
	v50 =	vmul.f32 $1.442695020e+00, v58;
	(erf) = vpow2.f32 v57;
	_ =	sdelay $0x1  }
0x185: {  	v54 =	vpop (erf);
	(xrf2) =	vadd.scan.msk.f32 $0xffff, v47  }
0x186: {  	v53 =	vpop (erf)  }
0x187: {  	v59 =	vbroadcast v50, $0xF;
	v50 =	vpop (erf)  }
0x188: {  	v51 =	vpop (erf)  }
0x189: {  	v35 =	vmul.f32 v51, v35  }
0x18a: {  	v60, _, _ =	vpop (xrf2)  }
0x18b: {  	v47 =	vmul.f32 $1.442695020e+00, v60;
	v52 =	vpop (erf);
	[tilespmem:s28+$0xFFFFFFD0] =	vst v35  }
0x18c: {  	(erf) = vpow2.f32 v59;
	v36 =	vmul.f32 v52, v36;
	v56 =	vld [tilespmem:s30+$0xFFFFFFF0];
	v63 =	vpop (erf)  }
0x18d: {  	v61 =	vbroadcast v47, $0xF;
	v47 =	vld [tilespmem:s31+$0xFFFFFFF0];
	[tilespmem:$0x1FFF0] =	vst v63  }
0x18e: {  	[tilespmem:s28+$0x20] =	vst v36  }
0x18f: {  	v62, _, _ =	vpop (xrf2);
	v35 =	vld [tilespmem:s31+$0x30]  }
0x190: {  	v57 =	vmul.f32 $1.442695020e+00, v62  }
0x191: {  	v39 =	vmul.f32 v63, v39  }
0x192: {  	(erf) = vpow2.f32 v61;
	v57 =	vbroadcast v57, $0xF;
	_ =	sdelay $0x1  }
0x193: {  	v58 =	vld [tilespmem:s30+$0x30];
	(erf) = vpow2.f32 v57;
	[tilespmem:$0x1FFE0] =	vst v35  }
0x194: {  	[tilespmem:s14+$0xFFFFFF70] =	vst v39;
	v39 =	vpop (erf)  }
0x195: {  	v43 =	vmul.f32 v39, v43  }
0x196: {  	v11 =	vmul.f32 v11, v7;
	v56 =	vadd.f32 v56, v47;
	v57 =	vld [tilespmem:s4+$0xFFFFFFA0]  }
0x197: {  	v59 =	vld [tilespmem:s0+$0xFFFFFFA0];
	[tilespmem:s14+$0x60] =	vst v43  }
0x198: {  	v11 =	vadd.f32 v56, v11;
	v56 =	vld [tilespmem:s4+$0x60]  }
0x199: {  	v60 =	vmul.f32 v9, v7;
	v58 =	vadd.f32 v58, v35;
	v43 =	vld [tilespmem:s0+$0x60]  }
0x19a: {  	v55 =	vadd.f32 v55, v46;
	v61 =	vmul.f32 $2.000000030e-01, v11;
	v36 =	vpop (erf)  }
0x19b: {  	v62 =	vmul.f32 v18, v6;
	v58 =	vadd.f32 v58, v60;
	v41 =	vmul.f32 v36, v41  }
0x19c: {  	v63 =	vld [tilespmem:s30+$0xFFFFFFB0];
	v60 =	vmul.f32 v23, v6;
	v61 =	vmax.f32 v11, v61;
	v59 =	vadd.f32 v59, v57;
	v35 =	vpop (erf)  }
0x19d: {  	v49 =	vadd.f32 v55, v49;
	v55 =	vmul.f32 v61, v3;
	[tilespmem:s14+$0xFFFFFFC0] =	vst v41;
	v44 =	vmul.f32 v35, v44  }
0x19e: {  	v61 =	vld [tilespmem:s0+$0xFFFFFFE0];
	v41 =	vadd.f32 v59, v62;
	v62 =	vmul.f32 $2.000000030e-01, v58;
	v43 =	vadd.f32 v43, v56  }
0x19f: {  	v59 =	vld [tilespmem:s4+$0xFFFFFFE0];
	[tilespmem:s14+$0x10] =	vst v44  }
0x1a0: {  	v9 =	vmul.f32 $2.000000030e-01, v41;
	v58 =	vmax.f32 v58, v62;
	v62 =	vld [tilespmem:s0+$0x20];
	v43 =	vadd.f32 v43, v60  }
0x1a1: {  	v8 =	vmul.f32 v8, v7;
	v44 =	vadd.f32 $0.0e+00, v55;
	v55 =	vadd.f32 v63, v37;
	v60 =	vld [tilespmem:s4+$0x20]  }
0x1a2: {  	v63 =	vmul.f32 $2.000000030e-01, v49;
	v9 =	vmax.f32 v41, v9;
	v41 =	vmul.f32 $2.000000030e-01, v43  }
0x1a3: {  	v58 =	vmul.f32 v58, v3;
	v8 =	vadd.f32 v55, v8;
	v9 =	vmul.f32 v9, v2  }
0x1a4: {  	v55 =	vmul.f32 v22, v6;
	v61 =	vadd.f32 v61, v59;
	v41 =	vmax.f32 v43, v41  }
0x1a5: {  	v11 =	vmul.f32 $2.000000030e-01, v8;
	v9 =	vadd.f32 $0.0e+00, v9;
	v41 =	vmul.f32 v41, v2  }
0x1a6: {  	v55 =	vadd.f32 v61, v55;
	v61 =	vmul.f32 v24, v6;
	v62 =	vadd.f32 v62, v60  }
0x1a7: {  	(xrf2) =	vadd.scan.msk.f32 $0xffff, v44;
	v8 =	vmax.f32 v8, v11;
	v11 =	vmax.f32 v49, v63;
	v41 =	vadd.f32 $0.0e+00, v41  }
0x1a8: {  	v8 =	vmul.f32 v8, v3;
	(xrf2) =	vadd.scan.msk.f32 $0xffff, v9;
	v9 =	vmul.f32 $2.000000030e-01, v55;
	v62 =	vadd.f32 v62, v61  }
0x1a9: {  	v58 =	vadd.f32 $0.0e+00, v58;
	v63 =	vmul.f32 v11, v3;
	(xrf2) =	vadd.scan.msk.f32 $0xffff, v41  }
0x1aa: {  	v8 =	vadd.f32 $0.0e+00, v8;
	v9 =	vmax.f32 v55, v9;
	v49 =	vmul.f32 $2.000000030e-01, v62  }
0x1ab: {  	v43 =	vadd.f32 $0.0e+00, v63;
	v9 =	vmul.f32 v9, v2;
	(xrf2) =	vadd.scan.msk.f32 $0xffff, v58  }
0x1ac: {  	(xrf2) =	vadd.scan.msk.f32 $0xffff, v8;
	v55 =	vmax.f32 v62, v49  }
0x1ad: {  	v8 =	vadd.f32 $0.0e+00, v9;
	(xrf2) =	vadd.scan.msk.f32 $0xffff, v43;
	v9 =	vmul.f32 v55, v2;
	_ =	sdelay $0x1  }
0x1ae: {  	(xrf2) =	vadd.scan.msk.f32 $0xffff, v8;
	v8 =	vadd.f32 $0.0e+00, v9;
	_ =	sdelay $0x1  }
0x1af: {  	v58, _, _ =	vpop (xrf2)  }
0x1b0: {  	v9 =	vmul.f32 $1.442695020e+00, v58;
	v61, _, _ =	vpop (xrf2);
	(xrf2) =	vadd.scan.msk.f32 $0xffff, v8  }
0x1b1: {  	v41 =	vmul.f32 $1.442695020e+00, v61;
	v8, _, _ =	vpop (xrf2)  }
0x1b2: {  	v9 =	vbroadcast v9, $0xF;
	v8 =	vmul.f32 $1.442695020e+00, v8  }
0x1b3: {  	v41 =	vbroadcast v41, $0xF;
	v62, _, _ =	vpop (xrf2)  }
0x1b4: {  	(erf) = vpow2.f32 v9;
	v63, _, _ =	vpop (xrf2);
	v8 =	vbroadcast v8, $0xF  }
0x1b5: {  	(erf) = vpow2.f32 v41;
	v49 =	vmul.f32 $1.442695020e+00, v62;
	v55, _, _ =	vpop (xrf2)  }
0x1b6: {  	(erf) = vpow2.f32 v8;
	v8 =	vmul.f32 $1.442695020e+00, v55  }
0x1b7: {  	v9 =	vmul.f32 $1.442695020e+00, v63;
	v41 =	vbroadcast v49, $0xF;
	v58, _, _ =	vpop (xrf2)  }
0x1b8: {  	v43 =	vmul.f32 $1.442695020e+00, v58;
	v8 =	vbroadcast v8, $0xF  }
0x1b9: {  	v9 =	vbroadcast v9, $0xF;
	(erf) = vpow2.f32 v41  }
0x1ba: {  	v61, _, _ =	vpop (xrf2);
	(erf) = vpow2.f32 v8;
	v8 =	vbroadcast v43, $0xF  }
0x1bb: {  	v62 =	vmul.f32 $1.442695020e+00, v61;
	(erf) = vpow2.f32 v9  }
0x1bc: {  	(erf) = vpow2.f32 v8  }
0x1bd: {  	v8 =	vbroadcast v62, $0xF;
	_ =	sdelay $0x1  }
0x1be: {  	v9 =	vpop (erf);
	(erf) = vpow2.f32 v8  }
0x1bf: {  	v11 =	vpop (erf)  }
0x1c0: {  	v43 =	vpop (erf)  }
0x1c1: {  	v49 =	vpop (erf)  }
0x1c2: {  	v55 =	vpop (erf)  }
0x1c3: {  	v58 =	vpop (erf)  }
0x1c4: {  	v63 =	vmul.f32 v11, v57;
	v57 =	vpop (erf)  }
0x1c5: {  	v61 =	vmul.f32 v57, v59  }
0x1c6: {  	[tilespmem:s14+$0xFFFFFF80] =	vst v63  }
0x1c7: {  	v41 =	vld [tilespmem:s4+$0xFFFFFFB0];
	v56 =	vmul.f32 v43, v56;
	v59 =	vpop (erf);
	[tilespmem:s14+$0xFFFFFFD0] =	vst v61  }
0x1c8: {  	v44 =	vmul.f32 v59, v60;
	v61 =	vld [tilespmem:s0+$0xFFFFFFF0]  }
0x1c9: {  	[tilespmem:s14+$0x70] =	vst v56;
	v56 =	vld [tilespmem:s4+$0xFFFFFFF0]  }
0x1ca: {  	v8 =	vld [tilespmem:s0+$0xFFFFFFB0];
	[tilespmem:s14+$0x20] =	vst v44  }
0x1cb: {  	v62 =	vld [tilespmem:s0+$0x30]  }
0x1cc: {  	v63 =	vld [tilespmem:s4+$0x30]  }
0x1cd: {  	v60 =	vld [tilespmem:s0+$0x70]  }
0x1ce: {  	v22 =	vmul.f32 v22, v7;
	v44 =	vld [tilespmem:s4+$0x70];
	v61 =	vadd.f32 v61, v56;
	_ =	sdelay $0x1  }
0x1cf: {  	v22 =	vadd.f32 v61, v22  }
0x1d0: {  	v24 =	vmul.f32 v24, v7;
	v61 =	vadd.f32 v62, v63  }
0x1d1: {  	v18 =	vmul.f32 v18, v7;
	v8 =	vadd.f32 v8, v41;
	v62 =	vmul.f32 $2.000000030e-01, v22  }
0x1d2: {  	v23 =	vmul.f32 v23, v7;
	v60 =	vadd.f32 v60, v44;
	v24 =	vadd.f32 v61, v24  }
0x1d3: {  	v8 =	vadd.f32 v8, v18;
	v22 =	vmax.f32 v22, v62  }
0x1d4: {  	v18 =	vadd.f32 v60, v23;
	v23 =	vmul.f32 $2.000000030e-01, v24;
	v22 =	vmul.f32 v22, v3  }
0x1d5: {  	v60 =	vmul.f32 $2.000000030e-01, v8  }
0x1d6: {  	v62 =	vmul.f32 $2.000000030e-01, v18;
	v23 =	vmax.f32 v24, v23;
	v22 =	vadd.f32 $0.0e+00, v22  }
0x1d7: {  	v8 =	vmax.f32 v8, v60;
	v23 =	vmul.f32 v23, v3  }
0x1d8: {  	v8 =	vmul.f32 v8, v3;
	v18 =	vmax.f32 v18, v62;
	(xrf2) =	vadd.scan.msk.f32 $0xffff, v22  }
0x1d9: {  	v13 =	vadd.f32 v14, v13;
	v18 =	vmul.f32 v18, v3;
	v24 =	vadd.f32 $0.0e+00, v23  }
0x1da: {  	v17 =	vadd.f32 $0.0e+00, v17;
	v8 =	vadd.f32 $0.0e+00, v8  }
0x1db: {  	v16 =	vadd.f32 $0.0e+00, v16;
	v18 =	vadd.f32 $0.0e+00, v18;
	(xrf2) =	vadd.scan.msk.f32 $0xffff, v24  }
0x1dc: {  	v20 =	vadd.f32 $0.0e+00, v20;
	v12 =	vadd.f32 v32, v12;
	(xrf2) =	vadd.scan.msk.f32 $0xffff, v8  }
0x1dd: {  	v13 =	vadd.f32 v19, v13;
	v19 =	vnsel vm0, $0x0, v40;
	v17 =	vadd.f32 v26, v17;
	(xrf2) =	vadd.scan.msk.f32 $0xffff, v18  }
0x1de: {  	v16 =	vadd.f32 v33, v16;
	v12 =	vadd.f32 v45, v12;
	v60 =	vsel vm3, $0x0, v53  }
0x1df: {  	v10 =	vmul.f32 v53, v10;
	v40 =	vsel vm2, $0x0, v52;
	v13 =	vadd.f32 v60, v13  }
0x1e0: {  	v52 =	vmul.f32 v9, v47;
	v8 =	vadd.f32 v31, v48;
	v48 =	vadd.f32 v15, v42  }
0x1e1: {  	[tilespmem:s26+$0x80] =	vst v10;
	v60 =	vadd.f32 v29, v20;
	v15 =	vmul.f32 v54, v30;
	v54 =	vsel vm3, $0x0, v54  }
0x1e2: {  	v61 =	vsel vm3, $0x0, v50;
	[tilespmem:s26+$0x90] =	vst v13;
	v8 =	vadd.f32 v54, v8;
	v14 =	vadd.f32 v21, v48;
	v31, _, _ =	vpop (xrf2)  }
0x1e3: {  	v62 =	vsel vm2, $0x0, v51;
	v21 =	vmul.f32 v50, v25;
	[tilespmem:s26+$0x30] =	vst v15;
	v18 =	vmul.f32 $1.442695020e+00, v31  }
0x1e4: {  	v51 =	vadd.f32 v62, v17;
	v42 =	vsel vm1, $0x0, v36;
	v14 =	vadd.f32 v61, v14;
	[tilespmem:s26+$0x40] =	vst v8  }
0x1e5: {  	v36 =	vadd.f32 v38, v16;
	v38 =	vmul.f32 v58, v37;
	[tilespmem:s26+$0xFFFFFF90] =	vst v21;
	v50, _, _ =	vpop (xrf2);
	v18 =	vbroadcast v18, $0xF  }
0x1e6: {  	v48 =	vsel vm1, $0x0, v35;
	v8 =	vsel vm3, $0x0, v9;
	[tilespmem:s26+$0xFFFFFFA0] =	vst v14;
	v53 =	vmul.f32 $1.442695020e+00, v50;
	v54, _, _ =	vpop (xrf2)  }
0x1e7: {  	v35 =	vsel vm3, $0x0, v55;
	v8 =	vadd.f32 v8, v51;
	v13 =	vld [tilespmem:$0x1FFE0];
	v61, _, _ =	vpop (xrf2);
	(erf) = vpow2.f32 v18  }
0x1e8: {  	v9 =	vadd.f32 v40, v60;
	[tilespmem:s28+$0xFFFFFFE0] =	vst v52;
	v62 =	vbroadcast v53, $0xF;
	v22 =	vmul.f32 $1.442695020e+00, v61  }
0x1e9: {  	[tilespmem:s28+$0xFFFFFFF0] =	vst v8;
	v8 =	vmul.f32 v55, v46;
	v31 =	vsel vm3, $0x0, v49;
	v26 =	vmul.f32 $1.442695020e+00, v54  }
0x1ea: {  	[tilespmem:s28+$0xFFFFFF90] =	vst v38;
	v9 =	vadd.f32 v31, v9;
	(erf) = vpow2.f32 v62;
	v29 =	vbroadcast v22, $0xF  }
0x1eb: {  	[tilespmem:s28+$0x80] =	vst v8;
	v8 =	vadd.f32 v35, v12;
	v32 =	vbroadcast v26, $0xF  }
0x1ec: {  	v33 =	vadd.f32 $0.0e+00, v27;
	[tilespmem:s28+$0x40] =	vst v9;
	v13 =	vmul.f32 v49, v13;
	(erf) = vpow2.f32 v29  }
0x1ed: {  	v40 =	vadd.f32 $0.0e+00, v19;
	[tilespmem:s28+$0x90] =	vst v8;
	(erf) = vpow2.f32 v32  }
0x1ee: {  	v10 =	vadd.f32 v42, v33;
	[tilespmem:s28+$0x30] =	vst v13  }
0x1ef: {  	v45 =	vsel vm2, $0x0, v59;
	v42 =	vsel vm2, $0x0, v57;
	v47 =	vadd.f32 v48, v40;
	v49 =	vld [tilespmem:$0x1FFF0]  }
0x1f0: {  	v24 =	vsel vm1, $0x0, v39;
	v39 =	vsel vm3, $0x0, v58;
	v10 =	vadd.f32 v42, v10  }
0x1f1: {  	v51 =	vadd.f32 v45, v47;
	v9 =	vadd.f32 v39, v36;
	v46 =	vpop (erf)  }
0x1f2: {  	v8 =	vadd.f32 $0.0e+00, v28;
	v48 =	vmul.f32 v46, v56;
	v12 =	vsel vm3, $0x0, v46  }
0x1f3: {  	v54 =	vadd.f32 v24, v34;
	[tilespmem:s28+$0xFFFFFFA0] =	vst v9;
	v50 =	vadd.f32 v12, v10;
	v52 =	vpop (erf)  }
0x1f4: {  	v16 =	vsel vm1, $0x0, v49;
	[tilespmem:s14+$0xFFFFFFE0] =	vst v48;
	v53 =	vmul.f32 v52, v63;
	v12 =	vsel vm3, $0x0, v52  }
0x1f5: {  	v55 =	vsel vm2, $0x0, v43;
	v8 =	vadd.f32 v16, v8;
	[tilespmem:s14+$0xFFFFFFF0] =	vst v50;
	v56 =	vadd.f32 v12, v51;
	v57 =	vpop (erf)  }
0x1f6: {  	v11 =	vsel vm2, $0x0, v11;
	v58 =	vadd.f32 v55, v54;
	[tilespmem:s14+$0x30] =	vst v53;
	v59 =	vmul.f32 v57, v44;
	v60 =	vpop (erf)  }
0x1f7: {  	v8 =	vadd.f32 v11, v8;
	v61 =	vsel vm3, $0x0, v57;
	[tilespmem:s14+$0x40] =	vst v56;
	v62 =	vmul.f32 v60, v41  }
0x1f8: {  	v9 =	vadd.f32 v61, v58;
	v63 =	vsel vm3, $0x0, v60;
	[tilespmem:s14+$0x80] =	vst v59  }
0x1f9: {  	v8 =	vadd.f32 v63, v8;
	[tilespmem:s14+$0xFFFFFF90] =	vst v62  }
0x1fa: {  	s0 =	sshll.u32 @p1 s16, $0x7;
	[tilespmem:s14+$0x90] =	vst v9  }
0x1fb: {  	s3 =	simm.s32 @p1 $0x80;
	s4 =	simm.s32 @p1 $0x8320;
	s0 =	sadd.s32 @p1 $0x80, s0;
	[tilespmem:s14+$0xFFFFFFA0] =	vst v8  }
0x1fc: {  	[spmem:s2] =	stream.indirect.scatter.add.f32 @p1 [tilespmem:s4], [sflag:$0x3], $0x50, s0, s3, $0xb8;
	[tilespmem:$0x19BA0] =	vst v63  }
.Ltmp6:
0x1fd: {  	_ = 	snop;
	(pc) =	sbr.rel @!p2 .LBB2_6-.Ltmp6, $4  }
.Ltmp7:
0x1fe: {  	p1 =	sne.s32 s25, $0x0;
	(pc) =	sbr.rel @p2 .LBB2_7-.Ltmp7, $4  }
0x1ff: {  	s0 =	sshll.u32 @!p1 s16, $0x7  }
0x200: {  	s3 =	simm.s32 @!p1 $0x80;
	s4 =	simm.s32 @!p1 $0xAB20;
	s0 =	sadd.s32 @!p1 $0x80, s0  }
0x201: {  	[spmem:s2] =	stream.indirect.scatter.add.f32 @!p1 [tilespmem:s4], [sflag:$0x4], $0x50, s0, s3, $0xb8;
	[tilespmem:$0x19BA0] =	vst v63  }
0x202: {  	_ = 	snop  }
.LBB2_8:
0x203: {  	_ =	sfence.sel $0x180000  }
0x204: {  	[bflag:$0x0] =	sbarrier.arrive $0xFFFF  }
0x205: {  	_ =	strace $0x90000047  }
0x206: {  	s0 =	stileid.u32;
	[bflag:$0x2] =	sbarrier.arrive $0xFFFF  }
0x207: {  	p0 =	sne.s32 s0, $0x0;
	s0 =	rddreg [dreg:$0x4]  }
0x208: {  	s0 =	sadd.s32 @!p0 $0x100000, s0  }
0x209: {  	[sflag:s0] =	ssyncadd.tile.s32 @!p0 $0x1;
	_ =	shalt  }
.Lfunc_end2:
_tile_overlayer_lowered:
.L_overlay_start_2:
0x20a: {  	(tag) =	ssettag $0x2  }
0x20b: {  	s0 =	rddreg [dreg:$0x0];
	s2 =	stileid.u32  }
0x20c: {  	s1 =	rddreg [dreg:$0x1];
	p0 =	sne.s32 s2, $0x0  }
0x20d: {  	s3 =	rddreg [dreg:$0x2];
	[bflag:$0x3] =	sbarrier.arrive $0xFFFF;
	s2 =	simm.s32 @!p0 $0x1C05  }
0x20e: {  	[timem:s3], [sflag:s2] =	dma.local @!p0 [hbm:s0], s1  }
0x20f: {  	s0 =	simm.s32 @!p0 $0x5  }
0x210: {  	_ =	swait.ge @!p0 [sflag:s0], s1  }
0x211: {  	s1 =	ssub.s32 @!p0 $0x0, s1;
	[sflag:s0] =	ssyncset.done @!p0 $0x0  }
0x212: {  	[sflag:s0] =	ssyncadd.s32 @!p0 s1  }
0x213: {  	[bflag:$0x3] =	sbarrier.arrive $0xFFFF  }
0x214: {  	_ =	shalt  }

</sc_bundles>
